<compile_context>
chip_gen: v7x
topology: tpu7x:2x2x1
jax: 0.10.2.dev20260603
libtpu: 0.0.44.dev20260713+nightly
codegen_flags: <defaults>
</compile_context>

<pallas_src>
import functools

import jax
import jax.numpy as jnp
from jax import lax
from jax.experimental import pallas as pl
from jax.experimental.pallas import tpu as pltpu
from jax.experimental.pallas import tpu_sc as plsc

N = 50000
E = 800000
C = 10
M = 32
NG = 8
F = C * NG
FH = F // 2

NSC = 2
NSUB = 16

N_PAD = 50048
ROWS_PER_TILE = N_PAD // NSUB
ZCHUNK = 46
NZ = ROWS_PER_TILE // ZCHUNK

EW = 50
EROWS = E // EW
ROWS_PER_SUB = EROWS // NSUB
IB = 10
NOUTER = ROWS_PER_SUB // IB

EWB = 125
BROWS = E // EWB
BROWS_PER_W = BROWS // (NSC * NSUB)
IBB = 8
NOUTERB = BROWS_PER_W // IBB
CZ = 136
NCZ = ROWS_PER_TILE // CZ


def _sum_body(t0_hbm, t1_hbm, src_hbm, dst_hbm, z_hbm,
              out0_hbm, out1_hbm, srcv, dstv, rows0, rows1, acc,
              gsem0, gsem1, ssem0, ssem1):
    c = lax.axis_index("c")
    s = lax.axis_index("s")
    row0 = s * ROWS_PER_TILE

    pltpu.sync_copy(z_hbm, rows0.at[pl.ds(0, ZCHUNK), :])

    def _zero(k, _):
        pltpu.sync_copy(rows0.at[pl.ds(0, ZCHUNK), :],
                        acc.at[pl.ds(row0 + k * ZCHUNK, ZCHUNK), :])
        return 0

    lax.fori_loop(0, NZ, _zero, 0)
    plsc.subcore_barrier()

    erow0 = s * ROWS_PER_SUB
    bufs = (rows0, rows1)
    gsems = (gsem0, gsem1)
    ssems = (ssem0, ssem1)

    def _main(table_hbm):
        def outer(ob, _):
            r0 = erow0 + ob * IB
            pltpu.sync_copy(src_hbm.at[pl.ds(r0, IB), :], srcv)
            pltpu.sync_copy(dst_hbm.at[pl.ds(r0, IB), :], dstv)

            gd = [None, None]
            sd = [None, None]
            for k in range(IB):
                b = k % 2
                if sd[b] is not None:
                    sd[b].wait()
                    sd[b] = None
                gd[b] = pltpu.async_copy(table_hbm.at[dstv.at[k]],
                                         bufs[b], gsems[b])
                if k > 0:
                    pb = (k - 1) % 2
                    gd[pb].wait()
                    sd[pb] = pltpu.async_copy(bufs[pb],
                                              acc.at[srcv.at[k - 1]],
                                              ssems[pb], add=True)
            lb = (IB - 1) % 2
            gd[lb].wait()
            sd[lb] = pltpu.async_copy(bufs[lb], acc.at[srcv.at[IB - 1]],
                                      ssems[lb], add=True)
            sd[1 - lb].wait()
            sd[lb].wait()
            return 0

        lax.fori_loop(0, NOUTER, outer, 0)

    @pl.when(c == 0)
    def _():
        _main(t0_hbm)

    @pl.when(c == 1)
    def _():
        _main(t1_hbm)

    plsc.subcore_barrier()

    def _wout(out_hbm):
        def _w(k, _):
            r = row0 + k * ZCHUNK
            pltpu.sync_copy(acc.at[pl.ds(r, ZCHUNK), :],
                            rows0.at[pl.ds(0, ZCHUNK), :])
            pltpu.sync_copy(rows0.at[pl.ds(0, ZCHUNK), :],
                            out_hbm.at[pl.ds(r, ZCHUNK), :])
            return 0
        lax.fori_loop(0, NZ, _w, 0)

    @pl.when(c == 0)
    def _():
        _wout(out0_hbm)

    @pl.when(c == 1)
    def _():
        _wout(out1_hbm)


@functools.partial(
    pl.kernel,
    out_type=(
        jax.ShapeDtypeStruct((N_PAD, FH), jnp.float32),
        jax.ShapeDtypeStruct((N_PAD, FH), jnp.float32),
    ),
    mesh=plsc.VectorSubcoreMesh(core_axis_name="c", subcore_axis_name="s"),
    compiler_params=pltpu.CompilerParams(use_tc_tiling_on_sc=False),
    scratch_types=(
        pltpu.VMEM((IB, EW), jnp.int32),
        pltpu.VMEM((IB, EW), jnp.int32),
        pltpu.VMEM((EW, FH), jnp.float32),
        pltpu.VMEM((EW, FH), jnp.float32),
        pltpu.VMEM_SHARED((N_PAD, FH), jnp.float32),
        pltpu.SemaphoreType.DMA,
        pltpu.SemaphoreType.DMA,
        pltpu.SemaphoreType.DMA,
        pltpu.SemaphoreType.DMA,
    ),
)
def _sc_sums(*refs):
    _sum_body(*refs)


TCH = 125
TROWS = N // NSUB
NTCH = TROWS // TCH


def _cnt_body(src_hbm, ph_hbm, cz_hbm, out_hbm, t0_hbm, t1_hbm,
              srcv, onesv, cbuf, tbuf, cnt):
    c = lax.axis_index("c")
    s = lax.axis_index("s")
    w = c * NSUB + s

    def _split(t_hbm, co):
        def _t(k, _):
            r = s * TROWS + k * TCH
            pltpu.sync_copy(ph_hbm.at[pl.ds(r, TCH), pl.ds(co, FH)], tbuf)
            pltpu.sync_copy(tbuf, t_hbm.at[pl.ds(r, TCH), :])
            return 0
        lax.fori_loop(0, NTCH, _t, 0)

    @pl.when(c == 0)
    def _():
        _split(t0_hbm, 0)

    @pl.when(c == 1)
    def _():
        _split(t1_hbm, FH)

    pltpu.sync_copy(cz_hbm, cbuf)
    row_base = s * ROWS_PER_TILE

    def _zero(k, _):
        pltpu.sync_copy(cbuf, cnt.at[pl.ds(row_base + k * CZ, CZ)])
        return 0

    lax.fori_loop(0, NCZ, _zero, 0)

    for i in range(8):
        onesv[pl.ds(i * 16, 16)] = jnp.ones((16,), jnp.float32)

    plsc.subcore_barrier()

    brow0 = w * BROWS_PER_W

    def outer(ob, _):
        pltpu.sync_copy(src_hbm.at[pl.ds(brow0 + ob * IBB, IBB), :], srcv)

        def inner(j, _):
            pltpu.sync_copy(onesv.at[pl.ds(0, EWB)],
                            cnt.at[srcv.at[j]], add=True)
            return 0

        lax.fori_loop(0, IBB, inner, 0)
        return 0

    lax.fori_loop(0, NOUTERB, outer, 0)
    plsc.subcore_barrier()

    def _w(k, _):
        r = row_base + k * CZ
        pltpu.sync_copy(cnt.at[pl.ds(r, CZ)], cbuf)
        pltpu.sync_copy(cbuf, out_hbm.at[c, pl.ds(r, CZ)])
        return 0

    lax.fori_loop(0, NCZ, _w, 0)


@functools.partial(
    pl.kernel,
    out_type=(
        jax.ShapeDtypeStruct((NSC, N_PAD), jnp.float32),
        jax.ShapeDtypeStruct((N, FH), jnp.float32),
        jax.ShapeDtypeStruct((N, FH), jnp.float32),
    ),
    mesh=plsc.VectorSubcoreMesh(core_axis_name="c", subcore_axis_name="s"),
    compiler_params=pltpu.CompilerParams(use_tc_tiling_on_sc=False),
    scratch_types=(
        pltpu.VMEM((IBB, EWB), jnp.int32),
        pltpu.VMEM((128,), jnp.float32),
        pltpu.VMEM((CZ,), jnp.float32),
        pltpu.VMEM((TCH, FH), jnp.float32),
        pltpu.VMEM_SHARED((N_PAD,), jnp.float32),
    ),
)
def _sc_counts(*refs):
    _cnt_body(*refs)


BLK = 2000
GRID = N // BLK


def _tc_body(s0_ref, s1_ref, cnt_ref, x_ref, q_ref, b_ref, lik_ref, post_ref,
             gm_ref, smb_ref, r_ref):
    f32 = jnp.float32

    @pl.when(pl.program_id(0) == 0)
    def _():
        q = q_ref[...]
        q = q - jnp.max(q, axis=0, keepdims=True)
        eq = jnp.exp(q)
        smq = eq / jnp.sum(eq, axis=0, keepdims=True)

        b = b_ref[...]
        b = b - jnp.max(b, axis=0, keepdims=True)
        eb = jnp.exp(b)
        smb_ref[...] = eb / jnp.sum(eb, axis=0, keepdims=True)

        kt = (lax.broadcasted_iota(jnp.int32, (F, C), 1)
              == lax.broadcasted_iota(jnp.int32, (F, C), 0) // NG).astype(f32)
        g = jnp.dot(kt, smq, preferred_element_type=f32)
        gm_ref[...] = g * (
            lax.broadcasted_iota(jnp.int32, (F, F), 0) % NG
            == lax.broadcasted_iota(jnp.int32, (F, F), 1) % NG).astype(f32)

        r_ref[...] = (lax.broadcasted_iota(jnp.int32, (F, NG), 0) % NG
                      == lax.broadcasted_iota(jnp.int32, (F, NG), 1)
                      ).astype(f32)

    counts = cnt_ref[..., 0:1] + cnt_ref[..., 1:2]
    inv = 1.0 / jnp.maximum(counts, 1.0)
    aggr = jnp.concatenate([s0_ref[...], s1_ref[...]], axis=1) * inv

    t = lax.dot_general(aggr, gm_ref[...], (((1,), (1,)), ((), ())),
                        precision=lax.Precision.HIGHEST,
                        preferred_element_type=f32)

    onehot = (x_ref[...] == lax.broadcasted_iota(jnp.int32, (BLK, M), 1)
              ).astype(f32)
    bn = jnp.dot(onehot, smb_ref[...], precision=lax.Precision.HIGHEST,
                 preferred_element_type=f32)

    u = bn * t
    ssum = jnp.dot(u, r_ref[...], precision=lax.Precision.HIGHEST,
                   preferred_element_type=f32) + (C * C * 1e-8)
    sb = lax.dot_general(ssum, r_ref[...], (((1,), (1,)), ((), ())),
                         precision=lax.Precision.HIGHEST,
                         preferred_element_type=f32)
    post_ref[...] = (u + C * 1e-8) / sb
    lik_ref[...] = jnp.log(ssum)


_tc_post = pl.pallas_call(
    _tc_body,
    grid=(GRID,),
    in_specs=[
        pl.BlockSpec((BLK, FH), lambda i: (i, 0)),
        pl.BlockSpec((BLK, FH), lambda i: (i, 0)),
        pl.BlockSpec((BLK, NSC), lambda i: (i, 0)),
        pl.BlockSpec((BLK, 1), lambda i: (i, 0)),
        pl.BlockSpec((C, F), lambda i: (0, 0)),
        pl.BlockSpec((M, F), lambda i: (0, 0)),
    ],
    out_specs=[
        pl.BlockSpec((BLK, NG), lambda i: (i, 0)),
        pl.BlockSpec((BLK, F), lambda i: (i, 0)),
    ],
    out_shape=[
        jax.ShapeDtypeStruct((N, NG), jnp.float32),
        jax.ShapeDtypeStruct((N, F), jnp.float32),
    ],
    scratch_shapes=[
        pltpu.VMEM((F, F), jnp.float32),
        pltpu.VMEM((M, F), jnp.float32),
        pltpu.VMEM((F, NG), jnp.float32),
    ],
)


def kernel(x, prev_h, edge_index, Q_neigh, B):
    ph = prev_h.reshape(N, F)
    src = edge_index[0].astype(jnp.int32)
    dst = edge_index[1].astype(jnp.int32)
    z = jnp.zeros((ZCHUNK, FH), jnp.float32)
    cz = jnp.zeros((CZ,), jnp.float32)

    cnts, t0, t1 = _sc_counts(src.reshape(BROWS, EWB), ph, cz)
    sums0, sums1 = _sc_sums(t0, t1, src.reshape(EROWS, EW),
                            dst.reshape(EROWS, EW), z)

    x2d = x.astype(jnp.int32).reshape(N, 1)
    q2 = Q_neigh.reshape(C, F)
    bt = B.transpose(1, 0, 2).reshape(M, F)

    lik, post = _tc_post(sums0, sums1, cnts.T, x2d, q2, bt)
    return lik, post.reshape(N, C, NG)

# --- scband reference (transcript-rebuilt; emitter-appended) ---
"""Pipeline reference for scband-cgmmlayer-12781822672961 (READ-ONLY COPY).

The authoritative reference and input builder live on the scoring server;
editing this copy changes nothing except your own understanding.
"""

import jax, jax.numpy as jnp
import numpy as np

N = 50000
E = 800000
C = 10
M = 32
NG = 8


def setup_inputs(seed: int = 0) -> dict:
    key = jax.random.key(seed)
    k1, k2, k3, k4, k5 = jax.random.split(key, 5)
    x = jax.random.randint(k1, (N,), 0, M)
    prev_h = jax.random.uniform(k2, (N, C, NG), dtype=jnp.float32)
    edge_index = jax.random.randint(k3, (2, E), 0, N)
    # learned parameters, init per module: normal std=1.25
    Q_neigh = jax.random.normal(k4, (C, C, NG), dtype=jnp.float32) * 1.25
    B = jax.random.normal(k5, (C, M, NG), dtype=jnp.float32) * 1.25
    return {"x": x, "prev_h": prev_h, "edge_index": edge_index, "Q_neigh": Q_neigh, "B": B}


def reference(x, prev_h, edge_index, Q_neigh, B):
    # softmax reparameterization: for each generator j, softmax over dim 0 of
    # Q_neigh[:, :, j] and over dim 1 of B[:, :, j] -> axis-wise softmax on full tensor
    sm_Q_neigh = jax.nn.softmax(Q_neigh, axis=0)  # [C, C, NG]
    sm_B = jax.nn.softmax(B, axis=1)              # [C, M, NG]

    src = edge_index[0]
    dst = edge_index[1]

    # gather neighbor states: prev_h[edge_index[1]] -> [E, C, NG]
    prev_h_neigh = jnp.take(prev_h, dst, axis=0)

    # scatter(..., edge_index[0], reduce='mean') -> [N, C, NG]
    sums = jax.ops.segment_sum(prev_h_neigh, src, num_segments=N)
    counts = jax.ops.segment_sum(jnp.ones((E,), dtype=jnp.float32), src, num_segments=N)
    prev_h_neigh_aggr = sums / jnp.clip(counts, 1.0)[:, None, None]

    # B_nodes = B[:, x].permute(1, 0, 2).unsqueeze(2) -> [N, C, 1, NG]
    B_nodes = jnp.transpose(jnp.take(sm_B, x, axis=1), (1, 0, 2))[:, :, None, :]

    # prev_h_neigh_aggr.unsqueeze(1) -> [N, 1, C, NG]
    aggr = prev_h_neigh_aggr[:, None, :, :]

    unnorm_posterior = B_nodes * (sm_Q_neigh[None, :, :, :] * aggr) + 1e-08  # [N, C, C, NG]
    posterior_il = unnorm_posterior / unnorm_posterior.sum(axis=(1, 2), keepdims=True)
    posterior_i = posterior_il.sum(axis=2)  # [N, C, NG]

    likelihood = jnp.log(unnorm_posterior.sum(axis=(1, 2)))  # [N, NG]
    return (likelihood, posterior_i)


if False:  # reference __main__ guard neutralized (emitter)
    out = reference(**setup_inputs())
    print(out[0].shape, out[1].shape)

if __name__ == "__main__":
    import jax
    _d = setup_inputs()
    print(jax.jit(kernel)(*tuple(_d.values())))

</pallas_src>

<mosaic_0001>
#map = affine_map<(d0, d1) -> (0, 0)>
module attributes {stable_mosaic.version = 14 : i64} {
  func.func @_sc_sums(%arg0: i32, %arg1: i32, %arg2: memref<50000x40xf32, #tpu.memory_space<hbm>>, %arg3: memref<50000x40xf32, #tpu.memory_space<hbm>>, %arg4: memref<16000x50xi32, #tpu.memory_space<hbm>>, %arg5: memref<16000x50xi32, #tpu.memory_space<hbm>>, %arg6: memref<46x40xf32, #tpu.memory_space<hbm>>, %arg7: memref<50048x40xf32, #tpu.memory_space<hbm>>, %arg8: memref<50048x40xf32, #tpu.memory_space<hbm>>, %arg9: memref<10x50xi32, #tpu.memory_space<vmem>>, %arg10: memref<10x50xi32, #tpu.memory_space<vmem>>, %arg11: memref<50x40xf32, #tpu.memory_space<vmem>>, %arg12: memref<50x40xf32, #tpu.memory_space<vmem>>, %arg13: memref<50048x40xf32, #tpu.memory_space<vmem_shared>>, %arg14: memref<!tpu.dma_semaphore, #tpu.memory_space<semaphore_mem>>, %arg15: memref<!tpu.dma_semaphore, #tpu.memory_space<semaphore_mem>>, %arg16: memref<!tpu.dma_semaphore, #tpu.memory_space<semaphore_mem>>, %arg17: memref<!tpu.dma_semaphore, #tpu.memory_space<semaphore_mem>>) attributes {dimension_semantics = [#tpu.dimension_semantics<core_parallel>, #tpu.dimension_semantics<subcore_parallel>], iteration_bounds = array<i64: 2, 16>, scalar_prefetch = 0 : i64, scratch_operands = 9 : i64, tpu.core_type = #tpu.core_type<sc_vector_subcore>, window_params = [{transform_indices = #map}, {transform_indices = #map}, {transform_indices = #map}, {transform_indices = #map}, {transform_indices = #map}, {transform_indices = #map}, {transform_indices = #map}]} {
    %mul3A = arith.constant 3128 : i32
    %mul3A_0 = arith.muli %arg1, %mul3A : i32
    "tpu.region"() ({
      %run_scoped3A = tpu.sem_alloc : memref<!tpu.dma_semaphore, #tpu.memory_space<semaphore_mem>>
      %dma_start3A = arith.constant 0 : i32
      %dma_start3A_27 = arith.constant 0 : i32
      %dma_start3A_28 = tpu.memref_slice %arg11[%dma_start3A, %dma_start3A_27] : memref<50x40xf32, #tpu.memory_space<vmem>> -> memref<46x40xf32, #tpu.memory_space<vmem>>
      %dma_start3A_29 = arith.constant 0 : i32
      %dma_start3A_30 = arith.constant 0 : i32
      %dma_start3A_31 = tpu.memref_slice %arg11[%dma_start3A_29, %dma_start3A_30] : memref<50x40xf32, #tpu.memory_space<vmem>> -> memref<46x40xf32, #tpu.memory_space<vmem>>
      tpu.enqueue_dma source(%arg6 : memref<46x40xf32, #tpu.memory_space<hbm>>) target(%dma_start3A_31 : memref<46x40xf32, #tpu.memory_space<vmem>>) target_semaphore(%run_scoped3A : memref<!tpu.dma_semaphore, #tpu.memory_space<semaphore_mem>>)
      %dma_wait3A = arith.constant 0 : i32
      %dma_wait3A_32 = arith.constant 0 : i32
      %dma_wait3A_33 = tpu.memref_slice %arg11[%dma_wait3A, %dma_wait3A_32] : memref<50x40xf32, #tpu.memory_space<vmem>> -> memref<46x40xf32, #tpu.memory_space<vmem>>
      %dma_wait3A_34 = arith.constant 0 : i32
      %dma_wait3A_35 = arith.constant 0 : i32
      %dma_wait3A_36 = tpu.memref_slice %arg11[%dma_wait3A_34, %dma_wait3A_35] : memref<50x40xf32, #tpu.memory_space<vmem>> -> memref<46x40xf32, #tpu.memory_space<vmem>>
      tpu.wait_dma2 semaphore(%run_scoped3A : memref<!tpu.dma_semaphore, #tpu.memory_space<semaphore_mem>>) src(%arg6 : memref<46x40xf32, #tpu.memory_space<hbm>>) dst(%dma_wait3A_36 : memref<46x40xf32, #tpu.memory_space<vmem>>)
      tpu.yield
    }) : () -> ()
    %scan3A = arith.constant 0 : i32
    %scan3A_1 = arith.constant 0 : i32
    %scan3A_2 = arith.constant 68 : i32
    %scan3A_3 = arith.addi %scan3A_1, %scan3A_2 : i32
    %scan3A_4 = arith.constant 1 : i32
    %scan3A_5 = scf.for %scan3A_27 = %scan3A_1 to %scan3A_3 step %scan3A_4 iter_args(%scan3A_28 = %scan3A) -> (i32)  : i32 {
      %mul3A_29 = arith.constant 46 : i32
      %mul3A_30 = arith.muli %scan3A_27, %mul3A_29 : i32
      %add3A = arith.addi %mul3A_0, %mul3A_30 : i32
      "tpu.region"() ({
        %run_scoped3A = tpu.sem_alloc : memref<!tpu.dma_semaphore, #tpu.memory_space<semaphore_mem>>
        %dma_start3A = arith.constant 0 : i32
        %dma_start3A_32 = arith.constant 0 : i32
        %dma_start3A_33 = tpu.memref_slice %arg11[%dma_start3A, %dma_start3A_32] : memref<50x40xf32, #tpu.memory_space<vmem>> -> memref<46x40xf32, #tpu.memory_space<vmem>>
        %dma_start3A_34 = arith.constant 0 : i32
        %dma_start3A_35 = tpu.memref_slice %arg13[%add3A, %dma_start3A_34] : memref<50048x40xf32, #tpu.memory_space<vmem_shared>> -> memref<46x40xf32, #tpu.memory_space<vmem_shared>>
        %dma_start3A_36 = arith.constant 0 : i32
        %dma_start3A_37 = tpu.memref_slice %arg13[%add3A, %dma_start3A_36] : memref<50048x40xf32, #tpu.memory_space<vmem_shared>> -> memref<46x40xf32, #tpu.memory_space<vmem_shared>>
        %dma_start3A_38 = arith.constant 0 : i32
        %dma_start3A_39 = arith.constant 0 : i32
        %dma_start3A_40 = tpu.memref_slice %arg11[%dma_start3A_38, %dma_start3A_39] : memref<50x40xf32, #tpu.memory_space<vmem>> -> memref<46x40xf32, #tpu.memory_space<vmem>>
        tpu.enqueue_dma source(%dma_start3A_40 : memref<46x40xf32, #tpu.memory_space<vmem>>) target(%dma_start3A_37 : memref<46x40xf32, #tpu.memory_space<vmem_shared>>) target_semaphore(%run_scoped3A : memref<!tpu.dma_semaphore, #tpu.memory_space<semaphore_mem>>)
        %dma_wait3A = arith.constant 0 : i32
        %dma_wait3A_41 = arith.constant 0 : i32
        %dma_wait3A_42 = tpu.memref_slice %arg11[%dma_wait3A, %dma_wait3A_41] : memref<50x40xf32, #tpu.memory_space<vmem>> -> memref<46x40xf32, #tpu.memory_space<vmem>>
        %dma_wait3A_43 = arith.constant 0 : i32
        %dma_wait3A_44 = tpu.memref_slice %arg13[%add3A, %dma_wait3A_43] : memref<50048x40xf32, #tpu.memory_space<vmem_shared>> -> memref<46x40xf32, #tpu.memory_space<vmem_shared>>
        %dma_wait3A_45 = arith.constant 0 : i32
        %dma_wait3A_46 = tpu.memref_slice %arg13[%add3A, %dma_wait3A_45] : memref<50048x40xf32, #tpu.memory_space<vmem_shared>> -> memref<46x40xf32, #tpu.memory_space<vmem_shared>>
        %dma_wait3A_47 = arith.constant 0 : i32
        %dma_wait3A_48 = arith.constant 0 : i32
        %dma_wait3A_49 = tpu.memref_slice %arg11[%dma_wait3A_47, %dma_wait3A_48] : memref<50x40xf32, #tpu.memory_space<vmem>> -> memref<46x40xf32, #tpu.memory_space<vmem>>
        tpu.wait_dma2 semaphore(%run_scoped3A : memref<!tpu.dma_semaphore, #tpu.memory_space<semaphore_mem>>) src(%dma_wait3A_49 : memref<46x40xf32, #tpu.memory_space<vmem>>) dst(%dma_wait3A_46 : memref<46x40xf32, #tpu.memory_space<vmem_shared>>)
        tpu.yield
      }) : () -> ()
      %scan3A_31 = arith.constant 0 : i32
      scf.yield %scan3A_31 : i32
    }
    %scan3A_6 = arith.constant 68 : i32
    %barrier3A = arith.constant 0 : index
    tpu.barrier barrier_id(%barrier3A)
    %mul3A_7 = arith.constant 1000 : i32
    %mul3A_8 = arith.muli %arg1, %mul3A_7 : i32
    %eq3A = arith.constant 0 : i32
    %eq3A_9 = arith.cmpi eq, %arg0, %eq3A : i32
    %convert_element_type3A = arith.extui %eq3A_9 : i1 to i32
    %cond3A = arith.constant 0 : i32
    %cond3A_10 = arith.cmpi ne, %convert_element_type3A, %cond3A : i32
    scf.if %cond3A_10 {
      %scan3A_27 = arith.constant 0 : i32
      %scan3A_28 = arith.constant 0 : i32
      %scan3A_29 = arith.constant 100 : i32
      %scan3A_30 = arith.addi %scan3A_28, %scan3A_29 : i32
      %scan3A_31 = arith.constant 1 : i32
      %scan3A_32 = scf.for %scan3A_34 = %scan3A_28 to %scan3A_30 step %scan3A_31 iter_args(%scan3A_35 = %scan3A_27) -> (i32)  : i32 {
        %mul3A_36 = arith.constant 10 : i32
        %mul3A_37 = arith.muli %scan3A_34, %mul3A_36 : i32
        %add3A = arith.addi %mul3A_8, %mul3A_37 : i32
        "tpu.region"() ({
          %run_scoped3A = tpu.sem_alloc : memref<!tpu.dma_semaphore, #tpu.memory_space<semaphore_mem>>
          %dma_start3A_317 = arith.constant 0 : i32
          %dma_start3A_318 = tpu.memref_slice %arg4[%add3A, %dma_start3A_317] : memref<16000x50xi32, #tpu.memory_space<hbm>> -> memref<10x50xi32, #tpu.memory_space<hbm>>
          %dma_start3A_319 = arith.constant 0 : i32
          %dma_start3A_320 = tpu.memref_slice %arg4[%add3A, %dma_start3A_319] : memref<16000x50xi32, #tpu.memory_space<hbm>> -> memref<10x50xi32, #tpu.memory_space<hbm>>
          tpu.enqueue_dma source(%dma_start3A_320 : memref<10x50xi32, #tpu.memory_space<hbm>>) target(%arg9 : memref<10x50xi32, #tpu.memory_space<vmem>>) target_semaphore(%run_scoped3A : memref<!tpu.dma_semaphore, #tpu.memory_space<semaphore_mem>>)
          %dma_wait3A_321 = arith.constant 0 : i32
          %dma_wait3A_322 = tpu.memref_slice %arg4[%add3A, %dma_wait3A_321] : memref<16000x50xi32, #tpu.memory_space<hbm>> -> memref<10x50xi32, #tpu.memory_space<hbm>>
          %dma_wait3A_323 = arith.constant 0 : i32
          %dma_wait3A_324 = tpu.memref_slice %arg4[%add3A, %dma_wait3A_323] : memref<16000x50xi32, #tpu.memory_space<hbm>> -> memref<10x50xi32, #tpu.memory_space<hbm>>
          tpu.wait_dma2 semaphore(%run_scoped3A : memref<!tpu.dma_semaphore, #tpu.memory_space<semaphore_mem>>) src(%dma_wait3A_324 : memref<10x50xi32, #tpu.memory_space<hbm>>) dst(%arg9 : memref<10x50xi32, #tpu.memory_space<vmem>>)
          tpu.yield
        }) : () -> ()
        "tpu.region"() ({
          %run_scoped3A = tpu.sem_alloc : memref<!tpu.dma_semaphore, #tpu.memory_space<semaphore_mem>>
          %dma_start3A_317 = arith.constant 0 : i32
          %dma_start3A_318 = tpu.memref_slice %arg5[%add3A, %dma_start3A_317] : memref<16000x50xi32, #tpu.memory_space<hbm>> -> memref<10x50xi32, #tpu.memory_space<hbm>>
          %dma_start3A_319 = arith.constant 0 : i32
          %dma_start3A_320 = tpu.memref_slice %arg5[%add3A, %dma_start3A_319] : memref<16000x50xi32, #tpu.memory_space<hbm>> -> memref<10x50xi32, #tpu.memory_space<hbm>>
          tpu.enqueue_dma source(%dma_start3A_320 : memref<10x50xi32, #tpu.memory_space<hbm>>) target(%arg10 : memref<10x50xi32, #tpu.memory_space<vmem>>) target_semaphore(%run_scoped3A : memref<!tpu.dma_semaphore, #tpu.memory_space<semaphore_mem>>)
          %dma_wait3A_321 = arith.constant 0 : i32
          %dma_wait3A_322 = tpu.memref_slice %arg5[%add3A, %dma_wait3A_321] : memref<16000x50xi32, #tpu.memory_space<hbm>> -> memref<10x50xi32, #tpu.memory_space<hbm>>
          %dma_wait3A_323 = arith.constant 0 : i32
          %dma_wait3A_324 = tpu.memref_slice %arg5[%add3A, %dma_wait3A_323] : memref<16000x50xi32, #tpu.memory_space<hbm>> -> memref<10x50xi32, #tpu.memory_space<hbm>>
          tpu.wait_dma2 semaphore(%run_scoped3A : memref<!tpu.dma_semaphore, #tpu.memory_space<semaphore_mem>>) src(%dma_wait3A_324 : memref<10x50xi32, #tpu.memory_space<hbm>>) dst(%arg10 : memref<10x50xi32, #tpu.memory_space<vmem>>)
          tpu.yield
        }) : () -> ()
        %dma_start3A = arith.constant 0 : i32
        %dma_start3A_38 = arith.constant 0 : i32
        %dma_start3A_39 = tpu.memref_slice %arg10[%dma_start3A, %dma_start3A_38] : memref<10x50xi32, #tpu.memory_space<vmem>> -> memref<1x50xi32, #tpu.memory_space<vmem>>
        %dma_start3A_40 = tpu.memref_squeeze %dma_start3A_39 : memref<1x50xi32, #tpu.memory_space<vmem>> -> memref<50xi32, #tpu.memory_space<vmem>>
        %dma_start3A_41 = arith.constant 0 : i32
        %dma_start3A_42 = arith.constant 0 : i32
        %dma_start3A_43 = tpu.memref_slice %arg2[%dma_start3A_41, %dma_start3A_42] : memref<50000x40xf32, #tpu.memory_space<hbm>> -> memref<50000x40xf32, #tpu.memory_space<hbm>>
        tpu.enqueue_indirect_dma source(%dma_start3A_43 : memref<50000x40xf32, #tpu.memory_space<hbm>>) target(%arg11 : memref<50x40xf32, #tpu.memory_space<vmem>>) offsets(%dma_start3A_40 : memref<50xi32, #tpu.memory_space<vmem>>) semaphore(%arg14 : memref<!tpu.dma_semaphore, #tpu.memory_space<semaphore_mem>>)
        %dma_start3A_44 = arith.constant 1 : i32
        %dma_start3A_45 = arith.constant 0 : i32
        %dma_start3A_46 = tpu.memref_slice %arg10[%dma_start3A_44, %dma_start3A_45] : memref<10x50xi32, #tpu.memory_space<vmem>> -> memref<1x50xi32, #tpu.memory_space<vmem>>
        %dma_start3A_47 = tpu.memref_squeeze %dma_start3A_46 : memref<1x50xi32, #tpu.memory_space<vmem>> -> memref<50xi32, #tpu.memory_space<vmem>>
        %dma_start3A_48 = arith.constant 0 : i32
        %dma_start3A_49 = arith.constant 0 : i32
        %dma_start3A_50 = tpu.memref_slice %arg2[%dma_start3A_48, %dma_start3A_49] : memref<50000x40xf32, #tpu.memory_space<hbm>> -> memref<50000x40xf32, #tpu.memory_space<hbm>>
        tpu.enqueue_indirect_dma source(%dma_start3A_50 : memref<50000x40xf32, #tpu.memory_space<hbm>>) target(%arg12 : memref<50x40xf32, #tpu.memory_space<vmem>>) offsets(%dma_start3A_47 : memref<50xi32, #tpu.memory_space<vmem>>) semaphore(%arg15 : memref<!tpu.dma_semaphore, #tpu.memory_space<semaphore_mem>>)
        %dma_wait3A = arith.constant 0 : i32
        %dma_wait3A_51 = arith.constant 0 : i32
        %dma_wait3A_52 = tpu.memref_slice %arg10[%dma_wait3A, %dma_wait3A_51] : memref<10x50xi32, #tpu.memory_space<vmem>> -> memref<1x50xi32, #tpu.memory_space<vmem>>
        %dma_wait3A_53 = tpu.memref_squeeze %dma_wait3A_52 : memref<1x50xi32, #tpu.memory_space<vmem>> -> memref<50xi32, #tpu.memory_space<vmem>>
        %dma_wait3A_54 = arith.constant 0 : i32
        %dma_wait3A_55 = arith.constant 0 : i32
        %dma_wait3A_56 = tpu.memref_slice %arg2[%dma_wait3A_54, %dma_wait3A_55] : memref<50000x40xf32, #tpu.memory_space<hbm>> -> memref<50000x40xf32, #tpu.memory_space<hbm>>
        tpu.wait_indirect_dma semaphore(%arg14 : memref<!tpu.dma_semaphore, #tpu.memory_space<semaphore_mem>>) src(%dma_wait3A_56 : memref<50000x40xf32, #tpu.memory_space<hbm>>) dst(%arg11 : memref<50x40xf32, #tpu.memory_space<vmem>>)
        %dma_start3A_57 = arith.constant 0 : i32
        %dma_start3A_58 = arith.constant 0 : i32
        %dma_start3A_59 = tpu.memref_slice %arg9[%dma_start3A_57, %dma_start3A_58] : memref<10x50xi32, #tpu.memory_space<vmem>> -> memref<1x50xi32, #tpu.memory_space<vmem>>
        %dma_start3A_60 = tpu.memref_squeeze %dma_start3A_59 : memref<1x50xi32, #tpu.memory_space<vmem>> -> memref<50xi32, #tpu.memory_space<vmem>>
        %dma_start3A_61 = arith.constant 0 : i32
        %dma_start3A_62 = arith.constant 0 : i32
        %dma_start3A_63 = tpu.memref_slice %arg13[%dma_start3A_61, %dma_start3A_62] : memref<50048x40xf32, #tpu.memory_space<vmem_shared>> -> memref<50048x40xf32, #tpu.memory_space<vmem_shared>>
        tpu.enqueue_indirect_dma source(%arg11 : memref<50x40xf32, #tpu.memory_space<vmem>>) target(%dma_start3A_63 : memref<50048x40xf32, #tpu.memory_space<vmem_shared>>) offsets(%dma_start3A_60 : memref<50xi32, #tpu.memory_space<vmem>>) semaphore(%arg16 : memref<!tpu.dma_semaphore, #tpu.memory_space<semaphore_mem>>) {add = true}
        %dma_wait3A_64 = arith.constant 0 : i32
        %dma_wait3A_65 = arith.constant 0 : i32
        %dma_wait3A_66 = tpu.memref_slice %arg9[%dma_wait3A_64, %dma_wait3A_65] : memref<10x50xi32, #tpu.memory_space<vmem>> -> memref<1x50xi32, #tpu.memory_space<vmem>>
        %dma_wait3A_67 = tpu.memref_squeeze %dma_wait3A_66 : memref<1x50xi32, #tpu.memory_space<vmem>> -> memref<50xi32, #tpu.memory_space<vmem>>
        %dma_wait3A_68 = arith.constant 0 : i32
        %dma_wait3A_69 = arith.constant 0 : i32
        %dma_wait3A_70 = tpu.memref_slice %arg13[%dma_wait3A_68, %dma_wait3A_69] : memref<50048x40xf32, #tpu.memory_space<vmem_shared>> -> memref<50048x40xf32, #tpu.memory_space<vmem_shared>>
        tpu.wait_indirect_dma semaphore(%arg16 : memref<!tpu.dma_semaphore, #tpu.memory_space<semaphore_mem>>) src(%arg11 : memref<50x40xf32, #tpu.memory_space<vmem>>) dst(%dma_wait3A_70 : memref<50048x40xf32, #tpu.memory_space<vmem_shared>>)
        %dma_start3A_71 = arith.constant 2 : i32
        %dma_start3A_72 = arith.constant 0 : i32
        %dma_start3A_73 = tpu.memref_slice %arg10[%dma_start3A_71, %dma_start3A_72] : memref<10x50xi32, #tpu.memory_space<vmem>> -> memref<1x50xi32, #tpu.memory_space<vmem>>
        %dma_start3A_74 = tpu.memref_squeeze %dma_start3A_73 : memref<1x50xi32, #tpu.memory_space<vmem>> -> memref<50xi32, #tpu.memory_space<vmem>>
        %dma_start3A_75 = arith.constant 0 : i32
        %dma_start3A_76 = arith.constant 0 : i32
        %dma_start3A_77 = tpu.memref_slice %arg2[%dma_start3A_75, %dma_start3A_76] : memref<50000x40xf32, #tpu.memory_space<hbm>> -> memref<50000x40xf32, #tpu.memory_space<hbm>>
        tpu.enqueue_indirect_dma source(%dma_start3A_77 : memref<50000x40xf32, #tpu.memory_space<hbm>>) target(%arg11 : memref<50x40xf32, #tpu.memory_space<vmem>>) offsets(%dma_start3A_74 : memref<50xi32, #tpu.memory_space<vmem>>) semaphore(%arg14 : memref<!tpu.dma_semaphore, #tpu.memory_space<semaphore_mem>>)
        %dma_wait3A_78 = arith.constant 1 : i32
        %dma_wait3A_79 = arith.constant 0 : i32
        %dma_wait3A_80 = tpu.memref_slice %arg10[%dma_wait3A_78, %dma_wait3A_79] : memref<10x50xi32, #tpu.memory_space<vmem>> -> memref<1x50xi32, #tpu.memory_space<vmem>>
        %dma_wait3A_81 = tpu.memref_squeeze %dma_wait3A_80 : memref<1x50xi32, #tpu.memory_space<vmem>> -> memref<50xi32, #tpu.memory_space<vmem>>
        %dma_wait3A_82 = arith.constant 0 : i32
        %dma_wait3A_83 = arith.constant 0 : i32
        %dma_wait3A_84 = tpu.memref_slice %arg2[%dma_wait3A_82, %dma_wait3A_83] : memref<50000x40xf32, #tpu.memory_space<hbm>> -> memref<50000x40xf32, #tpu.memory_space<hbm>>
        tpu.wait_indirect_dma semaphore(%arg15 : memref<!tpu.dma_semaphore, #tpu.memory_space<semaphore_mem>>) src(%dma_wait3A_84 : memref<50000x40xf32, #tpu.memory_space<hbm>>) dst(%arg12 : memref<50x40xf32, #tpu.memory_space<vmem>>)
        %dma_start3A_85 = arith.constant 1 : i32
        %dma_start3A_86 = arith.constant 0 : i32
        %dma_start3A_87 = tpu.memref_slice %arg9[%dma_start3A_85, %dma_start3A_86] : memref<10x50xi32, #tpu.memory_space<vmem>> -> memref<1x50xi32, #tpu.memory_space<vmem>>
        %dma_start3A_88 = tpu.memref_squeeze %dma_start3A_87 : memref<1x50xi32, #tpu.memory_space<vmem>> -> memref<50xi32, #tpu.memory_space<vmem>>
        %dma_start3A_89 = arith.constant 0 : i32
        %dma_start3A_90 = arith.constant 0 : i32
        %dma_start3A_91 = tpu.memref_slice %arg13[%dma_start3A_89, %dma_start3A_90] : memref<50048x40xf32, #tpu.memory_space<vmem_shared>> -> memref<50048x40xf32, #tpu.memory_space<vmem_shared>>
        tpu.enqueue_indirect_dma source(%arg12 : memref<50x40xf32, #tpu.memory_space<vmem>>) target(%dma_start3A_91 : memref<50048x40xf32, #tpu.memory_space<vmem_shared>>) offsets(%dma_start3A_88 : memref<50xi32, #tpu.memory_space<vmem>>) semaphore(%arg17 : memref<!tpu.dma_semaphore, #tpu.memory_space<semaphore_mem>>) {add = true}
        %dma_wait3A_92 = arith.constant 1 : i32
        %dma_wait3A_93 = arith.constant 0 : i32
        %dma_wait3A_94 = tpu.memref_slice %arg9[%dma_wait3A_92, %dma_wait3A_93] : memref<10x50xi32, #tpu.memory_space<vmem>> -> memref<1x50xi32, #tpu.memory_space<vmem>>
        %dma_wait3A_95 = tpu.memref_squeeze %dma_wait3A_94 : memref<1x50xi32, #tpu.memory_space<vmem>> -> memref<50xi32, #tpu.memory_space<vmem>>
        %dma_wait3A_96 = arith.constant 0 : i32
        %dma_wait3A_97 = arith.constant 0 : i32
        %dma_wait3A_98 = tpu.memref_slice %arg13[%dma_wait3A_96, %dma_wait3A_97] : memref<50048x40xf32, #tpu.memory_space<vmem_shared>> -> memref<50048x40xf32, #tpu.memory_space<vmem_shared>>
        tpu.wait_indirect_dma semaphore(%arg17 : memref<!tpu.dma_semaphore, #tpu.memory_space<semaphore_mem>>) src(%arg12 : memref<50x40xf32, #tpu.memory_space<vmem>>) dst(%dma_wait3A_98 : memref<50048x40xf32, #tpu.memory_space<vmem_shared>>)
        %dma_start3A_99 = arith.constant 3 : i32
        %dma_start3A_100 = arith.constant 0 : i32
        %dma_start3A_101 = tpu.memref_slice %arg10[%dma_start3A_99, %dma_start3A_100] : memref<10x50xi32, #tpu.memory_space<vmem>> -> memref<1x50xi32, #tpu.memory_space<vmem>>
        %dma_start3A_102 = tpu.memref_squeeze %dma_start3A_101 : memref<1x50xi32, #tpu.memory_space<vmem>> -> memref<50xi32, #tpu.memory_space<vmem>>
        %dma_start3A_103 = arith.constant 0 : i32
        %dma_start3A_104 = arith.constant 0 : i32
        %dma_start3A_105 = tpu.memref_slice %arg2[%dma_start3A_103, %dma_start3A_104] : memref<50000x40xf32, #tpu.memory_space<hbm>> -> memref<50000x40xf32, #tpu.memory_space<hbm>>
        tpu.enqueue_indirect_dma source(%dma_start3A_105 : memref<50000x40xf32, #tpu.memory_space<hbm>>) target(%arg12 : memref<50x40xf32, #tpu.memory_space<vmem>>) offsets(%dma_start3A_102 : memref<50xi32, #tpu.memory_space<vmem>>) semaphore(%arg15 : memref<!tpu.dma_semaphore, #tpu.memory_space<semaphore_mem>>)
        %dma_wait3A_106 = arith.constant 2 : i32
        %dma_wait3A_107 = arith.constant 0 : i32
        %dma_wait3A_108 = tpu.memref_slice %arg10[%dma_wait3A_106, %dma_wait3A_107] : memref<10x50xi32, #tpu.memory_space<vmem>> -> memref<1x50xi32, #tpu.memory_space<vmem>>
        %dma_wait3A_109 = tpu.memref_squeeze %dma_wait3A_108 : memref<1x50xi32, #tpu.memory_space<vmem>> -> memref<50xi32, #tpu.memory_space<vmem>>
        %dma_wait3A_110 = arith.constant 0 : i32
        %dma_wait3A_111 = arith.constant 0 : i32
        %dma_wait3A_112 = tpu.memref_slice %arg2[%dma_wait3A_110, %dma_wait3A_111] : memref<50000x40xf32, #tpu.memory_space<hbm>> -> memref<50000x40xf32, #tpu.memory_space<hbm>>
        tpu.wait_indirect_dma semaphore(%arg14 : memref<!tpu.dma_semaphore, #tpu.memory_space<semaphore_mem>>) src(%dma_wait3A_112 : memref<50000x40xf32, #tpu.memory_space<hbm>>) dst(%arg11 : memref<50x40xf32, #tpu.memory_space<vmem>>)
        %dma_start3A_113 = arith.constant 2 : i32
        %dma_start3A_114 = arith.constant 0 : i32
        %dma_start3A_115 = tpu.memref_slice %arg9[%dma_start3A_113, %dma_start3A_114] : memref<10x50xi32, #tpu.memory_space<vmem>> -> memref<1x50xi32, #tpu.memory_space<vmem>>
        %dma_start3A_116 = tpu.memref_squeeze %dma_start3A_115 : memref<1x50xi32, #tpu.memory_space<vmem>> -> memref<50xi32, #tpu.memory_space<vmem>>
        %dma_start3A_117 = arith.constant 0 : i32
        %dma_start3A_118 = arith.constant 0 : i32
        %dma_start3A_119 = tpu.memref_slice %arg13[%dma_start3A_117, %dma_start3A_118] : memref<50048x40xf32, #tpu.memory_space<vmem_shared>> -> memref<50048x40xf32, #tpu.memory_space<vmem_shared>>
        tpu.enqueue_indirect_dma source(%arg11 : memref<50x40xf32, #tpu.memory_space<vmem>>) target(%dma_start3A_119 : memref<50048x40xf32, #tpu.memory_space<vmem_shared>>) offsets(%dma_start3A_116 : memref<50xi32, #tpu.memory_space<vmem>>) semaphore(%arg16 : memref<!tpu.dma_semaphore, #tpu.memory_space<semaphore_mem>>) {add = true}
        %dma_wait3A_120 = arith.constant 2 : i32
        %dma_wait3A_121 = arith.constant 0 : i32
        %dma_wait3A_122 = tpu.memref_slice %arg9[%dma_wait3A_120, %dma_wait3A_121] : memref<10x50xi32, #tpu.memory_space<vmem>> -> memref<1x50xi32, #tpu.memory_space<vmem>>
        %dma_wait3A_123 = tpu.memref_squeeze %dma_wait3A_122 : memref<1x50xi32, #tpu.memory_space<vmem>> -> memref<50xi32, #tpu.memory_space<vmem>>
        %dma_wait3A_124 = arith.constant 0 : i32
        %dma_wait3A_125 = arith.constant 0 : i32
        %dma_wait3A_126 = tpu.memref_slice %arg13[%dma_wait3A_124, %dma_wait3A_125] : memref<50048x40xf32, #tpu.memory_space<vmem_shared>> -> memref<50048x40xf32, #tpu.memory_space<vmem_shared>>
        tpu.wait_indirect_dma semaphore(%arg16 : memref<!tpu.dma_semaphore, #tpu.memory_space<semaphore_mem>>) src(%arg11 : memref<50x40xf32, #tpu.memory_space<vmem>>) dst(%dma_wait3A_126 : memref<50048x40xf32, #tpu.memory_space<vmem_shared>>)
        %dma_start3A_127 = arith.constant 4 : i32
        %dma_start3A_128 = arith.constant 0 : i32
        %dma_start3A_129 = tpu.memref_slice %arg10[%dma_start3A_127, %dma_start3A_128] : memref<10x50xi32, #tpu.memory_space<vmem>> -> memref<1x50xi32, #tpu.memory_space<vmem>>
        %dma_start3A_130 = tpu.memref_squeeze %dma_start3A_129 : memref<1x50xi32, #tpu.memory_space<vmem>> -> memref<50xi32, #tpu.memory_space<vmem>>
        %dma_start3A_131 = arith.constant 0 : i32
        %dma_start3A_132 = arith.constant 0 : i32
        %dma_start3A_133 = tpu.memref_slice %arg2[%dma_start3A_131, %dma_start3A_132] : memref<50000x40xf32, #tpu.memory_space<hbm>> -> memref<50000x40xf32, #tpu.memory_space<hbm>>
        tpu.enqueue_indirect_dma source(%dma_start3A_133 : memref<50000x40xf32, #tpu.memory_space<hbm>>) target(%arg11 : memref<50x40xf32, #tpu.memory_space<vmem>>) offsets(%dma_start3A_130 : memref<50xi32, #tpu.memory_space<vmem>>) semaphore(%arg14 : memref<!tpu.dma_semaphore, #tpu.memory_space<semaphore_mem>>)
        %dma_wait3A_134 = arith.constant 3 : i32
        %dma_wait3A_135 = arith.constant 0 : i32
        %dma_wait3A_136 = tpu.memref_slice %arg10[%dma_wait3A_134, %dma_wait3A_135] : memref<10x50xi32, #tpu.memory_space<vmem>> -> memref<1x50xi32, #tpu.memory_space<vmem>>
        %dma_wait3A_137 = tpu.memref_squeeze %dma_wait3A_136 : memref<1x50xi32, #tpu.memory_space<vmem>> -> memref<50xi32, #tpu.memory_space<vmem>>
        %dma_wait3A_138 = arith.constant 0 : i32
        %dma_wait3A_139 = arith.constant 0 : i32
        %dma_wait3A_140 = tpu.memref_slice %arg2[%dma_wait3A_138, %dma_wait3A_139] : memref<50000x40xf32, #tpu.memory_space<hbm>> -> memref<50000x40xf32, #tpu.memory_space<hbm>>
        tpu.wait_indirect_dma semaphore(%arg15 : memref<!tpu.dma_semaphore, #tpu.memory_space<semaphore_mem>>) src(%dma_wait3A_140 : memref<50000x40xf32, #tpu.memory_space<hbm>>) dst(%arg12 : memref<50x40xf32, #tpu.memory_space<vmem>>)
        %dma_start3A_141 = arith.constant 3 : i32
        %dma_start3A_142 = arith.constant 0 : i32
        %dma_start3A_143 = tpu.memref_slice %arg9[%dma_start3A_141, %dma_start3A_142] : memref<10x50xi32, #tpu.memory_space<vmem>> -> memref<1x50xi32, #tpu.memory_space<vmem>>
        %dma_start3A_144 = tpu.memref_squeeze %dma_start3A_143 : memref<1x50xi32, #tpu.memory_space<vmem>> -> memref<50xi32, #tpu.memory_space<vmem>>
        %dma_start3A_145 = arith.constant 0 : i32
        %dma_start3A_146 = arith.constant 0 : i32
        %dma_start3A_147 = tpu.memref_slice %arg13[%dma_start3A_145, %dma_start3A_146] : memref<50048x40xf32, #tpu.memory_space<vmem_shared>> -> memref<50048x40xf32, #tpu.memory_space<vmem_shared>>
        tpu.enqueue_indirect_dma source(%arg12 : memref<50x40xf32, #tpu.memory_space<vmem>>) target(%dma_start3A_147 : memref<50048x40xf32, #tpu.memory_space<vmem_shared>>) offsets(%dma_start3A_144 : memref<50xi32, #tpu.memory_space<vmem>>) semaphore(%arg17 : memref<!tpu.dma_semaphore, #tpu.memory_space<semaphore_mem>>) {add = true}
        %dma_wait3A_148 = arith.constant 3 : i32
        %dma_wait3A_149 = arith.constant 0 : i32
        %dma_wait3A_150 = tpu.memref_slice %arg9[%dma_wait3A_148, %dma_wait3A_149] : memref<10x50xi32, #tpu.memory_space<vmem>> -> memref<1x50xi32, #tpu.memory_space<vmem>>
        %dma_wait3A_151 = tpu.memref_squeeze %dma_wait3A_150 : memref<1x50xi32, #tpu.memory_space<vmem>> -> memref<50xi32, #tpu.memory_space<vmem>>
        %dma_wait3A_152 = arith.constant 0 : i32
        %dma_wait3A_153 = arith.constant 0 : i32
        %dma_wait3A_154 = tpu.memref_slice %arg13[%dma_wait3A_152, %dma_wait3A_153] : memref<50048x40xf32, #tpu.memory_space<vmem_shared>> -> memref<50048x40xf32, #tpu.memory_space<vmem_shared>>
        tpu.wait_indirect_dma semaphore(%arg17 : memref<!tpu.dma_semaphore, #tpu.memory_space<semaphore_mem>>) src(%arg12 : memref<50x40xf32, #tpu.memory_space<vmem>>) dst(%dma_wait3A_154 : memref<50048x40xf32, #tpu.memory_space<vmem_shared>>)
        %dma_start3A_155 = arith.constant 5 : i32
        %dma_start3A_156 = arith.constant 0 : i32
        %dma_start3A_157 = tpu.memref_slice %arg10[%dma_start3A_155, %dma_start3A_156] : memref<10x50xi32, #tpu.memory_space<vmem>> -> memref<1x50xi32, #tpu.memory_space<vmem>>
        %dma_start3A_158 = tpu.memref_squeeze %dma_start3A_157 : memref<1x50xi32, #tpu.memory_space<vmem>> -> memref<50xi32, #tpu.memory_space<vmem>>
        %dma_start3A_159 = arith.constant 0 : i32
        %dma_start3A_160 = arith.constant 0 : i32
        %dma_start3A_161 = tpu.memref_slice %arg2[%dma_start3A_159, %dma_start3A_160] : memref<50000x40xf32, #tpu.memory_space<hbm>> -> memref<50000x40xf32, #tpu.memory_space<hbm>>
        tpu.enqueue_indirect_dma source(%dma_start3A_161 : memref<50000x40xf32, #tpu.memory_space<hbm>>) target(%arg12 : memref<50x40xf32, #tpu.memory_space<vmem>>) offsets(%dma_start3A_158 : memref<50xi32, #tpu.memory_space<vmem>>) semaphore(%arg15 : memref<!tpu.dma_semaphore, #tpu.memory_space<semaphore_mem>>)
        %dma_wait3A_162 = arith.constant 4 : i32
        %dma_wait3A_163 = arith.constant 0 : i32
        %dma_wait3A_164 = tpu.memref_slice %arg10[%dma_wait3A_162, %dma_wait3A_163] : memref<10x50xi32, #tpu.memory_space<vmem>> -> memref<1x50xi32, #tpu.memory_space<vmem>>
        %dma_wait3A_165 = tpu.memref_squeeze %dma_wait3A_164 : memref<1x50xi32, #tpu.memory_space<vmem>> -> memref<50xi32, #tpu.memory_space<vmem>>
        %dma_wait3A_166 = arith.constant 0 : i32
        %dma_wait3A_167 = arith.constant 0 : i32
        %dma_wait3A_168 = tpu.memref_slice %arg2[%dma_wait3A_166, %dma_wait3A_167] : memref<50000x40xf32, #tpu.memory_space<hbm>> -> memref<50000x40xf32, #tpu.memory_space<hbm>>
        tpu.wait_indirect_dma semaphore(%arg14 : memref<!tpu.dma_semaphore, #tpu.memory_space<semaphore_mem>>) src(%dma_wait3A_168 : memref<50000x40xf32, #tpu.memory_space<hbm>>) dst(%arg11 : memref<50x40xf32, #tpu.memory_space<vmem>>)
        %dma_start3A_169 = arith.constant 4 : i32
        %dma_start3A_170 = arith.constant 0 : i32
        %dma_start3A_171 = tpu.memref_slice %arg9[%dma_start3A_169, %dma_start3A_170] : memref<10x50xi32, #tpu.memory_space<vmem>> -> memref<1x50xi32, #tpu.memory_space<vmem>>
        %dma_start3A_172 = tpu.memref_squeeze %dma_start3A_171 : memref<1x50xi32, #tpu.memory_space<vmem>> -> memref<50xi32, #tpu.memory_space<vmem>>
        %dma_start3A_173 = arith.constant 0 : i32
        %dma_start3A_174 = arith.constant 0 : i32
        %dma_start3A_175 = tpu.memref_slice %arg13[%dma_start3A_173, %dma_start3A_174] : memref<50048x40xf32, #tpu.memory_space<vmem_shared>> -> memref<50048x40xf32, #tpu.memory_space<vmem_shared>>
        tpu.enqueue_indirect_dma source(%arg11 : memref<50x40xf32, #tpu.memory_space<vmem>>) target(%dma_start3A_175 : memref<50048x40xf32, #tpu.memory_space<vmem_shared>>) offsets(%dma_start3A_172 : memref<50xi32, #tpu.memory_space<vmem>>) semaphore(%arg16 : memref<!tpu.dma_semaphore, #tpu.memory_space<semaphore_mem>>) {add = true}
        %dma_wait3A_176 = arith.constant 4 : i32
        %dma_wait3A_177 = arith.constant 0 : i32
        %dma_wait3A_178 = tpu.memref_slice %arg9[%dma_wait3A_176, %dma_wait3A_177] : memref<10x50xi32, #tpu.memory_space<vmem>> -> memref<1x50xi32, #tpu.memory_space<vmem>>
        %dma_wait3A_179 = tpu.memref_squeeze %dma_wait3A_178 : memref<1x50xi32, #tpu.memory_space<vmem>> -> memref<50xi32, #tpu.memory_space<vmem>>
        %dma_wait3A_180 = arith.constant 0 : i32
        %dma_wait3A_181 = arith.constant 0 : i32
        %dma_wait3A_182 = tpu.memref_slice %arg13[%dma_wait3A_180, %dma_wait3A_181] : memref<50048x40xf32, #tpu.memory_space<vmem_shared>> -> memref<50048x40xf32, #tpu.memory_space<vmem_shared>>
        tpu.wait_indirect_dma semaphore(%arg16 : memref<!tpu.dma_semaphore, #tpu.memory_space<semaphore_mem>>) src(%arg11 : memref<50x40xf32, #tpu.memory_space<vmem>>) dst(%dma_wait3A_182 : memref<50048x40xf32, #tpu.memory_space<vmem_shared>>)
        %dma_start3A_183 = arith.constant 6 : i32
        %dma_start3A_184 = arith.constant 0 : i32
        %dma_start3A_185 = tpu.memref_slice %arg10[%dma_start3A_183, %dma_start3A_184] : memref<10x50xi32, #tpu.memory_space<vmem>> -> memref<1x50xi32, #tpu.memory_space<vmem>>
        %dma_start3A_186 = tpu.memref_squeeze %dma_start3A_185 : memref<1x50xi32, #tpu.memory_space<vmem>> -> memref<50xi32, #tpu.memory_space<vmem>>
        %dma_start3A_187 = arith.constant 0 : i32
        %dma_start3A_188 = arith.constant 0 : i32
        %dma_start3A_189 = tpu.memref_slice %arg2[%dma_start3A_187, %dma_start3A_188] : memref<50000x40xf32, #tpu.memory_space<hbm>> -> memref<50000x40xf32, #tpu.memory_space<hbm>>
        tpu.enqueue_indirect_dma source(%dma_start3A_189 : memref<50000x40xf32, #tpu.memory_space<hbm>>) target(%arg11 : memref<50x40xf32, #tpu.memory_space<vmem>>) offsets(%dma_start3A_186 : memref<50xi32, #tpu.memory_space<vmem>>) semaphore(%arg14 : memref<!tpu.dma_semaphore, #tpu.memory_space<semaphore_mem>>)
        %dma_wait3A_190 = arith.constant 5 : i32
        %dma_wait3A_191 = arith.constant 0 : i32
        %dma_wait3A_192 = tpu.memref_slice %arg10[%dma_wait3A_190, %dma_wait3A_191] : memref<10x50xi32, #tpu.memory_space<vmem>> -> memref<1x50xi32, #tpu.memory_space<vmem>>
        %dma_wait3A_193 = tpu.memref_squeeze %dma_wait3A_192 : memref<1x50xi32, #tpu.memory_space<vmem>> -> memref<50xi32, #tpu.memory_space<vmem>>
        %dma_wait3A_194 = arith.constant 0 : i32
        %dma_wait3A_195 = arith.constant 0 : i32
        %dma_wait3A_196 = tpu.memref_slice %arg2[%dma_wait3A_194, %dma_wait3A_195] : memref<50000x40xf32, #tpu.memory_space<hbm>> -> memref<50000x40xf32, #tpu.memory_space<hbm>>
        tpu.wait_indirect_dma semaphore(%arg15 : memref<!tpu.dma_semaphore, #tpu.memory_space<semaphore_mem>>) src(%dma_wait3A_196 : memref<50000x40xf32, #tpu.memory_space<hbm>>) dst(%arg12 : memref<50x40xf32, #tpu.memory_space<vmem>>)
        %dma_start3A_197 = arith.constant 5 : i32
        %dma_start3A_198 = arith.constant 0 : i32
        %dma_start3A_199 = tpu.memref_slice %arg9[%dma_start3A_197, %dma_start3A_198] : memref<10x50xi32, #tpu.memory_space<vmem>> -> memref<1x50xi32, #tpu.memory_space<vmem>>
        %dma_start3A_200 = tpu.memref_squeeze %dma_start3A_199 : memref<1x50xi32, #tpu.memory_space<vmem>> -> memref<50xi32, #tpu.memory_space<vmem>>
        %dma_start3A_201 = arith.constant 0 : i32
        %dma_start3A_202 = arith.constant 0 : i32
        %dma_start3A_203 = tpu.memref_slice %arg13[%dma_start3A_201, %dma_start3A_202] : memref<50048x40xf32, #tpu.memory_space<vmem_shared>> -> memref<50048x40xf32, #tpu.memory_space<vmem_shared>>
        tpu.enqueue_indirect_dma source(%arg12 : memref<50x40xf32, #tpu.memory_space<vmem>>) target(%dma_start3A_203 : memref<50048x40xf32, #tpu.memory_space<vmem_shared>>) offsets(%dma_start3A_200 : memref<50xi32, #tpu.memory_space<vmem>>) semaphore(%arg17 : memref<!tpu.dma_semaphore, #tpu.memory_space<semaphore_mem>>) {add = true}
        %dma_wait3A_204 = arith.constant 5 : i32
        %dma_wait3A_205 = arith.constant 0 : i32
        %dma_wait3A_206 = tpu.memref_slice %arg9[%dma_wait3A_204, %dma_wait3A_205] : memref<10x50xi32, #tpu.memory_space<vmem>> -> memref<1x50xi32, #tpu.memory_space<vmem>>
        %dma_wait3A_207 = tpu.memref_squeeze %dma_wait3A_206 : memref<1x50xi32, #tpu.memory_space<vmem>> -> memref<50xi32, #tpu.memory_space<vmem>>
        %dma_wait3A_208 = arith.constant 0 : i32
        %dma_wait3A_209 = arith.constant 0 : i32
        %dma_wait3A_210 = tpu.memref_slice %arg13[%dma_wait3A_208, %dma_wait3A_209] : memref<50048x40xf32, #tpu.memory_space<vmem_shared>> -> memref<50048x40xf32, #tpu.memory_space<vmem_shared>>
        tpu.wait_indirect_dma semaphore(%arg17 : memref<!tpu.dma_semaphore, #tpu.memory_space<semaphore_mem>>) src(%arg12 : memref<50x40xf32, #tpu.memory_space<vmem>>) dst(%dma_wait3A_210 : memref<50048x40xf32, #tpu.memory_space<vmem_shared>>)
        %dma_start3A_211 = arith.constant 7 : i32
        %dma_start3A_212 = arith.constant 0 : i32
        %dma_start3A_213 = tpu.memref_slice %arg10[%dma_start3A_211, %dma_start3A_212] : memref<10x50xi32, #tpu.memory_space<vmem>> -> memref<1x50xi32, #tpu.memory_space<vmem>>
        %dma_start3A_214 = tpu.memref_squeeze %dma_start3A_213 : memref<1x50xi32, #tpu.memory_space<vmem>> -> memref<50xi32, #tpu.memory_space<vmem>>
        %dma_start3A_215 = arith.constant 0 : i32
        %dma_start3A_216 = arith.constant 0 : i32
        %dma_start3A_217 = tpu.memref_slice %arg2[%dma_start3A_215, %dma_start3A_216] : memref<50000x40xf32, #tpu.memory_space<hbm>> -> memref<50000x40xf32, #tpu.memory_space<hbm>>
        tpu.enqueue_indirect_dma source(%dma_start3A_217 : memref<50000x40xf32, #tpu.memory_space<hbm>>) target(%arg12 : memref<50x40xf32, #tpu.memory_space<vmem>>) offsets(%dma_start3A_214 : memref<50xi32, #tpu.memory_space<vmem>>) semaphore(%arg15 : memref<!tpu.dma_semaphore, #tpu.memory_space<semaphore_mem>>)
        %dma_wait3A_218 = arith.constant 6 : i32
        %dma_wait3A_219 = arith.constant 0 : i32
        %dma_wait3A_220 = tpu.memref_slice %arg10[%dma_wait3A_218, %dma_wait3A_219] : memref<10x50xi32, #tpu.memory_space<vmem>> -> memref<1x50xi32, #tpu.memory_space<vmem>>
        %dma_wait3A_221 = tpu.memref_squeeze %dma_wait3A_220 : memref<1x50xi32, #tpu.memory_space<vmem>> -> memref<50xi32, #tpu.memory_space<vmem>>
        %dma_wait3A_222 = arith.constant 0 : i32
        %dma_wait3A_223 = arith.constant 0 : i32
        %dma_wait3A_224 = tpu.memref_slice %arg2[%dma_wait3A_222, %dma_wait3A_223] : memref<50000x40xf32, #tpu.memory_space<hbm>> -> memref<50000x40xf32, #tpu.memory_space<hbm>>
        tpu.wait_indirect_dma semaphore(%arg14 : memref<!tpu.dma_semaphore, #tpu.memory_space<semaphore_mem>>) src(%dma_wait3A_224 : memref<50000x40xf32, #tpu.memory_space<hbm>>) dst(%arg11 : memref<50x40xf32, #tpu.memory_space<vmem>>)
        %dma_start3A_225 = arith.constant 6 : i32
        %dma_start3A_226 = arith.constant 0 : i32
        %dma_start3A_227 = tpu.memref_slice %arg9[%dma_start3A_225, %dma_start3A_226] : memref<10x50xi32, #tpu.memory_space<vmem>> -> memref<1x50xi32, #tpu.memory_space<vmem>>
        %dma_start3A_228 = tpu.memref_squeeze %dma_start3A_227 : memref<1x50xi32, #tpu.memory_space<vmem>> -> memref<50xi32, #tpu.memory_space<vmem>>
        %dma_start3A_229 = arith.constant 0 : i32
        %dma_start3A_230 = arith.constant 0 : i32
        %dma_start3A_231 = tpu.memref_slice %arg13[%dma_start3A_229, %dma_start3A_230] : memref<50048x40xf32, #tpu.memory_space<vmem_shared>> -> memref<50048x40xf32, #tpu.memory_space<vmem_shared>>
        tpu.enqueue_indirect_dma source(%arg11 : memref<50x40xf32, #tpu.memory_space<vmem>>) target(%dma_start3A_231 : memref<50048x40xf32, #tpu.memory_space<vmem_shared>>) offsets(%dma_start3A_228 : memref<50xi32, #tpu.memory_space<vmem>>) semaphore(%arg16 : memref<!tpu.dma_semaphore, #tpu.memory_space<semaphore_mem>>) {add = true}
        %dma_wait3A_232 = arith.constant 6 : i32
        %dma_wait3A_233 = arith.constant 0 : i32
        %dma_wait3A_234 = tpu.memref_slice %arg9[%dma_wait3A_232, %dma_wait3A_233] : memref<10x50xi32, #tpu.memory_space<vmem>> -> memref<1x50xi32, #tpu.memory_space<vmem>>
        %dma_wait3A_235 = tpu.memref_squeeze %dma_wait3A_234 : memref<1x50xi32, #tpu.memory_space<vmem>> -> memref<50xi32, #tpu.memory_space<vmem>>
        %dma_wait3A_236 = arith.constant 0 : i32
        %dma_wait3A_237 = arith.constant 0 : i32
        %dma_wait3A_238 = tpu.memref_slice %arg13[%dma_wait3A_236, %dma_wait3A_237] : memref<50048x40xf32, #tpu.memory_space<vmem_shared>> -> memref<50048x40xf32, #tpu.memory_space<vmem_shared>>
        tpu.wait_indirect_dma semaphore(%arg16 : memref<!tpu.dma_semaphore, #tpu.memory_space<semaphore_mem>>) src(%arg11 : memref<50x40xf32, #tpu.memory_space<vmem>>) dst(%dma_wait3A_238 : memref<50048x40xf32, #tpu.memory_space<vmem_shared>>)
        %dma_start3A_239 = arith.constant 8 : i32
        %dma_start3A_240 = arith.constant 0 : i32
        %dma_start3A_241 = tpu.memref_slice %arg10[%dma_start3A_239, %dma_start3A_240] : memref<10x50xi32, #tpu.memory_space<vmem>> -> memref<1x50xi32, #tpu.memory_space<vmem>>
        %dma_start3A_242 = tpu.memref_squeeze %dma_start3A_241 : memref<1x50xi32, #tpu.memory_space<vmem>> -> memref<50xi32, #tpu.memory_space<vmem>>
        %dma_start3A_243 = arith.constant 0 : i32
        %dma_start3A_244 = arith.constant 0 : i32
        %dma_start3A_245 = tpu.memref_slice %arg2[%dma_start3A_243, %dma_start3A_244] : memref<50000x40xf32, #tpu.memory_space<hbm>> -> memref<50000x40xf32, #tpu.memory_space<hbm>>
        tpu.enqueue_indirect_dma source(%dma_start3A_245 : memref<50000x40xf32, #tpu.memory_space<hbm>>) target(%arg11 : memref<50x40xf32, #tpu.memory_space<vmem>>) offsets(%dma_start3A_242 : memref<50xi32, #tpu.memory_space<vmem>>) semaphore(%arg14 : memref<!tpu.dma_semaphore, #tpu.memory_space<semaphore_mem>>)
        %dma_wait3A_246 = arith.constant 7 : i32
        %dma_wait3A_247 = arith.constant 0 : i32
        %dma_wait3A_248 = tpu.memref_slice %arg10[%dma_wait3A_246, %dma_wait3A_247] : memref<10x50xi32, #tpu.memory_space<vmem>> -> memref<1x50xi32, #tpu.memory_space<vmem>>
        %dma_wait3A_249 = tpu.memref_squeeze %dma_wait3A_248 : memref<1x50xi32, #tpu.memory_space<vmem>> -> memref<50xi32, #tpu.memory_space<vmem>>
        %dma_wait3A_250 = arith.constant 0 : i32
        %dma_wait3A_251 = arith.constant 0 : i32
        %dma_wait3A_252 = tpu.memref_slice %arg2[%dma_wait3A_250, %dma_wait3A_251] : memref<50000x40xf32, #tpu.memory_space<hbm>> -> memref<50000x40xf32, #tpu.memory_space<hbm>>
        tpu.wait_indirect_dma semaphore(%arg15 : memref<!tpu.dma_semaphore, #tpu.memory_space<semaphore_mem>>) src(%dma_wait3A_252 : memref<50000x40xf32, #tpu.memory_space<hbm>>) dst(%arg12 : memref<50x40xf32, #tpu.memory_space<vmem>>)
        %dma_start3A_253 = arith.constant 7 : i32
        %dma_start3A_254 = arith.constant 0 : i32
        %dma_start3A_255 = tpu.memref_slice %arg9[%dma_start3A_253, %dma_start3A_254] : memref<10x50xi32, #tpu.memory_space<vmem>> -> memref<1x50xi32, #tpu.memory_space<vmem>>
        %dma_start3A_256 = tpu.memref_squeeze %dma_start3A_255 : memref<1x50xi32, #tpu.memory_space<vmem>> -> memref<50xi32, #tpu.memory_space<vmem>>
        %dma_start3A_257 = arith.constant 0 : i32
        %dma_start3A_258 = arith.constant 0 : i32
        %dma_start3A_259 = tpu.memref_slice %arg13[%dma_start3A_257, %dma_start3A_258] : memref<50048x40xf32, #tpu.memory_space<vmem_shared>> -> memref<50048x40xf32, #tpu.memory_space<vmem_shared>>
        tpu.enqueue_indirect_dma source(%arg12 : memref<50x40xf32, #tpu.memory_space<vmem>>) target(%dma_start3A_259 : memref<50048x40xf32, #tpu.memory_space<vmem_shared>>) offsets(%dma_start3A_256 : memref<50xi32, #tpu.memory_space<vmem>>) semaphore(%arg17 : memref<!tpu.dma_semaphore, #tpu.memory_space<semaphore_mem>>) {add = true}
        %dma_wait3A_260 = arith.constant 7 : i32
        %dma_wait3A_261 = arith.constant 0 : i32
        %dma_wait3A_262 = tpu.memref_slice %arg9[%dma_wait3A_260, %dma_wait3A_261] : memref<10x50xi32, #tpu.memory_space<vmem>> -> memref<1x50xi32, #tpu.memory_space<vmem>>
        %dma_wait3A_263 = tpu.memref_squeeze %dma_wait3A_262 : memref<1x50xi32, #tpu.memory_space<vmem>> -> memref<50xi32, #tpu.memory_space<vmem>>
        %dma_wait3A_264 = arith.constant 0 : i32
        %dma_wait3A_265 = arith.constant 0 : i32
        %dma_wait3A_266 = tpu.memref_slice %arg13[%dma_wait3A_264, %dma_wait3A_265] : memref<50048x40xf32, #tpu.memory_space<vmem_shared>> -> memref<50048x40xf32, #tpu.memory_space<vmem_shared>>
        tpu.wait_indirect_dma semaphore(%arg17 : memref<!tpu.dma_semaphore, #tpu.memory_space<semaphore_mem>>) src(%arg12 : memref<50x40xf32, #tpu.memory_space<vmem>>) dst(%dma_wait3A_266 : memref<50048x40xf32, #tpu.memory_space<vmem_shared>>)
        %dma_start3A_267 = arith.constant 9 : i32
        %dma_start3A_268 = arith.constant 0 : i32
        %dma_start3A_269 = tpu.memref_slice %arg10[%dma_start3A_267, %dma_start3A_268] : memref<10x50xi32, #tpu.memory_space<vmem>> -> memref<1x50xi32, #tpu.memory_space<vmem>>
        %dma_start3A_270 = tpu.memref_squeeze %dma_start3A_269 : memref<1x50xi32, #tpu.memory_space<vmem>> -> memref<50xi32, #tpu.memory_space<vmem>>
        %dma_start3A_271 = arith.constant 0 : i32
        %dma_start3A_272 = arith.constant 0 : i32
        %dma_start3A_273 = tpu.memref_slice %arg2[%dma_start3A_271, %dma_start3A_272] : memref<50000x40xf32, #tpu.memory_space<hbm>> -> memref<50000x40xf32, #tpu.memory_space<hbm>>
        tpu.enqueue_indirect_dma source(%dma_start3A_273 : memref<50000x40xf32, #tpu.memory_space<hbm>>) target(%arg12 : memref<50x40xf32, #tpu.memory_space<vmem>>) offsets(%dma_start3A_270 : memref<50xi32, #tpu.memory_space<vmem>>) semaphore(%arg15 : memref<!tpu.dma_semaphore, #tpu.memory_space<semaphore_mem>>)
        %dma_wait3A_274 = arith.constant 8 : i32
        %dma_wait3A_275 = arith.constant 0 : i32
        %dma_wait3A_276 = tpu.memref_slice %arg10[%dma_wait3A_274, %dma_wait3A_275] : memref<10x50xi32, #tpu.memory_space<vmem>> -> memref<1x50xi32, #tpu.memory_space<vmem>>
        %dma_wait3A_277 = tpu.memref_squeeze %dma_wait3A_276 : memref<1x50xi32, #tpu.memory_space<vmem>> -> memref<50xi32, #tpu.memory_space<vmem>>
        %dma_wait3A_278 = arith.constant 0 : i32
        %dma_wait3A_279 = arith.constant 0 : i32
        %dma_wait3A_280 = tpu.memref_slice %arg2[%dma_wait3A_278, %dma_wait3A_279] : memref<50000x40xf32, #tpu.memory_space<hbm>> -> memref<50000x40xf32, #tpu.memory_space<hbm>>
        tpu.wait_indirect_dma semaphore(%arg14 : memref<!tpu.dma_semaphore, #tpu.memory_space<semaphore_mem>>) src(%dma_wait3A_280 : memref<50000x40xf32, #tpu.memory_space<hbm>>) dst(%arg11 : memref<50x40xf32, #tpu.memory_space<vmem>>)
        %dma_start3A_281 = arith.constant 8 : i32
        %dma_start3A_282 = arith.constant 0 : i32
        %dma_start3A_283 = tpu.memref_slice %arg9[%dma_start3A_281, %dma_start3A_282] : memref<10x50xi32, #tpu.memory_space<vmem>> -> memref<1x50xi32, #tpu.memory_space<vmem>>
        %dma_start3A_284 = tpu.memref_squeeze %dma_start3A_283 : memref<1x50xi32, #tpu.memory_space<vmem>> -> memref<50xi32, #tpu.memory_space<vmem>>
        %dma_start3A_285 = arith.constant 0 : i32
        %dma_start3A_286 = arith.constant 0 : i32
        %dma_start3A_287 = tpu.memref_slice %arg13[%dma_start3A_285, %dma_start3A_286] : memref<50048x40xf32, #tpu.memory_space<vmem_shared>> -> memref<50048x40xf32, #tpu.memory_space<vmem_shared>>
        tpu.enqueue_indirect_dma source(%arg11 : memref<50x40xf32, #tpu.memory_space<vmem>>) target(%dma_start3A_287 : memref<50048x40xf32, #tpu.memory_space<vmem_shared>>) offsets(%dma_start3A_284 : memref<50xi32, #tpu.memory_space<vmem>>) semaphore(%arg16 : memref<!tpu.dma_semaphore, #tpu.memory_space<semaphore_mem>>) {add = true}
        %dma_wait3A_288 = arith.constant 9 : i32
        %dma_wait3A_289 = arith.constant 0 : i32
        %dma_wait3A_290 = tpu.memref_slice %arg10[%dma_wait3A_288, %dma_wait3A_289] : memref<10x50xi32, #tpu.memory_space<vmem>> -> memref<1x50xi32, #tpu.memory_space<vmem>>
        %dma_wait3A_291 = tpu.memref_squeeze %dma_wait3A_290 : memref<1x50xi32, #tpu.memory_space<vmem>> -> memref<50xi32, #tpu.memory_space<vmem>>
        %dma_wait3A_292 = arith.constant 0 : i32
        %dma_wait3A_293 = arith.constant 0 : i32
        %dma_wait3A_294 = tpu.memref_slice %arg2[%dma_wait3A_292, %dma_wait3A_293] : memref<50000x40xf32, #tpu.memory_space<hbm>> -> memref<50000x40xf32, #tpu.memory_space<hbm>>
        tpu.wait_indirect_dma semaphore(%arg15 : memref<!tpu.dma_semaphore, #tpu.memory_space<semaphore_mem>>) src(%dma_wait3A_294 : memref<50000x40xf32, #tpu.memory_space<hbm>>) dst(%arg12 : memref<50x40xf32, #tpu.memory_space<vmem>>)
        %dma_start3A_295 = arith.constant 9 : i32
        %dma_start3A_296 = arith.constant 0 : i32
        %dma_start3A_297 = tpu.memref_slice %arg9[%dma_start3A_295, %dma_start3A_296] : memref<10x50xi32, #tpu.memory_space<vmem>> -> memref<1x50xi32, #tpu.memory_space<vmem>>
        %dma_start3A_298 = tpu.memref_squeeze %dma_start3A_297 : memref<1x50xi32, #tpu.memory_space<vmem>> -> memref<50xi32, #tpu.memory_space<vmem>>
        %dma_start3A_299 = arith.constant 0 : i32
        %dma_start3A_300 = arith.constant 0 : i32
        %dma_start3A_301 = tpu.memref_slice %arg13[%dma_start3A_299, %dma_start3A_300] : memref<50048x40xf32, #tpu.memory_space<vmem_shared>> -> memref<50048x40xf32, #tpu.memory_space<vmem_shared>>
        tpu.enqueue_indirect_dma source(%arg12 : memref<50x40xf32, #tpu.memory_space<vmem>>) target(%dma_start3A_301 : memref<50048x40xf32, #tpu.memory_space<vmem_shared>>) offsets(%dma_start3A_298 : memref<50xi32, #tpu.memory_space<vmem>>) semaphore(%arg17 : memref<!tpu.dma_semaphore, #tpu.memory_space<semaphore_mem>>) {add = true}
        %dma_wait3A_302 = arith.constant 8 : i32
        %dma_wait3A_303 = arith.constant 0 : i32
        %dma_wait3A_304 = tpu.memref_slice %arg9[%dma_wait3A_302, %dma_wait3A_303] : memref<10x50xi32, #tpu.memory_space<vmem>> -> memref<1x50xi32, #tpu.memory_space<vmem>>
        %dma_wait3A_305 = tpu.memref_squeeze %dma_wait3A_304 : memref<1x50xi32, #tpu.memory_space<vmem>> -> memref<50xi32, #tpu.memory_space<vmem>>
        %dma_wait3A_306 = arith.constant 0 : i32
        %dma_wait3A_307 = arith.constant 0 : i32
        %dma_wait3A_308 = tpu.memref_slice %arg13[%dma_wait3A_306, %dma_wait3A_307] : memref<50048x40xf32, #tpu.memory_space<vmem_shared>> -> memref<50048x40xf32, #tpu.memory_space<vmem_shared>>
        tpu.wait_indirect_dma semaphore(%arg16 : memref<!tpu.dma_semaphore, #tpu.memory_space<semaphore_mem>>) src(%arg11 : memref<50x40xf32, #tpu.memory_space<vmem>>) dst(%dma_wait3A_308 : memref<50048x40xf32, #tpu.memory_space<vmem_shared>>)
        %dma_wait3A_309 = arith.constant 9 : i32
        %dma_wait3A_310 = arith.constant 0 : i32
        %dma_wait3A_311 = tpu.memref_slice %arg9[%dma_wait3A_309, %dma_wait3A_310] : memref<10x50xi32, #tpu.memory_space<vmem>> -> memref<1x50xi32, #tpu.memory_space<vmem>>
        %dma_wait3A_312 = tpu.memref_squeeze %dma_wait3A_311 : memref<1x50xi32, #tpu.memory_space<vmem>> -> memref<50xi32, #tpu.memory_space<vmem>>
        %dma_wait3A_313 = arith.constant 0 : i32
        %dma_wait3A_314 = arith.constant 0 : i32
        %dma_wait3A_315 = tpu.memref_slice %arg13[%dma_wait3A_313, %dma_wait3A_314] : memref<50048x40xf32, #tpu.memory_space<vmem_shared>> -> memref<50048x40xf32, #tpu.memory_space<vmem_shared>>
        tpu.wait_indirect_dma semaphore(%arg17 : memref<!tpu.dma_semaphore, #tpu.memory_space<semaphore_mem>>) src(%arg12 : memref<50x40xf32, #tpu.memory_space<vmem>>) dst(%dma_wait3A_315 : memref<50048x40xf32, #tpu.memory_space<vmem_shared>>)
        %scan3A_316 = arith.constant 0 : i32
        scf.yield %scan3A_316 : i32
      }
      %scan3A_33 = arith.constant 100 : i32
    } else {
    }
    %eq3A_11 = arith.constant 1 : i32
    %eq3A_12 = arith.cmpi eq, %arg0, %eq3A_11 : i32
    %convert_element_type3A_13 = arith.extui %eq3A_12 : i1 to i32
    %cond3A_14 = arith.constant 0 : i32
    %cond3A_15 = arith.cmpi ne, %convert_element_type3A_13, %cond3A_14 : i32
    scf.if %cond3A_15 {
      %scan3A_27 = arith.constant 0 : i32
      %scan3A_28 = arith.constant 0 : i32
      %scan3A_29 = arith.constant 100 : i32
      %scan3A_30 = arith.addi %scan3A_28, %scan3A_29 : i32
      %scan3A_31 = arith.constant 1 : i32
      %scan3A_32 = scf.for %scan3A_34 = %scan3A_28 to %scan3A_30 step %scan3A_31 iter_args(%scan3A_35 = %scan3A_27) -> (i32)  : i32 {
        %mul3A_36 = arith.constant 10 : i32
        %mul3A_37 = arith.muli %scan3A_34, %mul3A_36 : i32
        %add3A = arith.addi %mul3A_8, %mul3A_37 : i32
        "tpu.region"() ({
          %run_scoped3A = tpu.sem_alloc : memref<!tpu.dma_semaphore, #tpu.memory_space<semaphore_mem>>
          %dma_start3A_317 = arith.constant 0 : i32
          %dma_start3A_318 = tpu.memref_slice %arg4[%add3A, %dma_start3A_317] : memref<16000x50xi32, #tpu.memory_space<hbm>> -> memref<10x50xi32, #tpu.memory_space<hbm>>
          %dma_start3A_319 = arith.constant 0 : i32
          %dma_start3A_320 = tpu.memref_slice %arg4[%add3A, %dma_start3A_319] : memref<16000x50xi32, #tpu.memory_space<hbm>> -> memref<10x50xi32, #tpu.memory_space<hbm>>
          tpu.enqueue_dma source(%dma_start3A_320 : memref<10x50xi32, #tpu.memory_space<hbm>>) target(%arg9 : memref<10x50xi32, #tpu.memory_space<vmem>>) target_semaphore(%run_scoped3A : memref<!tpu.dma_semaphore, #tpu.memory_space<semaphore_mem>>)
          %dma_wait3A_321 = arith.constant 0 : i32
          %dma_wait3A_322 = tpu.memref_slice %arg4[%add3A, %dma_wait3A_321] : memref<16000x50xi32, #tpu.memory_space<hbm>> -> memref<10x50xi32, #tpu.memory_space<hbm>>
          %dma_wait3A_323 = arith.constant 0 : i32
          %dma_wait3A_324 = tpu.memref_slice %arg4[%add3A, %dma_wait3A_323] : memref<16000x50xi32, #tpu.memory_space<hbm>> -> memref<10x50xi32, #tpu.memory_space<hbm>>
          tpu.wait_dma2 semaphore(%run_scoped3A : memref<!tpu.dma_semaphore, #tpu.memory_space<semaphore_mem>>) src(%dma_wait3A_324 : memref<10x50xi32, #tpu.memory_space<hbm>>) dst(%arg9 : memref<10x50xi32, #tpu.memory_space<vmem>>)
          tpu.yield
        }) : () -> ()
        "tpu.region"() ({
          %run_scoped3A = tpu.sem_alloc : memref<!tpu.dma_semaphore, #tpu.memory_space<semaphore_mem>>
          %dma_start3A_317 = arith.constant 0 : i32
          %dma_start3A_318 = tpu.memref_slice %arg5[%add3A, %dma_start3A_317] : memref<16000x50xi32, #tpu.memory_space<hbm>> -> memref<10x50xi32, #tpu.memory_space<hbm>>
          %dma_start3A_319 = arith.constant 0 : i32
          %dma_start3A_320 = tpu.memref_slice %arg5[%add3A, %dma_start3A_319] : memref<16000x50xi32, #tpu.memory_space<hbm>> -> memref<10x50xi32, #tpu.memory_space<hbm>>
          tpu.enqueue_dma source(%dma_start3A_320 : memref<10x50xi32, #tpu.memory_space<hbm>>) target(%arg10 : memref<10x50xi32, #tpu.memory_space<vmem>>) target_semaphore(%run_scoped3A : memref<!tpu.dma_semaphore, #tpu.memory_space<semaphore_mem>>)
          %dma_wait3A_321 = arith.constant 0 : i32
          %dma_wait3A_322 = tpu.memref_slice %arg5[%add3A, %dma_wait3A_321] : memref<16000x50xi32, #tpu.memory_space<hbm>> -> memref<10x50xi32, #tpu.memory_space<hbm>>
          %dma_wait3A_323 = arith.constant 0 : i32
          %dma_wait3A_324 = tpu.memref_slice %arg5[%add3A, %dma_wait3A_323] : memref<16000x50xi32, #tpu.memory_space<hbm>> -> memref<10x50xi32, #tpu.memory_space<hbm>>
          tpu.wait_dma2 semaphore(%run_scoped3A : memref<!tpu.dma_semaphore, #tpu.memory_space<semaphore_mem>>) src(%dma_wait3A_324 : memref<10x50xi32, #tpu.memory_space<hbm>>) dst(%arg10 : memref<10x50xi32, #tpu.memory_space<vmem>>)
          tpu.yield
        }) : () -> ()
        %dma_start3A = arith.constant 0 : i32
        %dma_start3A_38 = arith.constant 0 : i32
        %dma_start3A_39 = tpu.memref_slice %arg10[%dma_start3A, %dma_start3A_38] : memref<10x50xi32, #tpu.memory_space<vmem>> -> memref<1x50xi32, #tpu.memory_space<vmem>>
        %dma_start3A_40 = tpu.memref_squeeze %dma_start3A_39 : memref<1x50xi32, #tpu.memory_space<vmem>> -> memref<50xi32, #tpu.memory_space<vmem>>
        %dma_start3A_41 = arith.constant 0 : i32
        %dma_start3A_42 = arith.constant 0 : i32
        %dma_start3A_43 = tpu.memref_slice %arg3[%dma_start3A_41, %dma_start3A_42] : memref<50000x40xf32, #tpu.memory_space<hbm>> -> memref<50000x40xf32, #tpu.memory_space<hbm>>
        tpu.enqueue_indirect_dma source(%dma_start3A_43 : memref<50000x40xf32, #tpu.memory_space<hbm>>) target(%arg11 : memref<50x40xf32, #tpu.memory_space<vmem>>) offsets(%dma_start3A_40 : memref<50xi32, #tpu.memory_space<vmem>>) semaphore(%arg14 : memref<!tpu.dma_semaphore, #tpu.memory_space<semaphore_mem>>)
        %dma_start3A_44 = arith.constant 1 : i32
        %dma_start3A_45 = arith.constant 0 : i32
        %dma_start3A_46 = tpu.memref_slice %arg10[%dma_start3A_44, %dma_start3A_45] : memref<10x50xi32, #tpu.memory_space<vmem>> -> memref<1x50xi32, #tpu.memory_space<vmem>>
        %dma_start3A_47 = tpu.memref_squeeze %dma_start3A_46 : memref<1x50xi32, #tpu.memory_space<vmem>> -> memref<50xi32, #tpu.memory_space<vmem>>
        %dma_start3A_48 = arith.constant 0 : i32
        %dma_start3A_49 = arith.constant 0 : i32
        %dma_start3A_50 = tpu.memref_slice %arg3[%dma_start3A_48, %dma_start3A_49] : memref<50000x40xf32, #tpu.memory_space<hbm>> -> memref<50000x40xf32, #tpu.memory_space<hbm>>
        tpu.enqueue_indirect_dma source(%dma_start3A_50 : memref<50000x40xf32, #tpu.memory_space<hbm>>) target(%arg12 : memref<50x40xf32, #tpu.memory_space<vmem>>) offsets(%dma_start3A_47 : memref<50xi32, #tpu.memory_space<vmem>>) semaphore(%arg15 : memref<!tpu.dma_semaphore, #tpu.memory_space<semaphore_mem>>)
        %dma_wait3A = arith.constant 0 : i32
        %dma_wait3A_51 = arith.constant 0 : i32
        %dma_wait3A_52 = tpu.memref_slice %arg10[%dma_wait3A, %dma_wait3A_51] : memref<10x50xi32, #tpu.memory_space<vmem>> -> memref<1x50xi32, #tpu.memory_space<vmem>>
        %dma_wait3A_53 = tpu.memref_squeeze %dma_wait3A_52 : memref<1x50xi32, #tpu.memory_space<vmem>> -> memref<50xi32, #tpu.memory_space<vmem>>
        %dma_wait3A_54 = arith.constant 0 : i32
        %dma_wait3A_55 = arith.constant 0 : i32
        %dma_wait3A_56 = tpu.memref_slice %arg3[%dma_wait3A_54, %dma_wait3A_55] : memref<50000x40xf32, #tpu.memory_space<hbm>> -> memref<50000x40xf32, #tpu.memory_space<hbm>>
        tpu.wait_indirect_dma semaphore(%arg14 : memref<!tpu.dma_semaphore, #tpu.memory_space<semaphore_mem>>) src(%dma_wait3A_56 : memref<50000x40xf32, #tpu.memory_space<hbm>>) dst(%arg11 : memref<50x40xf32, #tpu.memory_space<vmem>>)
        %dma_start3A_57 = arith.constant 0 : i32
        %dma_start3A_58 = arith.constant 0 : i32
        %dma_start3A_59 = tpu.memref_slice %arg9[%dma_start3A_57, %dma_start3A_58] : memref<10x50xi32, #tpu.memory_space<vmem>> -> memref<1x50xi32, #tpu.memory_space<vmem>>
        %dma_start3A_60 = tpu.memref_squeeze %dma_start3A_59 : memref<1x50xi32, #tpu.memory_space<vmem>> -> memref<50xi32, #tpu.memory_space<vmem>>
        %dma_start3A_61 = arith.constant 0 : i32
        %dma_start3A_62 = arith.constant 0 : i32
        %dma_start3A_63 = tpu.memref_slice %arg13[%dma_start3A_61, %dma_start3A_62] : memref<50048x40xf32, #tpu.memory_space<vmem_shared>> -> memref<50048x40xf32, #tpu.memory_space<vmem_shared>>
        tpu.enqueue_indirect_dma source(%arg11 : memref<50x40xf32, #tpu.memory_space<vmem>>) target(%dma_start3A_63 : memref<50048x40xf32, #tpu.memory_space<vmem_shared>>) offsets(%dma_start3A_60 : memref<50xi32, #tpu.memory_space<vmem>>) semaphore(%arg16 : memref<!tpu.dma_semaphore, #tpu.memory_space<semaphore_mem>>) {add = true}
        %dma_wait3A_64 = arith.constant 0 : i32
        %dma_wait3A_65 = arith.constant 0 : i32
        %dma_wait3A_66 = tpu.memref_slice %arg9[%dma_wait3A_64, %dma_wait3A_65] : memref<10x50xi32, #tpu.memory_space<vmem>> -> memref<1x50xi32, #tpu.memory_space<vmem>>
        %dma_wait3A_67 = tpu.memref_squeeze %dma_wait3A_66 : memref<1x50xi32, #tpu.memory_space<vmem>> -> memref<50xi32, #tpu.memory_space<vmem>>
        %dma_wait3A_68 = arith.constant 0 : i32
        %dma_wait3A_69 = arith.constant 0 : i32
        %dma_wait3A_70 = tpu.memref_slice %arg13[%dma_wait3A_68, %dma_wait3A_69] : memref<50048x40xf32, #tpu.memory_space<vmem_shared>> -> memref<50048x40xf32, #tpu.memory_space<vmem_shared>>
        tpu.wait_indirect_dma semaphore(%arg16 : memref<!tpu.dma_semaphore, #tpu.memory_space<semaphore_mem>>) src(%arg11 : memref<50x40xf32, #tpu.memory_space<vmem>>) dst(%dma_wait3A_70 : memref<50048x40xf32, #tpu.memory_space<vmem_shared>>)
        %dma_start3A_71 = arith.constant 2 : i32
        %dma_start3A_72 = arith.constant 0 : i32
        %dma_start3A_73 = tpu.memref_slice %arg10[%dma_start3A_71, %dma_start3A_72] : memref<10x50xi32, #tpu.memory_space<vmem>> -> memref<1x50xi32, #tpu.memory_space<vmem>>
        %dma_start3A_74 = tpu.memref_squeeze %dma_start3A_73 : memref<1x50xi32, #tpu.memory_space<vmem>> -> memref<50xi32, #tpu.memory_space<vmem>>
        %dma_start3A_75 = arith.constant 0 : i32
        %dma_start3A_76 = arith.constant 0 : i32
        %dma_start3A_77 = tpu.memref_slice %arg3[%dma_start3A_75, %dma_start3A_76] : memref<50000x40xf32, #tpu.memory_space<hbm>> -> memref<50000x40xf32, #tpu.memory_space<hbm>>
        tpu.enqueue_indirect_dma source(%dma_start3A_77 : memref<50000x40xf32, #tpu.memory_space<hbm>>) target(%arg11 : memref<50x40xf32, #tpu.memory_space<vmem>>) offsets(%dma_start3A_74 : memref<50xi32, #tpu.memory_space<vmem>>) semaphore(%arg14 : memref<!tpu.dma_semaphore, #tpu.memory_space<semaphore_mem>>)
        %dma_wait3A_78 = arith.constant 1 : i32
        %dma_wait3A_79 = arith.constant 0 : i32
        %dma_wait3A_80 = tpu.memref_slice %arg10[%dma_wait3A_78, %dma_wait3A_79] : memref<10x50xi32, #tpu.memory_space<vmem>> -> memref<1x50xi32, #tpu.memory_space<vmem>>
        %dma_wait3A_81 = tpu.memref_squeeze %dma_wait3A_80 : memref<1x50xi32, #tpu.memory_space<vmem>> -> memref<50xi32, #tpu.memory_space<vmem>>
        %dma_wait3A_82 = arith.constant 0 : i32
        %dma_wait3A_83 = arith.constant 0 : i32
        %dma_wait3A_84 = tpu.memref_slice %arg3[%dma_wait3A_82, %dma_wait3A_83] : memref<50000x40xf32, #tpu.memory_space<hbm>> -> memref<50000x40xf32, #tpu.memory_space<hbm>>
        tpu.wait_indirect_dma semaphore(%arg15 : memref<!tpu.dma_semaphore, #tpu.memory_space<semaphore_mem>>) src(%dma_wait3A_84 : memref<50000x40xf32, #tpu.memory_space<hbm>>) dst(%arg12 : memref<50x40xf32, #tpu.memory_space<vmem>>)
        %dma_start3A_85 = arith.constant 1 : i32
        %dma_start3A_86 = arith.constant 0 : i32
        %dma_start3A_87 = tpu.memref_slice %arg9[%dma_start3A_85, %dma_start3A_86] : memref<10x50xi32, #tpu.memory_space<vmem>> -> memref<1x50xi32, #tpu.memory_space<vmem>>
        %dma_start3A_88 = tpu.memref_squeeze %dma_start3A_87 : memref<1x50xi32, #tpu.memory_space<vmem>> -> memref<50xi32, #tpu.memory_space<vmem>>
        %dma_start3A_89 = arith.constant 0 : i32
        %dma_start3A_90 = arith.constant 0 : i32
        %dma_start3A_91 = tpu.memref_slice %arg13[%dma_start3A_89, %dma_start3A_90] : memref<50048x40xf32, #tpu.memory_space<vmem_shared>> -> memref<50048x40xf32, #tpu.memory_space<vmem_shared>>
        tpu.enqueue_indirect_dma source(%arg12 : memref<50x40xf32, #tpu.memory_space<vmem>>) target(%dma_start3A_91 : memref<50048x40xf32, #tpu.memory_space<vmem_shared>>) offsets(%dma_start3A_88 : memref<50xi32, #tpu.memory_space<vmem>>) semaphore(%arg17 : memref<!tpu.dma_semaphore, #tpu.memory_space<semaphore_mem>>) {add = true}
        %dma_wait3A_92 = arith.constant 1 : i32
        %dma_wait3A_93 = arith.constant 0 : i32
        %dma_wait3A_94 = tpu.memref_slice %arg9[%dma_wait3A_92, %dma_wait3A_93] : memref<10x50xi32, #tpu.memory_space<vmem>> -> memref<1x50xi32, #tpu.memory_space<vmem>>
        %dma_wait3A_95 = tpu.memref_squeeze %dma_wait3A_94 : memref<1x50xi32, #tpu.memory_space<vmem>> -> memref<50xi32, #tpu.memory_space<vmem>>
        %dma_wait3A_96 = arith.constant 0 : i32
        %dma_wait3A_97 = arith.constant 0 : i32
        %dma_wait3A_98 = tpu.memref_slice %arg13[%dma_wait3A_96, %dma_wait3A_97] : memref<50048x40xf32, #tpu.memory_space<vmem_shared>> -> memref<50048x40xf32, #tpu.memory_space<vmem_shared>>
        tpu.wait_indirect_dma semaphore(%arg17 : memref<!tpu.dma_semaphore, #tpu.memory_space<semaphore_mem>>) src(%arg12 : memref<50x40xf32, #tpu.memory_space<vmem>>) dst(%dma_wait3A_98 : memref<50048x40xf32, #tpu.memory_space<vmem_shared>>)
        %dma_start3A_99 = arith.constant 3 : i32
        %dma_start3A_100 = arith.constant 0 : i32
        %dma_start3A_101 = tpu.memref_slice %arg10[%dma_start3A_99, %dma_start3A_100] : memref<10x50xi32, #tpu.memory_space<vmem>> -> memref<1x50xi32, #tpu.memory_space<vmem>>
        %dma_start3A_102 = tpu.memref_squeeze %dma_start3A_101 : memref<1x50xi32, #tpu.memory_space<vmem>> -> memref<50xi32, #tpu.memory_space<vmem>>
        %dma_start3A_103 = arith.constant 0 : i32
        %dma_start3A_104 = arith.constant 0 : i32
        %dma_start3A_105 = tpu.memref_slice %arg3[%dma_start3A_103, %dma_start3A_104] : memref<50000x40xf32, #tpu.memory_space<hbm>> -> memref<50000x40xf32, #tpu.memory_space<hbm>>
        tpu.enqueue_indirect_dma source(%dma_start3A_105 : memref<50000x40xf32, #tpu.memory_space<hbm>>) target(%arg12 : memref<50x40xf32, #tpu.memory_space<vmem>>) offsets(%dma_start3A_102 : memref<50xi32, #tpu.memory_space<vmem>>) semaphore(%arg15 : memref<!tpu.dma_semaphore, #tpu.memory_space<semaphore_mem>>)
        %dma_wait3A_106 = arith.constant 2 : i32
        %dma_wait3A_107 = arith.constant 0 : i32
        %dma_wait3A_108 = tpu.memref_slice %arg10[%dma_wait3A_106, %dma_wait3A_107] : memref<10x50xi32, #tpu.memory_space<vmem>> -> memref<1x50xi32, #tpu.memory_space<vmem>>
        %dma_wait3A_109 = tpu.memref_squeeze %dma_wait3A_108 : memref<1x50xi32, #tpu.memory_space<vmem>> -> memref<50xi32, #tpu.memory_space<vmem>>
        %dma_wait3A_110 = arith.constant 0 : i32
        %dma_wait3A_111 = arith.constant 0 : i32
        %dma_wait3A_112 = tpu.memref_slice %arg3[%dma_wait3A_110, %dma_wait3A_111] : memref<50000x40xf32, #tpu.memory_space<hbm>> -> memref<50000x40xf32, #tpu.memory_space<hbm>>
        tpu.wait_indirect_dma semaphore(%arg14 : memref<!tpu.dma_semaphore, #tpu.memory_space<semaphore_mem>>) src(%dma_wait3A_112 : memref<50000x40xf32, #tpu.memory_space<hbm>>) dst(%arg11 : memref<50x40xf32, #tpu.memory_space<vmem>>)
        %dma_start3A_113 = arith.constant 2 : i32
        %dma_start3A_114 = arith.constant 0 : i32
        %dma_start3A_115 = tpu.memref_slice %arg9[%dma_start3A_113, %dma_start3A_114] : memref<10x50xi32, #tpu.memory_space<vmem>> -> memref<1x50xi32, #tpu.memory_space<vmem>>
        %dma_start3A_116 = tpu.memref_squeeze %dma_start3A_115 : memref<1x50xi32, #tpu.memory_space<vmem>> -> memref<50xi32, #tpu.memory_space<vmem>>
        %dma_start3A_117 = arith.constant 0 : i32
        %dma_start3A_118 = arith.constant 0 : i32
        %dma_start3A_119 = tpu.memref_slice %arg13[%dma_start3A_117, %dma_start3A_118] : memref<50048x40xf32, #tpu.memory_space<vmem_shared>> -> memref<50048x40xf32, #tpu.memory_space<vmem_shared>>
        tpu.enqueue_indirect_dma source(%arg11 : memref<50x40xf32, #tpu.memory_space<vmem>>) target(%dma_start3A_119 : memref<50048x40xf32, #tpu.memory_space<vmem_shared>>) offsets(%dma_start3A_116 : memref<50xi32, #tpu.memory_space<vmem>>) semaphore(%arg16 : memref<!tpu.dma_semaphore, #tpu.memory_space<semaphore_mem>>) {add = true}
        %dma_wait3A_120 = arith.constant 2 : i32
        %dma_wait3A_121 = arith.constant 0 : i32
        %dma_wait3A_122 = tpu.memref_slice %arg9[%dma_wait3A_120, %dma_wait3A_121] : memref<10x50xi32, #tpu.memory_space<vmem>> -> memref<1x50xi32, #tpu.memory_space<vmem>>
        %dma_wait3A_123 = tpu.memref_squeeze %dma_wait3A_122 : memref<1x50xi32, #tpu.memory_space<vmem>> -> memref<50xi32, #tpu.memory_space<vmem>>
        %dma_wait3A_124 = arith.constant 0 : i32
        %dma_wait3A_125 = arith.constant 0 : i32
        %dma_wait3A_126 = tpu.memref_slice %arg13[%dma_wait3A_124, %dma_wait3A_125] : memref<50048x40xf32, #tpu.memory_space<vmem_shared>> -> memref<50048x40xf32, #tpu.memory_space<vmem_shared>>
        tpu.wait_indirect_dma semaphore(%arg16 : memref<!tpu.dma_semaphore, #tpu.memory_space<semaphore_mem>>) src(%arg11 : memref<50x40xf32, #tpu.memory_space<vmem>>) dst(%dma_wait3A_126 : memref<50048x40xf32, #tpu.memory_space<vmem_shared>>)
        %dma_start3A_127 = arith.constant 4 : i32
        %dma_start3A_128 = arith.constant 0 : i32
        %dma_start3A_129 = tpu.memref_slice %arg10[%dma_start3A_127, %dma_start3A_128] : memref<10x50xi32, #tpu.memory_space<vmem>> -> memref<1x50xi32, #tpu.memory_space<vmem>>
        %dma_start3A_130 = tpu.memref_squeeze %dma_start3A_129 : memref<1x50xi32, #tpu.memory_space<vmem>> -> memref<50xi32, #tpu.memory_space<vmem>>
        %dma_start3A_131 = arith.constant 0 : i32
        %dma_start3A_132 = arith.constant 0 : i32
        %dma_start3A_133 = tpu.memref_slice %arg3[%dma_start3A_131, %dma_start3A_132] : memref<50000x40xf32, #tpu.memory_space<hbm>> -> memref<50000x40xf32, #tpu.memory_space<hbm>>
        tpu.enqueue_indirect_dma source(%dma_start3A_133 : memref<50000x40xf32, #tpu.memory_space<hbm>>) target(%arg11 : memref<50x40xf32, #tpu.memory_space<vmem>>) offsets(%dma_start3A_130 : memref<50xi32, #tpu.memory_space<vmem>>) semaphore(%arg14 : memref<!tpu.dma_semaphore, #tpu.memory_space<semaphore_mem>>)
        %dma_wait3A_134 = arith.constant 3 : i32
        %dma_wait3A_135 = arith.constant 0 : i32
        %dma_wait3A_136 = tpu.memref_slice %arg10[%dma_wait3A_134, %dma_wait3A_135] : memref<10x50xi32, #tpu.memory_space<vmem>> -> memref<1x50xi32, #tpu.memory_space<vmem>>
        %dma_wait3A_137 = tpu.memref_squeeze %dma_wait3A_136 : memref<1x50xi32, #tpu.memory_space<vmem>> -> memref<50xi32, #tpu.memory_space<vmem>>
        %dma_wait3A_138 = arith.constant 0 : i32
        %dma_wait3A_139 = arith.constant 0 : i32
        %dma_wait3A_140 = tpu.memref_slice %arg3[%dma_wait3A_138, %dma_wait3A_139] : memref<50000x40xf32, #tpu.memory_space<hbm>> -> memref<50000x40xf32, #tpu.memory_space<hbm>>
        tpu.wait_indirect_dma semaphore(%arg15 : memref<!tpu.dma_semaphore, #tpu.memory_space<semaphore_mem>>) src(%dma_wait3A_140 : memref<50000x40xf32, #tpu.memory_space<hbm>>) dst(%arg12 : memref<50x40xf32, #tpu.memory_space<vmem>>)
        %dma_start3A_141 = arith.constant 3 : i32
        %dma_start3A_142 = arith.constant 0 : i32
        %dma_start3A_143 = tpu.memref_slice %arg9[%dma_start3A_141, %dma_start3A_142] : memref<10x50xi32, #tpu.memory_space<vmem>> -> memref<1x50xi32, #tpu.memory_space<vmem>>
        %dma_start3A_144 = tpu.memref_squeeze %dma_start3A_143 : memref<1x50xi32, #tpu.memory_space<vmem>> -> memref<50xi32, #tpu.memory_space<vmem>>
        %dma_start3A_145 = arith.constant 0 : i32
        %dma_start3A_146 = arith.constant 0 : i32
        %dma_start3A_147 = tpu.memref_slice %arg13[%dma_start3A_145, %dma_start3A_146] : memref<50048x40xf32, #tpu.memory_space<vmem_shared>> -> memref<50048x40xf32, #tpu.memory_space<vmem_shared>>
        tpu.enqueue_indirect_dma source(%arg12 : memref<50x40xf32, #tpu.memory_space<vmem>>) target(%dma_start3A_147 : memref<50048x40xf32, #tpu.memory_space<vmem_shared>>) offsets(%dma_start3A_144 : memref<50xi32, #tpu.memory_space<vmem>>) semaphore(%arg17 : memref<!tpu.dma_semaphore, #tpu.memory_space<semaphore_mem>>) {add = true}
        %dma_wait3A_148 = arith.constant 3 : i32
        %dma_wait3A_149 = arith.constant 0 : i32
        %dma_wait3A_150 = tpu.memref_slice %arg9[%dma_wait3A_148, %dma_wait3A_149] : memref<10x50xi32, #tpu.memory_space<vmem>> -> memref<1x50xi32, #tpu.memory_space<vmem>>
        %dma_wait3A_151 = tpu.memref_squeeze %dma_wait3A_150 : memref<1x50xi32, #tpu.memory_space<vmem>> -> memref<50xi32, #tpu.memory_space<vmem>>
        %dma_wait3A_152 = arith.constant 0 : i32
        %dma_wait3A_153 = arith.constant 0 : i32
        %dma_wait3A_154 = tpu.memref_slice %arg13[%dma_wait3A_152, %dma_wait3A_153] : memref<50048x40xf32, #tpu.memory_space<vmem_shared>> -> memref<50048x40xf32, #tpu.memory_space<vmem_shared>>
        tpu.wait_indirect_dma semaphore(%arg17 : memref<!tpu.dma_semaphore, #tpu.memory_space<semaphore_mem>>) src(%arg12 : memref<50x40xf32, #tpu.memory_space<vmem>>) dst(%dma_wait3A_154 : memref<50048x40xf32, #tpu.memory_space<vmem_shared>>)
        %dma_start3A_155 = arith.constant 5 : i32
        %dma_start3A_156 = arith.constant 0 : i32
        %dma_start3A_157 = tpu.memref_slice %arg10[%dma_start3A_155, %dma_start3A_156] : memref<10x50xi32, #tpu.memory_space<vmem>> -> memref<1x50xi32, #tpu.memory_space<vmem>>
        %dma_start3A_158 = tpu.memref_squeeze %dma_start3A_157 : memref<1x50xi32, #tpu.memory_space<vmem>> -> memref<50xi32, #tpu.memory_space<vmem>>
        %dma_start3A_159 = arith.constant 0 : i32
        %dma_start3A_160 = arith.constant 0 : i32
        %dma_start3A_161 = tpu.memref_slice %arg3[%dma_start3A_159, %dma_start3A_160] : memref<50000x40xf32, #tpu.memory_space<hbm>> -> memref<50000x40xf32, #tpu.memory_space<hbm>>
        tpu.enqueue_indirect_dma source(%dma_start3A_161 : memref<50000x40xf32, #tpu.memory_space<hbm>>) target(%arg12 : memref<50x40xf32, #tpu.memory_space<vmem>>) offsets(%dma_start3A_158 : memref<50xi32, #tpu.memory_space<vmem>>) semaphore(%arg15 : memref<!tpu.dma_semaphore, #tpu.memory_space<semaphore_mem>>)
        %dma_wait3A_162 = arith.constant 4 : i32
        %dma_wait3A_163 = arith.constant 0 : i32
        %dma_wait3A_164 = tpu.memref_slice %arg10[%dma_wait3A_162, %dma_wait3A_163] : memref<10x50xi32, #tpu.memory_space<vmem>> -> memref<1x50xi32, #tpu.memory_space<vmem>>
        %dma_wait3A_165 = tpu.memref_squeeze %dma_wait3A_164 : memref<1x50xi32, #tpu.memory_space<vmem>> -> memref<50xi32, #tpu.memory_space<vmem>>
        %dma_wait3A_166 = arith.constant 0 : i32
        %dma_wait3A_167 = arith.constant 0 : i32
        %dma_wait3A_168 = tpu.memref_slice %arg3[%dma_wait3A_166, %dma_wait3A_167] : memref<50000x40xf32, #tpu.memory_space<hbm>> -> memref<50000x40xf32, #tpu.memory_space<hbm>>
        tpu.wait_indirect_dma semaphore(%arg14 : memref<!tpu.dma_semaphore, #tpu.memory_space<semaphore_mem>>) src(%dma_wait3A_168 : memref<50000x40xf32, #tpu.memory_space<hbm>>) dst(%arg11 : memref<50x40xf32, #tpu.memory_space<vmem>>)
        %dma_start3A_169 = arith.constant 4 : i32
        %dma_start3A_170 = arith.constant 0 : i32
        %dma_start3A_171 = tpu.memref_slice %arg9[%dma_start3A_169, %dma_start3A_170] : memref<10x50xi32, #tpu.memory_space<vmem>> -> memref<1x50xi32, #tpu.memory_space<vmem>>
        %dma_start3A_172 = tpu.memref_squeeze %dma_start3A_171 : memref<1x50xi32, #tpu.memory_space<vmem>> -> memref<50xi32, #tpu.memory_space<vmem>>
        %dma_start3A_173 = arith.constant 0 : i32
        %dma_start3A_174 = arith.constant 0 : i32
        %dma_start3A_175 = tpu.memref_slice %arg13[%dma_start3A_173, %dma_start3A_174] : memref<50048x40xf32, #tpu.memory_space<vmem_shared>> -> memref<50048x40xf32, #tpu.memory_space<vmem_shared>>
        tpu.enqueue_indirect_dma source(%arg11 : memref<50x40xf32, #tpu.memory_space<vmem>>) target(%dma_start3A_175 : memref<50048x40xf32, #tpu.memory_space<vmem_shared>>) offsets(%dma_start3A_172 : memref<50xi32, #tpu.memory_space<vmem>>) semaphore(%arg16 : memref<!tpu.dma_semaphore, #tpu.memory_space<semaphore_mem>>) {add = true}
        %dma_wait3A_176 = arith.constant 4 : i32
        %dma_wait3A_177 = arith.constant 0 : i32
        %dma_wait3A_178 = tpu.memref_slice %arg9[%dma_wait3A_176, %dma_wait3A_177] : memref<10x50xi32, #tpu.memory_space<vmem>> -> memref<1x50xi32, #tpu.memory_space<vmem>>
        %dma_wait3A_179 = tpu.memref_squeeze %dma_wait3A_178 : memref<1x50xi32, #tpu.memory_space<vmem>> -> memref<50xi32, #tpu.memory_space<vmem>>
        %dma_wait3A_180 = arith.constant 0 : i32
        %dma_wait3A_181 = arith.constant 0 : i32
        %dma_wait3A_182 = tpu.memref_slice %arg13[%dma_wait3A_180, %dma_wait3A_181] : memref<50048x40xf32, #tpu.memory_space<vmem_shared>> -> memref<50048x40xf32, #tpu.memory_space<vmem_shared>>
        tpu.wait_indirect_dma semaphore(%arg16 : memref<!tpu.dma_semaphore, #tpu.memory_space<semaphore_mem>>) src(%arg11 : memref<50x40xf32, #tpu.memory_space<vmem>>) dst(%dma_wait3A_182 : memref<50048x40xf32, #tpu.memory_space<vmem_shared>>)
        %dma_start3A_183 = arith.constant 6 : i32
        %dma_start3A_184 = arith.constant 0 : i32
        %dma_start3A_185 = tpu.memref_slice %arg10[%dma_start3A_183, %dma_start3A_184] : memref<10x50xi32, #tpu.memory_space<vmem>> -> memref<1x50xi32, #tpu.memory_space<vmem>>
        %dma_start3A_186 = tpu.memref_squeeze %dma_start3A_185 : memref<1x50xi32, #tpu.memory_space<vmem>> -> memref<50xi32, #tpu.memory_space<vmem>>
        %dma_start3A_187 = arith.constant 0 : i32
        %dma_start3A_188 = arith.constant 0 : i32
        %dma_start3A_189 = tpu.memref_slice %arg3[%dma_start3A_187, %dma_start3A_188] : memref<50000x40xf32, #tpu.memory_space<hbm>> -> memref<50000x40xf32, #tpu.memory_space<hbm>>
        tpu.enqueue_indirect_dma source(%dma_start3A_189 : memref<50000x40xf32, #tpu.memory_space<hbm>>) target(%arg11 : memref<50x40xf32, #tpu.memory_space<vmem>>) offsets(%dma_start3A_186 : memref<50xi32, #tpu.memory_space<vmem>>) semaphore(%arg14 : memref<!tpu.dma_semaphore, #tpu.memory_space<semaphore_mem>>)
        %dma_wait3A_190 = arith.constant 5 : i32
        %dma_wait3A_191 = arith.constant 0 : i32
        %dma_wait3A_192 = tpu.memref_slice %arg10[%dma_wait3A_190, %dma_wait3A_191] : memref<10x50xi32, #tpu.memory_space<vmem>> -> memref<1x50xi32, #tpu.memory_space<vmem>>
        %dma_wait3A_193 = tpu.memref_squeeze %dma_wait3A_192 : memref<1x50xi32, #tpu.memory_space<vmem>> -> memref<50xi32, #tpu.memory_space<vmem>>
        %dma_wait3A_194 = arith.constant 0 : i32
        %dma_wait3A_195 = arith.constant 0 : i32
        %dma_wait3A_196 = tpu.memref_slice %arg3[%dma_wait3A_194, %dma_wait3A_195] : memref<50000x40xf32, #tpu.memory_space<hbm>> -> memref<50000x40xf32, #tpu.memory_space<hbm>>
        tpu.wait_indirect_dma semaphore(%arg15 : memref<!tpu.dma_semaphore, #tpu.memory_space<semaphore_mem>>) src(%dma_wait3A_196 : memref<50000x40xf32, #tpu.memory_space<hbm>>) dst(%arg12 : memref<50x40xf32, #tpu.memory_space<vmem>>)
        %dma_start3A_197 = arith.constant 5 : i32
        %dma_start3A_198 = arith.constant 0 : i32
        %dma_start3A_199 = tpu.memref_slice %arg9[%dma_start3A_197, %dma_start3A_198] : memref<10x50xi32, #tpu.memory_space<vmem>> -> memref<1x50xi32, #tpu.memory_space<vmem>>
        %dma_start3A_200 = tpu.memref_squeeze %dma_start3A_199 : memref<1x50xi32, #tpu.memory_space<vmem>> -> memref<50xi32, #tpu.memory_space<vmem>>
        %dma_start3A_201 = arith.constant 0 : i32
        %dma_start3A_202 = arith.constant 0 : i32
        %dma_start3A_203 = tpu.memref_slice %arg13[%dma_start3A_201, %dma_start3A_202] : memref<50048x40xf32, #tpu.memory_space<vmem_shared>> -> memref<50048x40xf32, #tpu.memory_space<vmem_shared>>
        tpu.enqueue_indirect_dma source(%arg12 : memref<50x40xf32, #tpu.memory_space<vmem>>) target(%dma_start3A_203 : memref<50048x40xf32, #tpu.memory_space<vmem_shared>>) offsets(%dma_start3A_200 : memref<50xi32, #tpu.memory_space<vmem>>) semaphore(%arg17 : memref<!tpu.dma_semaphore, #tpu.memory_space<semaphore_mem>>) {add = true}
        %dma_wait3A_204 = arith.constant 5 : i32
        %dma_wait3A_205 = arith.constant 0 : i32
        %dma_wait3A_206 = tpu.memref_slice %arg9[%dma_wait3A_204, %dma_wait3A_205] : memref<10x50xi32, #tpu.memory_space<vmem>> -> memref<1x50xi32, #tpu.memory_space<vmem>>
        %dma_wait3A_207 = tpu.memref_squeeze %dma_wait3A_206 : memref<1x50xi32, #tpu.memory_space<vmem>> -> memref<50xi32, #tpu.memory_space<vmem>>
        %dma_wait3A_208 = arith.constant 0 : i32
        %dma_wait3A_209 = arith.constant 0 : i32
        %dma_wait3A_210 = tpu.memref_slice %arg13[%dma_wait3A_208, %dma_wait3A_209] : memref<50048x40xf32, #tpu.memory_space<vmem_shared>> -> memref<50048x40xf32, #tpu.memory_space<vmem_shared>>
        tpu.wait_indirect_dma semaphore(%arg17 : memref<!tpu.dma_semaphore, #tpu.memory_space<semaphore_mem>>) src(%arg12 : memref<50x40xf32, #tpu.memory_space<vmem>>) dst(%dma_wait3A_210 : memref<50048x40xf32, #tpu.memory_space<vmem_shared>>)
        %dma_start3A_211 = arith.constant 7 : i32
        %dma_start3A_212 = arith.constant 0 : i32
        %dma_start3A_213 = tpu.memref_slice %arg10[%dma_start3A_211, %dma_start3A_212] : memref<10x50xi32, #tpu.memory_space<vmem>> -> memref<1x50xi32, #tpu.memory_space<vmem>>
        %dma_start3A_214 = tpu.memref_squeeze %dma_start3A_213 : memref<1x50xi32, #tpu.memory_space<vmem>> -> memref<50xi32, #tpu.memory_space<vmem>>
        %dma_start3A_215 = arith.constant 0 : i32
        %dma_start3A_216 = arith.constant 0 : i32
        %dma_start3A_217 = tpu.memref_slice %arg3[%dma_start3A_215, %dma_start3A_216] : memref<50000x40xf32, #tpu.memory_space<hbm>> -> memref<50000x40xf32, #tpu.memory_space<hbm>>
        tpu.enqueue_indirect_dma source(%dma_start3A_217 : memref<50000x40xf32, #tpu.memory_space<hbm>>) target(%arg12 : memref<50x40xf32, #tpu.memory_space<vmem>>) offsets(%dma_start3A_214 : memref<50xi32, #tpu.memory_space<vmem>>) semaphore(%arg15 : memref<!tpu.dma_semaphore, #tpu.memory_space<semaphore_mem>>)
        %dma_wait3A_218 = arith.constant 6 : i32
        %dma_wait3A_219 = arith.constant 0 : i32
        %dma_wait3A_220 = tpu.memref_slice %arg10[%dma_wait3A_218, %dma_wait3A_219] : memref<10x50xi32, #tpu.memory_space<vmem>> -> memref<1x50xi32, #tpu.memory_space<vmem>>
        %dma_wait3A_221 = tpu.memref_squeeze %dma_wait3A_220 : memref<1x50xi32, #tpu.memory_space<vmem>> -> memref<50xi32, #tpu.memory_space<vmem>>
        %dma_wait3A_222 = arith.constant 0 : i32
        %dma_wait3A_223 = arith.constant 0 : i32
        %dma_wait3A_224 = tpu.memref_slice %arg3[%dma_wait3A_222, %dma_wait3A_223] : memref<50000x40xf32, #tpu.memory_space<hbm>> -> memref<50000x40xf32, #tpu.memory_space<hbm>>
        tpu.wait_indirect_dma semaphore(%arg14 : memref<!tpu.dma_semaphore, #tpu.memory_space<semaphore_mem>>) src(%dma_wait3A_224 : memref<50000x40xf32, #tpu.memory_space<hbm>>) dst(%arg11 : memref<50x40xf32, #tpu.memory_space<vmem>>)
        %dma_start3A_225 = arith.constant 6 : i32
        %dma_start3A_226 = arith.constant 0 : i32
        %dma_start3A_227 = tpu.memref_slice %arg9[%dma_start3A_225, %dma_start3A_226] : memref<10x50xi32, #tpu.memory_space<vmem>> -> memref<1x50xi32, #tpu.memory_space<vmem>>
        %dma_start3A_228 = tpu.memref_squeeze %dma_start3A_227 : memref<1x50xi32, #tpu.memory_space<vmem>> -> memref<50xi32, #tpu.memory_space<vmem>>
        %dma_start3A_229 = arith.constant 0 : i32
        %dma_start3A_230 = arith.constant 0 : i32
        %dma_start3A_231 = tpu.memref_slice %arg13[%dma_start3A_229, %dma_start3A_230] : memref<50048x40xf32, #tpu.memory_space<vmem_shared>> -> memref<50048x40xf32, #tpu.memory_space<vmem_shared>>
        tpu.enqueue_indirect_dma source(%arg11 : memref<50x40xf32, #tpu.memory_space<vmem>>) target(%dma_start3A_231 : memref<50048x40xf32, #tpu.memory_space<vmem_shared>>) offsets(%dma_start3A_228 : memref<50xi32, #tpu.memory_space<vmem>>) semaphore(%arg16 : memref<!tpu.dma_semaphore, #tpu.memory_space<semaphore_mem>>) {add = true}
        %dma_wait3A_232 = arith.constant 6 : i32
        %dma_wait3A_233 = arith.constant 0 : i32
        %dma_wait3A_234 = tpu.memref_slice %arg9[%dma_wait3A_232, %dma_wait3A_233] : memref<10x50xi32, #tpu.memory_space<vmem>> -> memref<1x50xi32, #tpu.memory_space<vmem>>
        %dma_wait3A_235 = tpu.memref_squeeze %dma_wait3A_234 : memref<1x50xi32, #tpu.memory_space<vmem>> -> memref<50xi32, #tpu.memory_space<vmem>>
        %dma_wait3A_236 = arith.constant 0 : i32
        %dma_wait3A_237 = arith.constant 0 : i32
        %dma_wait3A_238 = tpu.memref_slice %arg13[%dma_wait3A_236, %dma_wait3A_237] : memref<50048x40xf32, #tpu.memory_space<vmem_shared>> -> memref<50048x40xf32, #tpu.memory_space<vmem_shared>>
        tpu.wait_indirect_dma semaphore(%arg16 : memref<!tpu.dma_semaphore, #tpu.memory_space<semaphore_mem>>) src(%arg11 : memref<50x40xf32, #tpu.memory_space<vmem>>) dst(%dma_wait3A_238 : memref<50048x40xf32, #tpu.memory_space<vmem_shared>>)
        %dma_start3A_239 = arith.constant 8 : i32
        %dma_start3A_240 = arith.constant 0 : i32
        %dma_start3A_241 = tpu.memref_slice %arg10[%dma_start3A_239, %dma_start3A_240] : memref<10x50xi32, #tpu.memory_space<vmem>> -> memref<1x50xi32, #tpu.memory_space<vmem>>
        %dma_start3A_242 = tpu.memref_squeeze %dma_start3A_241 : memref<1x50xi32, #tpu.memory_space<vmem>> -> memref<50xi32, #tpu.memory_space<vmem>>
        %dma_start3A_243 = arith.constant 0 : i32
        %dma_start3A_244 = arith.constant 0 : i32
        %dma_start3A_245 = tpu.memref_slice %arg3[%dma_start3A_243, %dma_start3A_244] : memref<50000x40xf32, #tpu.memory_space<hbm>> -> memref<50000x40xf32, #tpu.memory_space<hbm>>
        tpu.enqueue_indirect_dma source(%dma_start3A_245 : memref<50000x40xf32, #tpu.memory_space<hbm>>) target(%arg11 : memref<50x40xf32, #tpu.memory_space<vmem>>) offsets(%dma_start3A_242 : memref<50xi32, #tpu.memory_space<vmem>>) semaphore(%arg14 : memref<!tpu.dma_semaphore, #tpu.memory_space<semaphore_mem>>)
        %dma_wait3A_246 = arith.constant 7 : i32
        %dma_wait3A_247 = arith.constant 0 : i32
        %dma_wait3A_248 = tpu.memref_slice %arg10[%dma_wait3A_246, %dma_wait3A_247] : memref<10x50xi32, #tpu.memory_space<vmem>> -> memref<1x50xi32, #tpu.memory_space<vmem>>
        %dma_wait3A_249 = tpu.memref_squeeze %dma_wait3A_248 : memref<1x50xi32, #tpu.memory_space<vmem>> -> memref<50xi32, #tpu.memory_space<vmem>>
        %dma_wait3A_250 = arith.constant 0 : i32
        %dma_wait3A_251 = arith.constant 0 : i32
        %dma_wait3A_252 = tpu.memref_slice %arg3[%dma_wait3A_250, %dma_wait3A_251] : memref<50000x40xf32, #tpu.memory_space<hbm>> -> memref<50000x40xf32, #tpu.memory_space<hbm>>
        tpu.wait_indirect_dma semaphore(%arg15 : memref<!tpu.dma_semaphore, #tpu.memory_space<semaphore_mem>>) src(%dma_wait3A_252 : memref<50000x40xf32, #tpu.memory_space<hbm>>) dst(%arg12 : memref<50x40xf32, #tpu.memory_space<vmem>>)
        %dma_start3A_253 = arith.constant 7 : i32
        %dma_start3A_254 = arith.constant 0 : i32
        %dma_start3A_255 = tpu.memref_slice %arg9[%dma_start3A_253, %dma_start3A_254] : memref<10x50xi32, #tpu.memory_space<vmem>> -> memref<1x50xi32, #tpu.memory_space<vmem>>
        %dma_start3A_256 = tpu.memref_squeeze %dma_start3A_255 : memref<1x50xi32, #tpu.memory_space<vmem>> -> memref<50xi32, #tpu.memory_space<vmem>>
        %dma_start3A_257 = arith.constant 0 : i32
        %dma_start3A_258 = arith.constant 0 : i32
        %dma_start3A_259 = tpu.memref_slice %arg13[%dma_start3A_257, %dma_start3A_258] : memref<50048x40xf32, #tpu.memory_space<vmem_shared>> -> memref<50048x40xf32, #tpu.memory_space<vmem_shared>>
        tpu.enqueue_indirect_dma source(%arg12 : memref<50x40xf32, #tpu.memory_space<vmem>>) target(%dma_start3A_259 : memref<50048x40xf32, #tpu.memory_space<vmem_shared>>) offsets(%dma_start3A_256 : memref<50xi32, #tpu.memory_space<vmem>>) semaphore(%arg17 : memref<!tpu.dma_semaphore, #tpu.memory_space<semaphore_mem>>) {add = true}
        %dma_wait3A_260 = arith.constant 7 : i32
        %dma_wait3A_261 = arith.constant 0 : i32
        %dma_wait3A_262 = tpu.memref_slice %arg9[%dma_wait3A_260, %dma_wait3A_261] : memref<10x50xi32, #tpu.memory_space<vmem>> -> memref<1x50xi32, #tpu.memory_space<vmem>>
        %dma_wait3A_263 = tpu.memref_squeeze %dma_wait3A_262 : memref<1x50xi32, #tpu.memory_space<vmem>> -> memref<50xi32, #tpu.memory_space<vmem>>
        %dma_wait3A_264 = arith.constant 0 : i32
        %dma_wait3A_265 = arith.constant 0 : i32
        %dma_wait3A_266 = tpu.memref_slice %arg13[%dma_wait3A_264, %dma_wait3A_265] : memref<50048x40xf32, #tpu.memory_space<vmem_shared>> -> memref<50048x40xf32, #tpu.memory_space<vmem_shared>>
        tpu.wait_indirect_dma semaphore(%arg17 : memref<!tpu.dma_semaphore, #tpu.memory_space<semaphore_mem>>) src(%arg12 : memref<50x40xf32, #tpu.memory_space<vmem>>) dst(%dma_wait3A_266 : memref<50048x40xf32, #tpu.memory_space<vmem_shared>>)
        %dma_start3A_267 = arith.constant 9 : i32
        %dma_start3A_268 = arith.constant 0 : i32
        %dma_start3A_269 = tpu.memref_slice %arg10[%dma_start3A_267, %dma_start3A_268] : memref<10x50xi32, #tpu.memory_space<vmem>> -> memref<1x50xi32, #tpu.memory_space<vmem>>
        %dma_start3A_270 = tpu.memref_squeeze %dma_start3A_269 : memref<1x50xi32, #tpu.memory_space<vmem>> -> memref<50xi32, #tpu.memory_space<vmem>>
        %dma_start3A_271 = arith.constant 0 : i32
        %dma_start3A_272 = arith.constant 0 : i32
        %dma_start3A_273 = tpu.memref_slice %arg3[%dma_start3A_271, %dma_start3A_272] : memref<50000x40xf32, #tpu.memory_space<hbm>> -> memref<50000x40xf32, #tpu.memory_space<hbm>>
        tpu.enqueue_indirect_dma source(%dma_start3A_273 : memref<50000x40xf32, #tpu.memory_space<hbm>>) target(%arg12 : memref<50x40xf32, #tpu.memory_space<vmem>>) offsets(%dma_start3A_270 : memref<50xi32, #tpu.memory_space<vmem>>) semaphore(%arg15 : memref<!tpu.dma_semaphore, #tpu.memory_space<semaphore_mem>>)
        %dma_wait3A_274 = arith.constant 8 : i32
        %dma_wait3A_275 = arith.constant 0 : i32
        %dma_wait3A_276 = tpu.memref_slice %arg10[%dma_wait3A_274, %dma_wait3A_275] : memref<10x50xi32, #tpu.memory_space<vmem>> -> memref<1x50xi32, #tpu.memory_space<vmem>>
        %dma_wait3A_277 = tpu.memref_squeeze %dma_wait3A_276 : memref<1x50xi32, #tpu.memory_space<vmem>> -> memref<50xi32, #tpu.memory_space<vmem>>
        %dma_wait3A_278 = arith.constant 0 : i32
        %dma_wait3A_279 = arith.constant 0 : i32
        %dma_wait3A_280 = tpu.memref_slice %arg3[%dma_wait3A_278, %dma_wait3A_279] : memref<50000x40xf32, #tpu.memory_space<hbm>> -> memref<50000x40xf32, #tpu.memory_space<hbm>>
        tpu.wait_indirect_dma semaphore(%arg14 : memref<!tpu.dma_semaphore, #tpu.memory_space<semaphore_mem>>) src(%dma_wait3A_280 : memref<50000x40xf32, #tpu.memory_space<hbm>>) dst(%arg11 : memref<50x40xf32, #tpu.memory_space<vmem>>)
        %dma_start3A_281 = arith.constant 8 : i32
        %dma_start3A_282 = arith.constant 0 : i32
        %dma_start3A_283 = tpu.memref_slice %arg9[%dma_start3A_281, %dma_start3A_282] : memref<10x50xi32, #tpu.memory_space<vmem>> -> memref<1x50xi32, #tpu.memory_space<vmem>>
        %dma_start3A_284 = tpu.memref_squeeze %dma_start3A_283 : memref<1x50xi32, #tpu.memory_space<vmem>> -> memref<50xi32, #tpu.memory_space<vmem>>
        %dma_start3A_285 = arith.constant 0 : i32
        %dma_start3A_286 = arith.constant 0 : i32
        %dma_start3A_287 = tpu.memref_slice %arg13[%dma_start3A_285, %dma_start3A_286] : memref<50048x40xf32, #tpu.memory_space<vmem_shared>> -> memref<50048x40xf32, #tpu.memory_space<vmem_shared>>
        tpu.enqueue_indirect_dma source(%arg11 : memref<50x40xf32, #tpu.memory_space<vmem>>) target(%dma_start3A_287 : memref<50048x40xf32, #tpu.memory_space<vmem_shared>>) offsets(%dma_start3A_284 : memref<50xi32, #tpu.memory_space<vmem>>) semaphore(%arg16 : memref<!tpu.dma_semaphore, #tpu.memory_space<semaphore_mem>>) {add = true}
        %dma_wait3A_288 = arith.constant 9 : i32
        %dma_wait3A_289 = arith.constant 0 : i32
        %dma_wait3A_290 = tpu.memref_slice %arg10[%dma_wait3A_288, %dma_wait3A_289] : memref<10x50xi32, #tpu.memory_space<vmem>> -> memref<1x50xi32, #tpu.memory_space<vmem>>
        %dma_wait3A_291 = tpu.memref_squeeze %dma_wait3A_290 : memref<1x50xi32, #tpu.memory_space<vmem>> -> memref<50xi32, #tpu.memory_space<vmem>>
        %dma_wait3A_292 = arith.constant 0 : i32
        %dma_wait3A_293 = arith.constant 0 : i32
        %dma_wait3A_294 = tpu.memref_slice %arg3[%dma_wait3A_292, %dma_wait3A_293] : memref<50000x40xf32, #tpu.memory_space<hbm>> -> memref<50000x40xf32, #tpu.memory_space<hbm>>
        tpu.wait_indirect_dma semaphore(%arg15 : memref<!tpu.dma_semaphore, #tpu.memory_space<semaphore_mem>>) src(%dma_wait3A_294 : memref<50000x40xf32, #tpu.memory_space<hbm>>) dst(%arg12 : memref<50x40xf32, #tpu.memory_space<vmem>>)
        %dma_start3A_295 = arith.constant 9 : i32
        %dma_start3A_296 = arith.constant 0 : i32
        %dma_start3A_297 = tpu.memref_slice %arg9[%dma_start3A_295, %dma_start3A_296] : memref<10x50xi32, #tpu.memory_space<vmem>> -> memref<1x50xi32, #tpu.memory_space<vmem>>
        %dma_start3A_298 = tpu.memref_squeeze %dma_start3A_297 : memref<1x50xi32, #tpu.memory_space<vmem>> -> memref<50xi32, #tpu.memory_space<vmem>>
        %dma_start3A_299 = arith.constant 0 : i32
        %dma_start3A_300 = arith.constant 0 : i32
        %dma_start3A_301 = tpu.memref_slice %arg13[%dma_start3A_299, %dma_start3A_300] : memref<50048x40xf32, #tpu.memory_space<vmem_shared>> -> memref<50048x40xf32, #tpu.memory_space<vmem_shared>>
        tpu.enqueue_indirect_dma source(%arg12 : memref<50x40xf32, #tpu.memory_space<vmem>>) target(%dma_start3A_301 : memref<50048x40xf32, #tpu.memory_space<vmem_shared>>) offsets(%dma_start3A_298 : memref<50xi32, #tpu.memory_space<vmem>>) semaphore(%arg17 : memref<!tpu.dma_semaphore, #tpu.memory_space<semaphore_mem>>) {add = true}
        %dma_wait3A_302 = arith.constant 8 : i32
        %dma_wait3A_303 = arith.constant 0 : i32
        %dma_wait3A_304 = tpu.memref_slice %arg9[%dma_wait3A_302, %dma_wait3A_303] : memref<10x50xi32, #tpu.memory_space<vmem>> -> memref<1x50xi32, #tpu.memory_space<vmem>>
        %dma_wait3A_305 = tpu.memref_squeeze %dma_wait3A_304 : memref<1x50xi32, #tpu.memory_space<vmem>> -> memref<50xi32, #tpu.memory_space<vmem>>
        %dma_wait3A_306 = arith.constant 0 : i32
        %dma_wait3A_307 = arith.constant 0 : i32
        %dma_wait3A_308 = tpu.memref_slice %arg13[%dma_wait3A_306, %dma_wait3A_307] : memref<50048x40xf32, #tpu.memory_space<vmem_shared>> -> memref<50048x40xf32, #tpu.memory_space<vmem_shared>>
        tpu.wait_indirect_dma semaphore(%arg16 : memref<!tpu.dma_semaphore, #tpu.memory_space<semaphore_mem>>) src(%arg11 : memref<50x40xf32, #tpu.memory_space<vmem>>) dst(%dma_wait3A_308 : memref<50048x40xf32, #tpu.memory_space<vmem_shared>>)
        %dma_wait3A_309 = arith.constant 9 : i32
        %dma_wait3A_310 = arith.constant 0 : i32
        %dma_wait3A_311 = tpu.memref_slice %arg9[%dma_wait3A_309, %dma_wait3A_310] : memref<10x50xi32, #tpu.memory_space<vmem>> -> memref<1x50xi32, #tpu.memory_space<vmem>>
        %dma_wait3A_312 = tpu.memref_squeeze %dma_wait3A_311 : memref<1x50xi32, #tpu.memory_space<vmem>> -> memref<50xi32, #tpu.memory_space<vmem>>
        %dma_wait3A_313 = arith.constant 0 : i32
        %dma_wait3A_314 = arith.constant 0 : i32
        %dma_wait3A_315 = tpu.memref_slice %arg13[%dma_wait3A_313, %dma_wait3A_314] : memref<50048x40xf32, #tpu.memory_space<vmem_shared>> -> memref<50048x40xf32, #tpu.memory_space<vmem_shared>>
        tpu.wait_indirect_dma semaphore(%arg17 : memref<!tpu.dma_semaphore, #tpu.memory_space<semaphore_mem>>) src(%arg12 : memref<50x40xf32, #tpu.memory_space<vmem>>) dst(%dma_wait3A_315 : memref<50048x40xf32, #tpu.memory_space<vmem_shared>>)
        %scan3A_316 = arith.constant 0 : i32
        scf.yield %scan3A_316 : i32
      }
      %scan3A_33 = arith.constant 100 : i32
    } else {
    }
    %barrier3A_16 = arith.constant 0 : index
    tpu.barrier barrier_id(%barrier3A_16)
    %eq3A_17 = arith.constant 0 : i32
    %eq3A_18 = arith.cmpi eq, %arg0, %eq3A_17 : i32
    %convert_element_type3A_19 = arith.extui %eq3A_18 : i1 to i32
    %cond3A_20 = arith.constant 0 : i32
    %cond3A_21 = arith.cmpi ne, %convert_element_type3A_19, %cond3A_20 : i32
    scf.if %cond3A_21 {
      %scan3A_27 = arith.constant 0 : i32
      %scan3A_28 = arith.constant 0 : i32
      %scan3A_29 = arith.constant 68 : i32
      %scan3A_30 = arith.addi %scan3A_28, %scan3A_29 : i32
      %scan3A_31 = arith.constant 1 : i32
      %scan3A_32 = scf.for %scan3A_34 = %scan3A_28 to %scan3A_30 step %scan3A_31 iter_args(%scan3A_35 = %scan3A_27) -> (i32)  : i32 {
        %mul3A_36 = arith.constant 46 : i32
        %mul3A_37 = arith.muli %scan3A_34, %mul3A_36 : i32
        %add3A = arith.addi %mul3A_0, %mul3A_37 : i32
        "tpu.region"() ({
          %run_scoped3A = tpu.sem_alloc : memref<!tpu.dma_semaphore, #tpu.memory_space<semaphore_mem>>
          %dma_start3A = arith.constant 0 : i32
          %dma_start3A_39 = arith.constant 0 : i32
          %dma_start3A_40 = tpu.memref_slice %arg11[%dma_start3A, %dma_start3A_39] : memref<50x40xf32, #tpu.memory_space<vmem>> -> memref<46x40xf32, #tpu.memory_space<vmem>>
          %dma_start3A_41 = arith.constant 0 : i32
          %dma_start3A_42 = tpu.memref_slice %arg13[%add3A, %dma_start3A_41] : memref<50048x40xf32, #tpu.memory_space<vmem_shared>> -> memref<46x40xf32, #tpu.memory_space<vmem_shared>>
          %dma_start3A_43 = arith.constant 0 : i32
          %dma_start3A_44 = arith.constant 0 : i32
          %dma_start3A_45 = tpu.memref_slice %arg11[%dma_start3A_43, %dma_start3A_44] : memref<50x40xf32, #tpu.memory_space<vmem>> -> memref<46x40xf32, #tpu.memory_space<vmem>>
          %dma_start3A_46 = arith.constant 0 : i32
          %dma_start3A_47 = tpu.memref_slice %arg13[%add3A, %dma_start3A_46] : memref<50048x40xf32, #tpu.memory_space<vmem_shared>> -> memref<46x40xf32, #tpu.memory_space<vmem_shared>>
          tpu.enqueue_dma source(%dma_start3A_47 : memref<46x40xf32, #tpu.memory_space<vmem_shared>>) target(%dma_start3A_45 : memref<46x40xf32, #tpu.memory_space<vmem>>) target_semaphore(%run_scoped3A : memref<!tpu.dma_semaphore, #tpu.memory_space<semaphore_mem>>)
          %dma_wait3A = arith.constant 0 : i32
          %dma_wait3A_48 = arith.constant 0 : i32
          %dma_wait3A_49 = tpu.memref_slice %arg11[%dma_wait3A, %dma_wait3A_48] : memref<50x40xf32, #tpu.memory_space<vmem>> -> memref<46x40xf32, #tpu.memory_space<vmem>>
          %dma_wait3A_50 = arith.constant 0 : i32
          %dma_wait3A_51 = tpu.memref_slice %arg13[%add3A, %dma_wait3A_50] : memref<50048x40xf32, #tpu.memory_space<vmem_shared>> -> memref<46x40xf32, #tpu.memory_space<vmem_shared>>
          %dma_wait3A_52 = arith.constant 0 : i32
          %dma_wait3A_53 = arith.constant 0 : i32
          %dma_wait3A_54 = tpu.memref_slice %arg11[%dma_wait3A_52, %dma_wait3A_53] : memref<50x40xf32, #tpu.memory_space<vmem>> -> memref<46x40xf32, #tpu.memory_space<vmem>>
          %dma_wait3A_55 = arith.constant 0 : i32
          %dma_wait3A_56 = tpu.memref_slice %arg13[%add3A, %dma_wait3A_55] : memref<50048x40xf32, #tpu.memory_space<vmem_shared>> -> memref<46x40xf32, #tpu.memory_space<vmem_shared>>
          tpu.wait_dma2 semaphore(%run_scoped3A : memref<!tpu.dma_semaphore, #tpu.memory_space<semaphore_mem>>) src(%dma_wait3A_56 : memref<46x40xf32, #tpu.memory_space<vmem_shared>>) dst(%dma_wait3A_54 : memref<46x40xf32, #tpu.memory_space<vmem>>)
          tpu.yield
        }) : () -> ()
        "tpu.region"() ({
          %run_scoped3A = tpu.sem_alloc : memref<!tpu.dma_semaphore, #tpu.memory_space<semaphore_mem>>
          %dma_start3A = arith.constant 0 : i32
          %dma_start3A_39 = arith.constant 0 : i32
          %dma_start3A_40 = tpu.memref_slice %arg11[%dma_start3A, %dma_start3A_39] : memref<50x40xf32, #tpu.memory_space<vmem>> -> memref<46x40xf32, #tpu.memory_space<vmem>>
          %dma_start3A_41 = arith.constant 0 : i32
          %dma_start3A_42 = tpu.memref_slice %arg7[%add3A, %dma_start3A_41] : memref<50048x40xf32, #tpu.memory_space<hbm>> -> memref<46x40xf32, #tpu.memory_space<hbm>>
          %dma_start3A_43 = arith.constant 0 : i32
          %dma_start3A_44 = tpu.memref_slice %arg7[%add3A, %dma_start3A_43] : memref<50048x40xf32, #tpu.memory_space<hbm>> -> memref<46x40xf32, #tpu.memory_space<hbm>>
          %dma_start3A_45 = arith.constant 0 : i32
          %dma_start3A_46 = arith.constant 0 : i32
          %dma_start3A_47 = tpu.memref_slice %arg11[%dma_start3A_45, %dma_start3A_46] : memref<50x40xf32, #tpu.memory_space<vmem>> -> memref<46x40xf32, #tpu.memory_space<vmem>>
          tpu.enqueue_dma source(%dma_start3A_47 : memref<46x40xf32, #tpu.memory_space<vmem>>) target(%dma_start3A_44 : memref<46x40xf32, #tpu.memory_space<hbm>>) target_semaphore(%run_scoped3A : memref<!tpu.dma_semaphore, #tpu.memory_space<semaphore_mem>>)
          %dma_wait3A = arith.constant 0 : i32
          %dma_wait3A_48 = arith.constant 0 : i32
          %dma_wait3A_49 = tpu.memref_slice %arg11[%dma_wait3A, %dma_wait3A_48] : memref<50x40xf32, #tpu.memory_space<vmem>> -> memref<46x40xf32, #tpu.memory_space<vmem>>
          %dma_wait3A_50 = arith.constant 0 : i32
          %dma_wait3A_51 = tpu.memref_slice %arg7[%add3A, %dma_wait3A_50] : memref<50048x40xf32, #tpu.memory_space<hbm>> -> memref<46x40xf32, #tpu.memory_space<hbm>>
          %dma_wait3A_52 = arith.constant 0 : i32
          %dma_wait3A_53 = tpu.memref_slice %arg7[%add3A, %dma_wait3A_52] : memref<50048x40xf32, #tpu.memory_space<hbm>> -> memref<46x40xf32, #tpu.memory_space<hbm>>
          %dma_wait3A_54 = arith.constant 0 : i32
          %dma_wait3A_55 = arith.constant 0 : i32
          %dma_wait3A_56 = tpu.memref_slice %arg11[%dma_wait3A_54, %dma_wait3A_55] : memref<50x40xf32, #tpu.memory_space<vmem>> -> memref<46x40xf32, #tpu.memory_space<vmem>>
          tpu.wait_dma2 semaphore(%run_scoped3A : memref<!tpu.dma_semaphore, #tpu.memory_space<semaphore_mem>>) src(%dma_wait3A_56 : memref<46x40xf32, #tpu.memory_space<vmem>>) dst(%dma_wait3A_53 : memref<46x40xf32, #tpu.memory_space<hbm>>)
          tpu.yield
        }) : () -> ()
        %scan3A_38 = arith.constant 0 : i32
        scf.yield %scan3A_38 : i32
      }
      %scan3A_33 = arith.constant 68 : i32
    } else {
    }
    %eq3A_22 = arith.constant 1 : i32
    %eq3A_23 = arith.cmpi eq, %arg0, %eq3A_22 : i32
    %convert_element_type3A_24 = arith.extui %eq3A_23 : i1 to i32
    %cond3A_25 = arith.constant 0 : i32
    %cond3A_26 = arith.cmpi ne, %convert_element_type3A_24, %cond3A_25 : i32
    scf.if %cond3A_26 {
      %scan3A_27 = arith.constant 0 : i32
      %scan3A_28 = arith.constant 0 : i32
      %scan3A_29 = arith.constant 68 : i32
      %scan3A_30 = arith.addi %scan3A_28, %scan3A_29 : i32
      %scan3A_31 = arith.constant 1 : i32
      %scan3A_32 = scf.for %scan3A_34 = %scan3A_28 to %scan3A_30 step %scan3A_31 iter_args(%scan3A_35 = %scan3A_27) -> (i32)  : i32 {
        %mul3A_36 = arith.constant 46 : i32
        %mul3A_37 = arith.muli %scan3A_34, %mul3A_36 : i32
        %add3A = arith.addi %mul3A_0, %mul3A_37 : i32
        "tpu.region"() ({
          %run_scoped3A = tpu.sem_alloc : memref<!tpu.dma_semaphore, #tpu.memory_space<semaphore_mem>>
          %dma_start3A = arith.constant 0 : i32
          %dma_start3A_39 = arith.constant 0 : i32
          %dma_start3A_40 = tpu.memref_slice %arg11[%dma_start3A, %dma_start3A_39] : memref<50x40xf32, #tpu.memory_space<vmem>> -> memref<46x40xf32, #tpu.memory_space<vmem>>
          %dma_start3A_41 = arith.constant 0 : i32
          %dma_start3A_42 = tpu.memref_slice %arg13[%add3A, %dma_start3A_41] : memref<50048x40xf32, #tpu.memory_space<vmem_shared>> -> memref<46x40xf32, #tpu.memory_space<vmem_shared>>
          %dma_start3A_43 = arith.constant 0 : i32
          %dma_start3A_44 = arith.constant 0 : i32
          %dma_start3A_45 = tpu.memref_slice %arg11[%dma_start3A_43, %dma_start3A_44] : memref<50x40xf32, #tpu.memory_space<vmem>> -> memref<46x40xf32, #tpu.memory_space<vmem>>
          %dma_start3A_46 = arith.constant 0 : i32
          %dma_start3A_47 = tpu.memref_slice %arg13[%add3A, %dma_start3A_46] : memref<50048x40xf32, #tpu.memory_space<vmem_shared>> -> memref<46x40xf32, #tpu.memory_space<vmem_shared>>
          tpu.enqueue_dma source(%dma_start3A_47 : memref<46x40xf32, #tpu.memory_space<vmem_shared>>) target(%dma_start3A_45 : memref<46x40xf32, #tpu.memory_space<vmem>>) target_semaphore(%run_scoped3A : memref<!tpu.dma_semaphore, #tpu.memory_space<semaphore_mem>>)
          %dma_wait3A = arith.constant 0 : i32
          %dma_wait3A_48 = arith.constant 0 : i32
          %dma_wait3A_49 = tpu.memref_slice %arg11[%dma_wait3A, %dma_wait3A_48] : memref<50x40xf32, #tpu.memory_space<vmem>> -> memref<46x40xf32, #tpu.memory_space<vmem>>
          %dma_wait3A_50 = arith.constant 0 : i32
          %dma_wait3A_51 = tpu.memref_slice %arg13[%add3A, %dma_wait3A_50] : memref<50048x40xf32, #tpu.memory_space<vmem_shared>> -> memref<46x40xf32, #tpu.memory_space<vmem_shared>>
          %dma_wait3A_52 = arith.constant 0 : i32
          %dma_wait3A_53 = arith.constant 0 : i32
          %dma_wait3A_54 = tpu.memref_slice %arg11[%dma_wait3A_52, %dma_wait3A_53] : memref<50x40xf32, #tpu.memory_space<vmem>> -> memref<46x40xf32, #tpu.memory_space<vmem>>
          %dma_wait3A_55 = arith.constant 0 : i32
          %dma_wait3A_56 = tpu.memref_slice %arg13[%add3A, %dma_wait3A_55] : memref<50048x40xf32, #tpu.memory_space<vmem_shared>> -> memref<46x40xf32, #tpu.memory_space<vmem_shared>>
          tpu.wait_dma2 semaphore(%run_scoped3A : memref<!tpu.dma_semaphore, #tpu.memory_space<semaphore_mem>>) src(%dma_wait3A_56 : memref<46x40xf32, #tpu.memory_space<vmem_shared>>) dst(%dma_wait3A_54 : memref<46x40xf32, #tpu.memory_space<vmem>>)
          tpu.yield
        }) : () -> ()
        "tpu.region"() ({
          %run_scoped3A = tpu.sem_alloc : memref<!tpu.dma_semaphore, #tpu.memory_space<semaphore_mem>>
          %dma_start3A = arith.constant 0 : i32
          %dma_start3A_39 = arith.constant 0 : i32
          %dma_start3A_40 = tpu.memref_slice %arg11[%dma_start3A, %dma_start3A_39] : memref<50x40xf32, #tpu.memory_space<vmem>> -> memref<46x40xf32, #tpu.memory_space<vmem>>
          %dma_start3A_41 = arith.constant 0 : i32
          %dma_start3A_42 = tpu.memref_slice %arg8[%add3A, %dma_start3A_41] : memref<50048x40xf32, #tpu.memory_space<hbm>> -> memref<46x40xf32, #tpu.memory_space<hbm>>
          %dma_start3A_43 = arith.constant 0 : i32
          %dma_start3A_44 = tpu.memref_slice %arg8[%add3A, %dma_start3A_43] : memref<50048x40xf32, #tpu.memory_space<hbm>> -> memref<46x40xf32, #tpu.memory_space<hbm>>
          %dma_start3A_45 = arith.constant 0 : i32
          %dma_start3A_46 = arith.constant 0 : i32
          %dma_start3A_47 = tpu.memref_slice %arg11[%dma_start3A_45, %dma_start3A_46] : memref<50x40xf32, #tpu.memory_space<vmem>> -> memref<46x40xf32, #tpu.memory_space<vmem>>
          tpu.enqueue_dma source(%dma_start3A_47 : memref<46x40xf32, #tpu.memory_space<vmem>>) target(%dma_start3A_44 : memref<46x40xf32, #tpu.memory_space<hbm>>) target_semaphore(%run_scoped3A : memref<!tpu.dma_semaphore, #tpu.memory_space<semaphore_mem>>)
          %dma_wait3A = arith.constant 0 : i32
          %dma_wait3A_48 = arith.constant 0 : i32
          %dma_wait3A_49 = tpu.memref_slice %arg11[%dma_wait3A, %dma_wait3A_48] : memref<50x40xf32, #tpu.memory_space<vmem>> -> memref<46x40xf32, #tpu.memory_space<vmem>>
          %dma_wait3A_50 = arith.constant 0 : i32
          %dma_wait3A_51 = tpu.memref_slice %arg8[%add3A, %dma_wait3A_50] : memref<50048x40xf32, #tpu.memory_space<hbm>> -> memref<46x40xf32, #tpu.memory_space<hbm>>
          %dma_wait3A_52 = arith.constant 0 : i32
          %dma_wait3A_53 = tpu.memref_slice %arg8[%add3A, %dma_wait3A_52] : memref<50048x40xf32, #tpu.memory_space<hbm>> -> memref<46x40xf32, #tpu.memory_space<hbm>>
          %dma_wait3A_54 = arith.constant 0 : i32
          %dma_wait3A_55 = arith.constant 0 : i32
          %dma_wait3A_56 = tpu.memref_slice %arg11[%dma_wait3A_54, %dma_wait3A_55] : memref<50x40xf32, #tpu.memory_space<vmem>> -> memref<46x40xf32, #tpu.memory_space<vmem>>
          tpu.wait_dma2 semaphore(%run_scoped3A : memref<!tpu.dma_semaphore, #tpu.memory_space<semaphore_mem>>) src(%dma_wait3A_56 : memref<46x40xf32, #tpu.memory_space<vmem>>) dst(%dma_wait3A_53 : memref<46x40xf32, #tpu.memory_space<hbm>>)
          tpu.yield
        }) : () -> ()
        %scan3A_38 = arith.constant 0 : i32
        scf.yield %scan3A_38 : i32
      }
      %scan3A_33 = arith.constant 68 : i32
    } else {
    }
    return
  }
}

#map = affine_map<(d0, d1) -> (0, 0)>
#map1 = affine_map<(d0, d1) -> (0)>
module attributes {stable_mosaic.version = 14 : i64} {
  func.func @_sc_counts(%arg0: i32, %arg1: i32, %arg2: memref<6400x125xi32, #tpu.memory_space<hbm>>, %arg3: memref<50000x80xf32, #tpu.memory_space<hbm>>, %arg4: memref<136xf32, #tpu.memory_space<hbm>>, %arg5: memref<2x50048xf32, #tpu.memory_space<hbm>>, %arg6: memref<50000x40xf32, #tpu.memory_space<hbm>>, %arg7: memref<50000x40xf32, #tpu.memory_space<hbm>>, %arg8: memref<8x125xi32, #tpu.memory_space<vmem>>, %arg9: memref<128xf32, #tpu.memory_space<vmem>>, %arg10: memref<136xf32, #tpu.memory_space<vmem>>, %arg11: memref<125x40xf32, #tpu.memory_space<vmem>>, %arg12: memref<50048xf32, #tpu.memory_space<vmem_shared>>) attributes {dimension_semantics = [#tpu.dimension_semantics<core_parallel>, #tpu.dimension_semantics<subcore_parallel>], iteration_bounds = array<i64: 2, 16>, scalar_prefetch = 0 : i64, scratch_operands = 5 : i64, tpu.core_type = #tpu.core_type<sc_vector_subcore>, window_params = [{transform_indices = #map}, {transform_indices = #map}, {transform_indices = #map1}, {transform_indices = #map}, {transform_indices = #map}, {transform_indices = #map}]} {
    %mul3A = arith.constant 16 : i32
    %mul3A_0 = arith.muli %arg0, %mul3A : i32
    %add3A = arith.addi %mul3A_0, %arg1 : i32
    %eq3A = arith.constant 0 : i32
    %eq3A_1 = arith.cmpi eq, %arg0, %eq3A : i32
    %convert_element_type3A = arith.extui %eq3A_1 : i1 to i32
    %cond3A = arith.constant 0 : i32
    %cond3A_2 = arith.cmpi ne, %convert_element_type3A, %cond3A : i32
    scf.if %cond3A_2 {
      %scan3A_79 = arith.constant 0 : i32
      %scan3A_80 = arith.constant 0 : i32
      %scan3A_81 = arith.constant 25 : i32
      %scan3A_82 = arith.addi %scan3A_80, %scan3A_81 : i32
      %scan3A_83 = arith.constant 1 : i32
      %scan3A_84 = scf.for %scan3A_86 = %scan3A_80 to %scan3A_82 step %scan3A_83 iter_args(%scan3A_87 = %scan3A_79) -> (i32)  : i32 {
        %mul3A_88 = arith.constant 3125 : i32
        %mul3A_89 = arith.muli %arg1, %mul3A_88 : i32
        %mul3A_90 = arith.constant 125 : i32
        %mul3A_91 = arith.muli %scan3A_86, %mul3A_90 : i32
        %add3A_92 = arith.addi %mul3A_89, %mul3A_91 : i32
        "tpu.region"() ({
          %run_scoped3A = tpu.sem_alloc : memref<!tpu.dma_semaphore, #tpu.memory_space<semaphore_mem>>
          %dma_start3A = arith.constant 0 : i32
          %dma_start3A_94 = tpu.memref_slice %arg3[%add3A_92, %dma_start3A] : memref<50000x80xf32, #tpu.memory_space<hbm>> -> memref<125x40xf32, #tpu.memory_space<hbm>>
          %dma_start3A_95 = arith.constant 0 : i32
          %dma_start3A_96 = tpu.memref_slice %arg3[%add3A_92, %dma_start3A_95] : memref<50000x80xf32, #tpu.memory_space<hbm>> -> memref<125x40xf32, #tpu.memory_space<hbm>>
          tpu.enqueue_dma source(%dma_start3A_96 : memref<125x40xf32, #tpu.memory_space<hbm>>) target(%arg11 : memref<125x40xf32, #tpu.memory_space<vmem>>) target_semaphore(%run_scoped3A : memref<!tpu.dma_semaphore, #tpu.memory_space<semaphore_mem>>)
          %dma_wait3A = arith.constant 0 : i32
          %dma_wait3A_97 = tpu.memref_slice %arg3[%add3A_92, %dma_wait3A] : memref<50000x80xf32, #tpu.memory_space<hbm>> -> memref<125x40xf32, #tpu.memory_space<hbm>>
          %dma_wait3A_98 = arith.constant 0 : i32
          %dma_wait3A_99 = tpu.memref_slice %arg3[%add3A_92, %dma_wait3A_98] : memref<50000x80xf32, #tpu.memory_space<hbm>> -> memref<125x40xf32, #tpu.memory_space<hbm>>
          tpu.wait_dma2 semaphore(%run_scoped3A : memref<!tpu.dma_semaphore, #tpu.memory_space<semaphore_mem>>) src(%dma_wait3A_99 : memref<125x40xf32, #tpu.memory_space<hbm>>) dst(%arg11 : memref<125x40xf32, #tpu.memory_space<vmem>>)
          tpu.yield
        }) : () -> ()
        "tpu.region"() ({
          %run_scoped3A = tpu.sem_alloc : memref<!tpu.dma_semaphore, #tpu.memory_space<semaphore_mem>>
          %dma_start3A = arith.constant 0 : i32
          %dma_start3A_94 = tpu.memref_slice %arg6[%add3A_92, %dma_start3A] : memref<50000x40xf32, #tpu.memory_space<hbm>> -> memref<125x40xf32, #tpu.memory_space<hbm>>
          %dma_start3A_95 = arith.constant 0 : i32
          %dma_start3A_96 = tpu.memref_slice %arg6[%add3A_92, %dma_start3A_95] : memref<50000x40xf32, #tpu.memory_space<hbm>> -> memref<125x40xf32, #tpu.memory_space<hbm>>
          tpu.enqueue_dma source(%arg11 : memref<125x40xf32, #tpu.memory_space<vmem>>) target(%dma_start3A_96 : memref<125x40xf32, #tpu.memory_space<hbm>>) target_semaphore(%run_scoped3A : memref<!tpu.dma_semaphore, #tpu.memory_space<semaphore_mem>>)
          %dma_wait3A = arith.constant 0 : i32
          %dma_wait3A_97 = tpu.memref_slice %arg6[%add3A_92, %dma_wait3A] : memref<50000x40xf32, #tpu.memory_space<hbm>> -> memref<125x40xf32, #tpu.memory_space<hbm>>
          %dma_wait3A_98 = arith.constant 0 : i32
          %dma_wait3A_99 = tpu.memref_slice %arg6[%add3A_92, %dma_wait3A_98] : memref<50000x40xf32, #tpu.memory_space<hbm>> -> memref<125x40xf32, #tpu.memory_space<hbm>>
          tpu.wait_dma2 semaphore(%run_scoped3A : memref<!tpu.dma_semaphore, #tpu.memory_space<semaphore_mem>>) src(%arg11 : memref<125x40xf32, #tpu.memory_space<vmem>>) dst(%dma_wait3A_99 : memref<125x40xf32, #tpu.memory_space<hbm>>)
          tpu.yield
        }) : () -> ()
        %scan3A_93 = arith.constant 0 : i32
        scf.yield %scan3A_93 : i32
      }
      %scan3A_85 = arith.constant 25 : i32
    } else {
    }
    %eq3A_3 = arith.constant 1 : i32
    %eq3A_4 = arith.cmpi eq, %arg0, %eq3A_3 : i32
    %convert_element_type3A_5 = arith.extui %eq3A_4 : i1 to i32
    %cond3A_6 = arith.constant 0 : i32
    %cond3A_7 = arith.cmpi ne, %convert_element_type3A_5, %cond3A_6 : i32
    scf.if %cond3A_7 {
      %scan3A_79 = arith.constant 0 : i32
      %scan3A_80 = arith.constant 0 : i32
      %scan3A_81 = arith.constant 25 : i32
      %scan3A_82 = arith.addi %scan3A_80, %scan3A_81 : i32
      %scan3A_83 = arith.constant 1 : i32
      %scan3A_84 = scf.for %scan3A_86 = %scan3A_80 to %scan3A_82 step %scan3A_83 iter_args(%scan3A_87 = %scan3A_79) -> (i32)  : i32 {
        %mul3A_88 = arith.constant 3125 : i32
        %mul3A_89 = arith.muli %arg1, %mul3A_88 : i32
        %mul3A_90 = arith.constant 125 : i32
        %mul3A_91 = arith.muli %scan3A_86, %mul3A_90 : i32
        %add3A_92 = arith.addi %mul3A_89, %mul3A_91 : i32
        "tpu.region"() ({
          %run_scoped3A = tpu.sem_alloc : memref<!tpu.dma_semaphore, #tpu.memory_space<semaphore_mem>>
          %dma_start3A = arith.constant 40 : i32
          %dma_start3A_94 = tpu.memref_slice %arg3[%add3A_92, %dma_start3A] : memref<50000x80xf32, #tpu.memory_space<hbm>> -> memref<125x40xf32, #tpu.memory_space<hbm>>
          %dma_start3A_95 = arith.constant 40 : i32
          %dma_start3A_96 = tpu.memref_slice %arg3[%add3A_92, %dma_start3A_95] : memref<50000x80xf32, #tpu.memory_space<hbm>> -> memref<125x40xf32, #tpu.memory_space<hbm>>
          tpu.enqueue_dma source(%dma_start3A_96 : memref<125x40xf32, #tpu.memory_space<hbm>>) target(%arg11 : memref<125x40xf32, #tpu.memory_space<vmem>>) target_semaphore(%run_scoped3A : memref<!tpu.dma_semaphore, #tpu.memory_space<semaphore_mem>>)
          %dma_wait3A = arith.constant 40 : i32
          %dma_wait3A_97 = tpu.memref_slice %arg3[%add3A_92, %dma_wait3A] : memref<50000x80xf32, #tpu.memory_space<hbm>> -> memref<125x40xf32, #tpu.memory_space<hbm>>
          %dma_wait3A_98 = arith.constant 40 : i32
          %dma_wait3A_99 = tpu.memref_slice %arg3[%add3A_92, %dma_wait3A_98] : memref<50000x80xf32, #tpu.memory_space<hbm>> -> memref<125x40xf32, #tpu.memory_space<hbm>>
          tpu.wait_dma2 semaphore(%run_scoped3A : memref<!tpu.dma_semaphore, #tpu.memory_space<semaphore_mem>>) src(%dma_wait3A_99 : memref<125x40xf32, #tpu.memory_space<hbm>>) dst(%arg11 : memref<125x40xf32, #tpu.memory_space<vmem>>)
          tpu.yield
        }) : () -> ()
        "tpu.region"() ({
          %run_scoped3A = tpu.sem_alloc : memref<!tpu.dma_semaphore, #tpu.memory_space<semaphore_mem>>
          %dma_start3A = arith.constant 0 : i32
          %dma_start3A_94 = tpu.memref_slice %arg7[%add3A_92, %dma_start3A] : memref<50000x40xf32, #tpu.memory_space<hbm>> -> memref<125x40xf32, #tpu.memory_space<hbm>>
          %dma_start3A_95 = arith.constant 0 : i32
          %dma_start3A_96 = tpu.memref_slice %arg7[%add3A_92, %dma_start3A_95] : memref<50000x40xf32, #tpu.memory_space<hbm>> -> memref<125x40xf32, #tpu.memory_space<hbm>>
          tpu.enqueue_dma source(%arg11 : memref<125x40xf32, #tpu.memory_space<vmem>>) target(%dma_start3A_96 : memref<125x40xf32, #tpu.memory_space<hbm>>) target_semaphore(%run_scoped3A : memref<!tpu.dma_semaphore, #tpu.memory_space<semaphore_mem>>)
          %dma_wait3A = arith.constant 0 : i32
          %dma_wait3A_97 = tpu.memref_slice %arg7[%add3A_92, %dma_wait3A] : memref<50000x40xf32, #tpu.memory_space<hbm>> -> memref<125x40xf32, #tpu.memory_space<hbm>>
          %dma_wait3A_98 = arith.constant 0 : i32
          %dma_wait3A_99 = tpu.memref_slice %arg7[%add3A_92, %dma_wait3A_98] : memref<50000x40xf32, #tpu.memory_space<hbm>> -> memref<125x40xf32, #tpu.memory_space<hbm>>
          tpu.wait_dma2 semaphore(%run_scoped3A : memref<!tpu.dma_semaphore, #tpu.memory_space<semaphore_mem>>) src(%arg11 : memref<125x40xf32, #tpu.memory_space<vmem>>) dst(%dma_wait3A_99 : memref<125x40xf32, #tpu.memory_space<hbm>>)
          tpu.yield
        }) : () -> ()
        %scan3A_93 = arith.constant 0 : i32
        scf.yield %scan3A_93 : i32
      }
      %scan3A_85 = arith.constant 25 : i32
    } else {
    }
    "tpu.region"() ({
      %run_scoped3A = tpu.sem_alloc : memref<!tpu.dma_semaphore, #tpu.memory_space<semaphore_mem>>
      tpu.enqueue_dma source(%arg4 : memref<136xf32, #tpu.memory_space<hbm>>) target(%arg10 : memref<136xf32, #tpu.memory_space<vmem>>) target_semaphore(%run_scoped3A : memref<!tpu.dma_semaphore, #tpu.memory_space<semaphore_mem>>)
      tpu.wait_dma2 semaphore(%run_scoped3A : memref<!tpu.dma_semaphore, #tpu.memory_space<semaphore_mem>>) src(%arg4 : memref<136xf32, #tpu.memory_space<hbm>>) dst(%arg10 : memref<136xf32, #tpu.memory_space<vmem>>)
      tpu.yield
    }) : () -> ()
    %mul3A_8 = arith.constant 3128 : i32
    %mul3A_9 = arith.muli %arg1, %mul3A_8 : i32
    %scan3A = arith.constant 0 : i32
    %scan3A_10 = arith.constant 0 : i32
    %scan3A_11 = arith.constant 23 : i32
    %scan3A_12 = arith.addi %scan3A_10, %scan3A_11 : i32
    %scan3A_13 = arith.constant 1 : i32
    %scan3A_14 = scf.for %scan3A_79 = %scan3A_10 to %scan3A_12 step %scan3A_13 iter_args(%scan3A_80 = %scan3A) -> (i32)  : i32 {
      %mul3A_81 = arith.constant 136 : i32
      %mul3A_82 = arith.muli %scan3A_79, %mul3A_81 : i32
      %add3A_83 = arith.addi %mul3A_9, %mul3A_82 : i32
      "tpu.region"() ({
        %run_scoped3A = tpu.sem_alloc : memref<!tpu.dma_semaphore, #tpu.memory_space<semaphore_mem>>
        %dma_start3A = tpu.memref_slice %arg12[%add3A_83] : memref<50048xf32, #tpu.memory_space<vmem_shared>> -> memref<136xf32, #tpu.memory_space<vmem_shared>>
        %dma_start3A_85 = tpu.memref_slice %arg12[%add3A_83] : memref<50048xf32, #tpu.memory_space<vmem_shared>> -> memref<136xf32, #tpu.memory_space<vmem_shared>>
        tpu.enqueue_dma source(%arg10 : memref<136xf32, #tpu.memory_space<vmem>>) target(%dma_start3A_85 : memref<136xf32, #tpu.memory_space<vmem_shared>>) target_semaphore(%run_scoped3A : memref<!tpu.dma_semaphore, #tpu.memory_space<semaphore_mem>>)
        %dma_wait3A = tpu.memref_slice %arg12[%add3A_83] : memref<50048xf32, #tpu.memory_space<vmem_shared>> -> memref<136xf32, #tpu.memory_space<vmem_shared>>
        %dma_wait3A_86 = tpu.memref_slice %arg12[%add3A_83] : memref<50048xf32, #tpu.memory_space<vmem_shared>> -> memref<136xf32, #tpu.memory_space<vmem_shared>>
        tpu.wait_dma2 semaphore(%run_scoped3A : memref<!tpu.dma_semaphore, #tpu.memory_space<semaphore_mem>>) src(%arg10 : memref<136xf32, #tpu.memory_space<vmem>>) dst(%dma_wait3A_86 : memref<136xf32, #tpu.memory_space<vmem_shared>>)
        tpu.yield
      }) : () -> ()
      %scan3A_84 = arith.constant 0 : i32
      scf.yield %scan3A_84 : i32
    }
    %scan3A_15 = arith.constant 23 : i32
    %broadcast_in_dim3A = arith.constant 1.000000e+00 : f32
    %broadcast_in_dim3A_16 = vector.broadcast %broadcast_in_dim3A : f32 to vector<16xf32>
    %swap3A = arith.constant 0 : index
    %swap3A_17 = tpu.vector_load %arg9[%swap3A] {strides = array<i32>} : memref<128xf32, #tpu.memory_space<vmem>>, vector<16xf32>,
    %swap3A_18 = vector.shape_cast %swap3A_17 : vector<16xf32> to vector<16xf32>
    %swap3A_19 = vector.shape_cast %broadcast_in_dim3A_16 : vector<16xf32> to vector<16xf32>
    tpu.vector_store %arg9[%swap3A], %swap3A_19 {strides = array<i32>} : memref<128xf32, #tpu.memory_space<vmem>>, vector<16xf32>,
    %broadcast_in_dim3A_20 = arith.constant 1.000000e+00 : f32
    %broadcast_in_dim3A_21 = vector.broadcast %broadcast_in_dim3A_20 : f32 to vector<16xf32>
    %swap3A_22 = arith.constant 16 : index
    %swap3A_23 = tpu.vector_load %arg9[%swap3A_22] {strides = array<i32>} : memref<128xf32, #tpu.memory_space<vmem>>, vector<16xf32>,
    %swap3A_24 = vector.shape_cast %swap3A_23 : vector<16xf32> to vector<16xf32>
    %swap3A_25 = vector.shape_cast %broadcast_in_dim3A_21 : vector<16xf32> to vector<16xf32>
    tpu.vector_store %arg9[%swap3A_22], %swap3A_25 {strides = array<i32>} : memref<128xf32, #tpu.memory_space<vmem>>, vector<16xf32>,
    %broadcast_in_dim3A_26 = arith.constant 1.000000e+00 : f32
    %broadcast_in_dim3A_27 = vector.broadcast %broadcast_in_dim3A_26 : f32 to vector<16xf32>
    %swap3A_28 = arith.constant 32 : index
    %swap3A_29 = tpu.vector_load %arg9[%swap3A_28] {strides = array<i32>} : memref<128xf32, #tpu.memory_space<vmem>>, vector<16xf32>,
    %swap3A_30 = vector.shape_cast %swap3A_29 : vector<16xf32> to vector<16xf32>
    %swap3A_31 = vector.shape_cast %broadcast_in_dim3A_27 : vector<16xf32> to vector<16xf32>
    tpu.vector_store %arg9[%swap3A_28], %swap3A_31 {strides = array<i32>} : memref<128xf32, #tpu.memory_space<vmem>>, vector<16xf32>,
    %broadcast_in_dim3A_32 = arith.constant 1.000000e+00 : f32
    %broadcast_in_dim3A_33 = vector.broadcast %broadcast_in_dim3A_32 : f32 to vector<16xf32>
    %swap3A_34 = arith.constant 48 : index
    %swap3A_35 = tpu.vector_load %arg9[%swap3A_34] {strides = array<i32>} : memref<128xf32, #tpu.memory_space<vmem>>, vector<16xf32>,
    %swap3A_36 = vector.shape_cast %swap3A_35 : vector<16xf32> to vector<16xf32>
    %swap3A_37 = vector.shape_cast %broadcast_in_dim3A_33 : vector<16xf32> to vector<16xf32>
    tpu.vector_store %arg9[%swap3A_34], %swap3A_37 {strides = array<i32>} : memref<128xf32, #tpu.memory_space<vmem>>, vector<16xf32>,
    %broadcast_in_dim3A_38 = arith.constant 1.000000e+00 : f32
    %broadcast_in_dim3A_39 = vector.broadcast %broadcast_in_dim3A_38 : f32 to vector<16xf32>
    %swap3A_40 = arith.constant 64 : index
    %swap3A_41 = tpu.vector_load %arg9[%swap3A_40] {strides = array<i32>} : memref<128xf32, #tpu.memory_space<vmem>>, vector<16xf32>,
    %swap3A_42 = vector.shape_cast %swap3A_41 : vector<16xf32> to vector<16xf32>
    %swap3A_43 = vector.shape_cast %broadcast_in_dim3A_39 : vector<16xf32> to vector<16xf32>
    tpu.vector_store %arg9[%swap3A_40], %swap3A_43 {strides = array<i32>} : memref<128xf32, #tpu.memory_space<vmem>>, vector<16xf32>,
    %broadcast_in_dim3A_44 = arith.constant 1.000000e+00 : f32
    %broadcast_in_dim3A_45 = vector.broadcast %broadcast_in_dim3A_44 : f32 to vector<16xf32>
    %swap3A_46 = arith.constant 80 : index
    %swap3A_47 = tpu.vector_load %arg9[%swap3A_46] {strides = array<i32>} : memref<128xf32, #tpu.memory_space<vmem>>, vector<16xf32>,
    %swap3A_48 = vector.shape_cast %swap3A_47 : vector<16xf32> to vector<16xf32>
    %swap3A_49 = vector.shape_cast %broadcast_in_dim3A_45 : vector<16xf32> to vector<16xf32>
    tpu.vector_store %arg9[%swap3A_46], %swap3A_49 {strides = array<i32>} : memref<128xf32, #tpu.memory_space<vmem>>, vector<16xf32>,
    %broadcast_in_dim3A_50 = arith.constant 1.000000e+00 : f32
    %broadcast_in_dim3A_51 = vector.broadcast %broadcast_in_dim3A_50 : f32 to vector<16xf32>
    %swap3A_52 = arith.constant 96 : index
    %swap3A_53 = tpu.vector_load %arg9[%swap3A_52] {strides = array<i32>} : memref<128xf32, #tpu.memory_space<vmem>>, vector<16xf32>,
    %swap3A_54 = vector.shape_cast %swap3A_53 : vector<16xf32> to vector<16xf32>
    %swap3A_55 = vector.shape_cast %broadcast_in_dim3A_51 : vector<16xf32> to vector<16xf32>
    tpu.vector_store %arg9[%swap3A_52], %swap3A_55 {strides = array<i32>} : memref<128xf32, #tpu.memory_space<vmem>>, vector<16xf32>,
    %broadcast_in_dim3A_56 = arith.constant 1.000000e+00 : f32
    %broadcast_in_dim3A_57 = vector.broadcast %broadcast_in_dim3A_56 : f32 to vector<16xf32>
    %swap3A_58 = arith.constant 112 : index
    %swap3A_59 = tpu.vector_load %arg9[%swap3A_58] {strides = array<i32>} : memref<128xf32, #tpu.memory_space<vmem>>, vector<16xf32>,
    %swap3A_60 = vector.shape_cast %swap3A_59 : vector<16xf32> to vector<16xf32>
    %swap3A_61 = vector.shape_cast %broadcast_in_dim3A_57 : vector<16xf32> to vector<16xf32>
    tpu.vector_store %arg9[%swap3A_58], %swap3A_61 {strides = array<i32>} : memref<128xf32, #tpu.memory_space<vmem>>, vector<16xf32>,
    %barrier3A = arith.constant 0 : index
    tpu.barrier barrier_id(%barrier3A)
    %mul3A_62 = arith.constant 200 : i32
    %mul3A_63 = arith.muli %add3A, %mul3A_62 : i32
    %scan3A_64 = arith.constant 0 : i32
    %scan3A_65 = arith.constant 0 : i32
    %scan3A_66 = arith.constant 25 : i32
    %scan3A_67 = arith.addi %scan3A_65, %scan3A_66 : i32
    %scan3A_68 = arith.constant 1 : i32
    %scan3A_69 = scf.for %scan3A_79 = %scan3A_65 to %scan3A_67 step %scan3A_68 iter_args(%scan3A_80 = %scan3A_64) -> (i32)  : i32 {
      %mul3A_81 = arith.constant 8 : i32
      %mul3A_82 = arith.muli %scan3A_79, %mul3A_81 : i32
      %add3A_83 = arith.addi %mul3A_63, %mul3A_82 : i32
      "tpu.region"() ({
        %run_scoped3A = tpu.sem_alloc : memref<!tpu.dma_semaphore, #tpu.memory_space<semaphore_mem>>
        %dma_start3A = arith.constant 0 : i32
        %dma_start3A_92 = tpu.memref_slice %arg2[%add3A_83, %dma_start3A] : memref<6400x125xi32, #tpu.memory_space<hbm>> -> memref<8x125xi32, #tpu.memory_space<hbm>>
        %dma_start3A_93 = arith.constant 0 : i32
        %dma_start3A_94 = tpu.memref_slice %arg2[%add3A_83, %dma_start3A_93] : memref<6400x125xi32, #tpu.memory_space<hbm>> -> memref<8x125xi32, #tpu.memory_space<hbm>>
        tpu.enqueue_dma source(%dma_start3A_94 : memref<8x125xi32, #tpu.memory_space<hbm>>) target(%arg8 : memref<8x125xi32, #tpu.memory_space<vmem>>) target_semaphore(%run_scoped3A : memref<!tpu.dma_semaphore, #tpu.memory_space<semaphore_mem>>)
        %dma_wait3A = arith.constant 0 : i32
        %dma_wait3A_95 = tpu.memref_slice %arg2[%add3A_83, %dma_wait3A] : memref<6400x125xi32, #tpu.memory_space<hbm>> -> memref<8x125xi32, #tpu.memory_space<hbm>>
        %dma_wait3A_96 = arith.constant 0 : i32
        %dma_wait3A_97 = tpu.memref_slice %arg2[%add3A_83, %dma_wait3A_96] : memref<6400x125xi32, #tpu.memory_space<hbm>> -> memref<8x125xi32, #tpu.memory_space<hbm>>
        tpu.wait_dma2 semaphore(%run_scoped3A : memref<!tpu.dma_semaphore, #tpu.memory_space<semaphore_mem>>) src(%dma_wait3A_97 : memref<8x125xi32, #tpu.memory_space<hbm>>) dst(%arg8 : memref<8x125xi32, #tpu.memory_space<vmem>>)
        tpu.yield
      }) : () -> ()
      %scan3A_84 = arith.constant 0 : i32
      %scan3A_85 = arith.constant 0 : i32
      %scan3A_86 = arith.constant 8 : i32
      %scan3A_87 = arith.addi %scan3A_85, %scan3A_86 : i32
      %scan3A_88 = arith.constant 1 : i32
      %scan3A_89 = scf.for %scan3A_92 = %scan3A_85 to %scan3A_87 step %scan3A_88 iter_args(%scan3A_93 = %scan3A_84) -> (i32)  : i32 {
        "tpu.region"() ({
          %run_scoped3A = tpu.sem_alloc : memref<!tpu.dma_semaphore, #tpu.memory_space<semaphore_mem>>
          %dma_start3A = arith.constant 0 : i32
          %dma_start3A_95 = tpu.memref_slice %arg9[%dma_start3A] : memref<128xf32, #tpu.memory_space<vmem>> -> memref<125xf32, #tpu.memory_space<vmem>>
          %dma_start3A_96 = arith.constant 0 : i32
          %dma_start3A_97 = tpu.memref_slice %arg8[%scan3A_92, %dma_start3A_96] : memref<8x125xi32, #tpu.memory_space<vmem>> -> memref<1x125xi32, #tpu.memory_space<vmem>>
          %dma_start3A_98 = tpu.memref_squeeze %dma_start3A_97 : memref<1x125xi32, #tpu.memory_space<vmem>> -> memref<125xi32, #tpu.memory_space<vmem>>
          %dma_start3A_99 = arith.constant 0 : i32
          %dma_start3A_100 = tpu.memref_slice %arg12[%dma_start3A_99] : memref<50048xf32, #tpu.memory_space<vmem_shared>> -> memref<50048xf32, #tpu.memory_space<vmem_shared>>
          tpu.enqueue_indirect_dma source(%dma_start3A_95 : memref<125xf32, #tpu.memory_space<vmem>>) target(%dma_start3A_100 : memref<50048xf32, #tpu.memory_space<vmem_shared>>) offsets(%dma_start3A_98 : memref<125xi32, #tpu.memory_space<vmem>>) semaphore(%run_scoped3A : memref<!tpu.dma_semaphore, #tpu.memory_space<semaphore_mem>>) {add = true}
          %dma_wait3A = arith.constant 0 : i32
          %dma_wait3A_101 = tpu.memref_slice %arg9[%dma_wait3A] : memref<128xf32, #tpu.memory_space<vmem>> -> memref<125xf32, #tpu.memory_space<vmem>>
          %dma_wait3A_102 = arith.constant 0 : i32
          %dma_wait3A_103 = tpu.memref_slice %arg8[%scan3A_92, %dma_wait3A_102] : memref<8x125xi32, #tpu.memory_space<vmem>> -> memref<1x125xi32, #tpu.memory_space<vmem>>
          %dma_wait3A_104 = tpu.memref_squeeze %dma_wait3A_103 : memref<1x125xi32, #tpu.memory_space<vmem>> -> memref<125xi32, #tpu.memory_space<vmem>>
          %dma_wait3A_105 = arith.constant 0 : i32
          %dma_wait3A_106 = tpu.memref_slice %arg12[%dma_wait3A_105] : memref<50048xf32, #tpu.memory_space<vmem_shared>> -> memref<50048xf32, #tpu.memory_space<vmem_shared>>
          tpu.wait_indirect_dma semaphore(%run_scoped3A : memref<!tpu.dma_semaphore, #tpu.memory_space<semaphore_mem>>) src(%dma_wait3A_101 : memref<125xf32, #tpu.memory_space<vmem>>) dst(%dma_wait3A_106 : memref<50048xf32, #tpu.memory_space<vmem_shared>>)
          tpu.yield
        }) : () -> ()
        %scan3A_94 = arith.constant 0 : i32
        scf.yield %scan3A_94 : i32
      }
      %scan3A_90 = arith.constant 8 : i32
      %scan3A_91 = arith.constant 0 : i32
      scf.yield %scan3A_91 : i32
    }
    %scan3A_70 = arith.constant 25 : i32
    %barrier3A_71 = arith.constant 0 : index
    tpu.barrier barrier_id(%barrier3A_71)
    %scan3A_72 = arith.constant 0 : i32
    %scan3A_73 = arith.constant 0 : i32
    %scan3A_74 = arith.constant 23 : i32
    %scan3A_75 = arith.addi %scan3A_73, %scan3A_74 : i32
    %scan3A_76 = arith.constant 1 : i32
    %scan3A_77 = scf.for %scan3A_79 = %scan3A_73 to %scan3A_75 step %scan3A_76 iter_args(%scan3A_80 = %scan3A_72) -> (i32)  : i32 {
      %mul3A_81 = arith.constant 136 : i32
      %mul3A_82 = arith.muli %scan3A_79, %mul3A_81 : i32
      %add3A_83 = arith.addi %mul3A_9, %mul3A_82 : i32
      "tpu.region"() ({
        %run_scoped3A = tpu.sem_alloc : memref<!tpu.dma_semaphore, #tpu.memory_space<semaphore_mem>>
        %dma_start3A = tpu.memref_slice %arg12[%add3A_83] : memref<50048xf32, #tpu.memory_space<vmem_shared>> -> memref<136xf32, #tpu.memory_space<vmem_shared>>
        %dma_start3A_85 = tpu.memref_slice %arg12[%add3A_83] : memref<50048xf32, #tpu.memory_space<vmem_shared>> -> memref<136xf32, #tpu.memory_space<vmem_shared>>
        tpu.enqueue_dma source(%dma_start3A_85 : memref<136xf32, #tpu.memory_space<vmem_shared>>) target(%arg10 : memref<136xf32, #tpu.memory_space<vmem>>) target_semaphore(%run_scoped3A : memref<!tpu.dma_semaphore, #tpu.memory_space<semaphore_mem>>)
        %dma_wait3A = tpu.memref_slice %arg12[%add3A_83] : memref<50048xf32, #tpu.memory_space<vmem_shared>> -> memref<136xf32, #tpu.memory_space<vmem_shared>>
        %dma_wait3A_86 = tpu.memref_slice %arg12[%add3A_83] : memref<50048xf32, #tpu.memory_space<vmem_shared>> -> memref<136xf32, #tpu.memory_space<vmem_shared>>
        tpu.wait_dma2 semaphore(%run_scoped3A : memref<!tpu.dma_semaphore, #tpu.memory_space<semaphore_mem>>) src(%dma_wait3A_86 : memref<136xf32, #tpu.memory_space<vmem_shared>>) dst(%arg10 : memref<136xf32, #tpu.memory_space<vmem>>)
        tpu.yield
      }) : () -> ()
      "tpu.region"() ({
        %run_scoped3A = tpu.sem_alloc : memref<!tpu.dma_semaphore, #tpu.memory_space<semaphore_mem>>
        %dma_start3A = tpu.memref_slice %arg5[%arg0, %add3A_83] : memref<2x50048xf32, #tpu.memory_space<hbm>> -> memref<1x136xf32, #tpu.memory_space<hbm>>
        %dma_start3A_85 = tpu.memref_squeeze %dma_start3A : memref<1x136xf32, #tpu.memory_space<hbm>> -> memref<136xf32, #tpu.memory_space<hbm>>
        %dma_start3A_86 = tpu.memref_slice %arg5[%arg0, %add3A_83] : memref<2x50048xf32, #tpu.memory_space<hbm>> -> memref<1x136xf32, #tpu.memory_space<hbm>>
        %dma_start3A_87 = tpu.memref_squeeze %dma_start3A_86 : memref<1x136xf32, #tpu.memory_space<hbm>> -> memref<136xf32, #tpu.memory_space<hbm>>
        tpu.enqueue_dma source(%arg10 : memref<136xf32, #tpu.memory_space<vmem>>) target(%dma_start3A_87 : memref<136xf32, #tpu.memory_space<hbm>>) target_semaphore(%run_scoped3A : memref<!tpu.dma_semaphore, #tpu.memory_space<semaphore_mem>>)
        %dma_wait3A = tpu.memref_slice %arg5[%arg0, %add3A_83] : memref<2x50048xf32, #tpu.memory_space<hbm>> -> memref<1x136xf32, #tpu.memory_space<hbm>>
        %dma_wait3A_88 = tpu.memref_squeeze %dma_wait3A : memref<1x136xf32, #tpu.memory_space<hbm>> -> memref<136xf32, #tpu.memory_space<hbm>>
        %dma_wait3A_89 = tpu.memref_slice %arg5[%arg0, %add3A_83] : memref<2x50048xf32, #tpu.memory_space<hbm>> -> memref<1x136xf32, #tpu.memory_space<hbm>>
        %dma_wait3A_90 = tpu.memref_squeeze %dma_wait3A_89 : memref<1x136xf32, #tpu.memory_space<hbm>> -> memref<136xf32, #tpu.memory_space<hbm>>
        tpu.wait_dma2 semaphore(%run_scoped3A : memref<!tpu.dma_semaphore, #tpu.memory_space<semaphore_mem>>) src(%arg10 : memref<136xf32, #tpu.memory_space<vmem>>) dst(%dma_wait3A_90 : memref<136xf32, #tpu.memory_space<hbm>>)
        tpu.yield
      }) : () -> ()
      %scan3A_84 = arith.constant 0 : i32
      scf.yield %scan3A_84 : i32
    }
    %scan3A_78 = arith.constant 23 : i32
    return
  }
}

module attributes {stable_mosaic.version = 14 : i64} {
  func.func @_tc_body(%arg0: i32, %arg1: memref<2000x40xf32, #tpu.memory_space<vmem>>, %arg2: memref<2000x40xf32, #tpu.memory_space<vmem>>, %arg3: memref<2000x2xf32, #tpu.memory_space<vmem>>, %arg4: memref<2000x1xi32, #tpu.memory_space<vmem>>, %arg5: memref<10x80xf32, #tpu.memory_space<vmem>>, %arg6: memref<32x80xf32, #tpu.memory_space<vmem>>, %arg7: memref<2000x8xf32, #tpu.memory_space<vmem>>, %arg8: memref<2000x80xf32, #tpu.memory_space<vmem>>, %arg9: memref<80x80xf32, #tpu.memory_space<vmem>>, %arg10: memref<32x80xf32, #tpu.memory_space<vmem>>, %arg11: memref<80x8xf32, #tpu.memory_space<vmem>>) attributes {dimension_semantics = [#tpu.dimension_semantics<arbitrary>], iteration_bounds = array<i64: 25>, scalar_prefetch = 0 : i64, scratch_operands = 3 : i64, tpu.core_type = #tpu.core_type<tc>, window_params = [{transform_indices = @transform_0, window_bounds = array<i64: 2000, 40>}, {transform_indices = @transform_1, window_bounds = array<i64: 2000, 40>}, {transform_indices = @transform_2, window_bounds = array<i64: 2000, 2>}, {transform_indices = @transform_3, window_bounds = array<i64: 2000, 1>}, {pipeline_mode = #tpu.pipeline_mode<synchronous>, transform_indices = @transform_4, window_bounds = array<i64: 10, 80>}, {pipeline_mode = #tpu.pipeline_mode<synchronous>, transform_indices = @transform_5, window_bounds = array<i64: 32, 80>}, {transform_indices = @transform_6, window_bounds = array<i64: 2000, 8>}, {transform_indices = @transform_7, window_bounds = array<i64: 2000, 80>}]} {
    %eq3A = arith.constant 0 : i32
    %eq3A_0 = arith.cmpi eq, %arg0, %eq3A : i32
    %convert_element_type3A = arith.extui %eq3A_0 : i1 to i32
    %cond3A = arith.constant 0 : i32
    %cond3A_1 = arith.cmpi ne, %convert_element_type3A, %cond3A : i32
    scf.if %cond3A_1 {
      %get3A_57 = arith.constant 0 : index
      %get3A_58 = arith.constant 0 : index
      %get3A_59 = vector.load %arg5[%get3A_57, %get3A_58] : memref<10x80xf32, #tpu.memory_space<vmem>>, vector<10x80xf32>
      %reduce_max3A = arith.constant dense<0xFF800000> : vector<80xf32>
      %reduce_max3A_60 = vector.multi_reduction <maximumf>, %get3A_59, %reduce_max3A [0] : vector<10x80xf32> to vector<80xf32>
      %broadcast_in_dim3A = vector.shape_cast %reduce_max3A_60 : vector<80xf32> to vector<1x80xf32>
      %sub3A = vector.broadcast %broadcast_in_dim3A : vector<1x80xf32> to vector<10x80xf32>
      %sub3A_61 = arith.subf %get3A_59, %sub3A : vector<10x80xf32>
      %exp3A = math.exp %sub3A_61 : vector<10x80xf32>
      %reduce_sum3A = arith.constant dense<0.000000e+00> : vector<80xf32>
      %reduce_sum3A_62 = vector.multi_reduction <add>, %exp3A, %reduce_sum3A [0] : vector<10x80xf32> to vector<80xf32>
      %broadcast_in_dim3A_63 = vector.shape_cast %reduce_sum3A_62 : vector<80xf32> to vector<1x80xf32>
      %div3A_64 = vector.broadcast %broadcast_in_dim3A_63 : vector<1x80xf32> to vector<10x80xf32>
      %div3A_65 = arith.divf %exp3A, %div3A_64 : vector<10x80xf32>
      %get3A_66 = arith.constant 0 : index
      %get3A_67 = arith.constant 0 : index
      %get3A_68 = vector.load %arg6[%get3A_66, %get3A_67] : memref<32x80xf32, #tpu.memory_space<vmem>>, vector<32x80xf32>
      %reduce_max3A_69 = arith.constant dense<0xFF800000> : vector<80xf32>
      %reduce_max3A_70 = vector.multi_reduction <maximumf>, %get3A_68, %reduce_max3A_69 [0] : vector<32x80xf32> to vector<80xf32>
      %broadcast_in_dim3A_71 = vector.shape_cast %reduce_max3A_70 : vector<80xf32> to vector<1x80xf32>
      %sub3A_72 = vector.broadcast %broadcast_in_dim3A_71 : vector<1x80xf32> to vector<32x80xf32>
      %sub3A_73 = arith.subf %get3A_68, %sub3A_72 : vector<32x80xf32>
      %exp3A_74 = math.exp %sub3A_73 : vector<32x80xf32>
      %reduce_sum3A_75 = arith.constant dense<0.000000e+00> : vector<80xf32>
      %reduce_sum3A_76 = vector.multi_reduction <add>, %exp3A_74, %reduce_sum3A_75 [0] : vector<32x80xf32> to vector<80xf32>
      %broadcast_in_dim3A_77 = vector.shape_cast %reduce_sum3A_76 : vector<80xf32> to vector<1x80xf32>
      %div3A_78 = vector.broadcast %broadcast_in_dim3A_77 : vector<1x80xf32> to vector<32x80xf32>
      %div3A_79 = arith.divf %exp3A_74, %div3A_78 : vector<32x80xf32>
      %swap3A_80 = arith.constant 0 : index
      %swap3A_81 = arith.constant 0 : index
      %swap3A_82 = vector.load %arg10[%swap3A_80, %swap3A_81] : memref<32x80xf32, #tpu.memory_space<vmem>>, vector<32x80xf32>
      tpu.vector_store %arg10[%swap3A_80, %swap3A_81], %div3A_79 {strides = array<i32>} : memref<32x80xf32, #tpu.memory_space<vmem>>, vector<32x80xf32>,
      %iota3A_83 = tpu.iota {dimensions = array<i32: 1>} : vector<80x10xi32>
      %iota3A_84 = tpu.iota {dimensions = array<i32: 0>} : vector<80x10xi32>
      %jit3A = arith.constant 8 : i32
      %div3A_85 = vector.broadcast %jit3A : i32 to vector<80x10xi32>
      %div3A_86 = arith.divsi %iota3A_84, %div3A_85 : vector<80x10xi32>
      %sign3A = arith.constant 0 : i32
      %sign3A_87 = vector.broadcast %sign3A : i32 to vector<80x10xi32>
      %sign3A_88 = arith.cmpi sgt, %iota3A_84, %sign3A_87 : vector<80x10xi32>
      %sign3A_89 = arith.extui %sign3A_88 : vector<80x10xi1> to vector<80x10xi32>
      %sign3A_90 = arith.constant 0 : i32
      %sign3A_91 = vector.broadcast %sign3A_90 : i32 to vector<80x10xi32>
      %sign3A_92 = arith.cmpi slt, %iota3A_84, %sign3A_91 : vector<80x10xi32>
      %sign3A_93 = arith.extui %sign3A_92 : vector<80x10xi1> to vector<80x10xi32>
      %sign3A_94 = arith.subi %sign3A_89, %sign3A_93 : vector<80x10xi32>
      %sign3A_95 = arith.constant 0 : i32
      %sign3A_96 = arith.cmpi sgt, %jit3A, %sign3A_95 : i32
      %sign3A_97 = arith.extui %sign3A_96 : i1 to i32
      %sign3A_98 = arith.constant 0 : i32
      %sign3A_99 = arith.cmpi slt, %jit3A, %sign3A_98 : i32
      %sign3A_100 = arith.extui %sign3A_99 : i1 to i32
      %sign3A_101 = arith.subi %sign3A_97, %sign3A_100 : i32
      %ne3A = vector.broadcast %sign3A_101 : i32 to vector<80x10xi32>
      %ne3A_102 = arith.cmpi ne, %sign3A_94, %ne3A : vector<80x10xi32>
      %rem3A = vector.broadcast %jit3A : i32 to vector<80x10xi32>
      %rem3A_103 = arith.remsi %iota3A_84, %rem3A : vector<80x10xi32>
      %ne3A_104 = arith.constant 0 : i32
      %ne3A_105 = vector.broadcast %ne3A_104 : i32 to vector<80x10xi32>
      %ne3A_106 = arith.cmpi ne, %rem3A_103, %ne3A_105 : vector<80x10xi32>
      %and3A = arith.andi %ne3A_102, %ne3A_106 : vector<80x10xi1>
      %sub3A_107 = arith.constant 1 : i32
      %sub3A_108 = vector.broadcast %sub3A_107 : i32 to vector<80x10xi32>
      %sub3A_109 = arith.subi %div3A_86, %sub3A_108 : vector<80x10xi32>
      %select_n3A = arith.select %and3A, %sub3A_109, %div3A_86 : vector<80x10xi1>, vector<80x10xi32>
      %eq3A_110 = arith.cmpi eq, %iota3A_83, %select_n3A : vector<80x10xi32>
      %convert_element_type3A_111 = arith.extui %eq3A_110 : vector<80x10xi1> to vector<80x10xi32>
      %convert_element_type3A_112 = arith.sitofp %convert_element_type3A_111 : vector<80x10xi32> to vector<80x10xf32>
      %dot_general3A_113 = arith.constant dense<0.000000e+00> : vector<80x80xf32>
      %dot_general3A_114 = tpu.matmul %convert_element_type3A_112, %div3A_65, %dot_general3A_113 {dimension_numbers = #tpu.dot_dimension_numbers<[1], [0], [0], [1], [0, 0, 1, 1], [], []>, transpose_lhs_hint = false} : vector<80x10xf32>, vector<10x80xf32>, vector<80x80xf32> -> vector<80x80xf32>
      %iota3A_115 = tpu.iota {dimensions = array<i32: 0>} : vector<80x80xi32>
      %jit3A_116 = arith.constant 8 : i32
      %eq3A_117 = arith.constant 0 : i32
      %eq3A_118 = arith.cmpi eq, %jit3A_116, %eq3A_117 : i32
      %jit3A_119 = arith.constant 1 : i32
      %select_n3A_120 = arith.select %eq3A_118, %jit3A_119, %jit3A_116 : i32
      %rem3A_121 = vector.broadcast %select_n3A_120 : i32 to vector<80x80xi32>
      %rem3A_122 = arith.remsi %iota3A_115, %rem3A_121 : vector<80x80xi32>
      %ne3A_123 = arith.constant 0 : i32
      %ne3A_124 = vector.broadcast %ne3A_123 : i32 to vector<80x80xi32>
      %ne3A_125 = arith.cmpi ne, %rem3A_122, %ne3A_124 : vector<80x80xi32>
      %lt3A = arith.constant 0 : i32
      %lt3A_126 = vector.broadcast %lt3A : i32 to vector<80x80xi32>
      %lt3A_127 = arith.cmpi slt, %rem3A_122, %lt3A_126 : vector<80x80xi32>
      %lt3A_128 = arith.constant 0 : i32
      %lt3A_129 = arith.cmpi slt, %select_n3A_120, %lt3A_128 : i32
      %ne3A_130 = vector.broadcast %lt3A_129 : i1 to vector<80x80xi1>
      %ne3A_131 = vector.broadcast %ne3A_130 : vector<80x80xi1> to vector<80x80xi1>
      %ne3A_132 = arith.xori %lt3A_127, %ne3A_131 : vector<80x80xi1>
      %and3A_133 = arith.andi %ne3A_132, %ne3A_125 : vector<80x80xi1>
      %add3A_134 = vector.broadcast %select_n3A_120 : i32 to vector<80x80xi32>
      %add3A_135 = arith.addi %rem3A_122, %add3A_134 : vector<80x80xi32>
      %select_n3A_136 = arith.select %and3A_133, %add3A_135, %rem3A_122 : vector<80x80xi1>, vector<80x80xi32>
      %iota3A_137 = tpu.iota {dimensions = array<i32: 1>} : vector<80x80xi32>
      %jit3A_138 = arith.constant 8 : i32
      %eq3A_139 = arith.constant 0 : i32
      %eq3A_140 = arith.cmpi eq, %jit3A_138, %eq3A_139 : i32
      %jit3A_141 = arith.constant 1 : i32
      %select_n3A_142 = arith.select %eq3A_140, %jit3A_141, %jit3A_138 : i32
      %rem3A_143 = vector.broadcast %select_n3A_142 : i32 to vector<80x80xi32>
      %rem3A_144 = arith.remsi %iota3A_137, %rem3A_143 : vector<80x80xi32>
      %ne3A_145 = arith.constant 0 : i32
      %ne3A_146 = vector.broadcast %ne3A_145 : i32 to vector<80x80xi32>
      %ne3A_147 = arith.cmpi ne, %rem3A_144, %ne3A_146 : vector<80x80xi32>
      %lt3A_148 = arith.constant 0 : i32
      %lt3A_149 = vector.broadcast %lt3A_148 : i32 to vector<80x80xi32>
      %lt3A_150 = arith.cmpi slt, %rem3A_144, %lt3A_149 : vector<80x80xi32>
      %lt3A_151 = arith.constant 0 : i32
      %lt3A_152 = arith.cmpi slt, %select_n3A_142, %lt3A_151 : i32
      %ne3A_153 = vector.broadcast %lt3A_152 : i1 to vector<80x80xi1>
      %ne3A_154 = vector.broadcast %ne3A_153 : vector<80x80xi1> to vector<80x80xi1>
      %ne3A_155 = arith.xori %lt3A_150, %ne3A_154 : vector<80x80xi1>
      %and3A_156 = arith.andi %ne3A_155, %ne3A_147 : vector<80x80xi1>
      %add3A_157 = vector.broadcast %select_n3A_142 : i32 to vector<80x80xi32>
      %add3A_158 = arith.addi %rem3A_144, %add3A_157 : vector<80x80xi32>
      %select_n3A_159 = arith.select %and3A_156, %add3A_158, %rem3A_144 : vector<80x80xi1>, vector<80x80xi32>
      %eq3A_160 = arith.cmpi eq, %select_n3A_136, %select_n3A_159 : vector<80x80xi32>
      %convert_element_type3A_161 = arith.extui %eq3A_160 : vector<80x80xi1> to vector<80x80xi32>
      %convert_element_type3A_162 = arith.sitofp %convert_element_type3A_161 : vector<80x80xi32> to vector<80x80xf32>
      %mul3A_163 = arith.mulf %dot_general3A_114, %convert_element_type3A_162 : vector<80x80xf32>
      %swap3A_164 = arith.constant 0 : index
      %swap3A_165 = arith.constant 0 : index
      %swap3A_166 = vector.load %arg9[%swap3A_164, %swap3A_165] : memref<80x80xf32, #tpu.memory_space<vmem>>, vector<80x80xf32>
      tpu.vector_store %arg9[%swap3A_164, %swap3A_165], %mul3A_163 {strides = array<i32>} : memref<80x80xf32, #tpu.memory_space<vmem>>, vector<80x80xf32>,
      %iota3A_167 = tpu.iota {dimensions = array<i32: 0>} : vector<80x8xi32>
      %jit3A_168 = arith.constant 8 : i32
      %eq3A_169 = arith.constant 0 : i32
      %eq3A_170 = arith.cmpi eq, %jit3A_168, %eq3A_169 : i32
      %jit3A_171 = arith.constant 1 : i32
      %select_n3A_172 = arith.select %eq3A_170, %jit3A_171, %jit3A_168 : i32
      %rem3A_173 = vector.broadcast %select_n3A_172 : i32 to vector<80x8xi32>
      %rem3A_174 = arith.remsi %iota3A_167, %rem3A_173 : vector<80x8xi32>
      %ne3A_175 = arith.constant 0 : i32
      %ne3A_176 = vector.broadcast %ne3A_175 : i32 to vector<80x8xi32>
      %ne3A_177 = arith.cmpi ne, %rem3A_174, %ne3A_176 : vector<80x8xi32>
      %lt3A_178 = arith.constant 0 : i32
      %lt3A_179 = vector.broadcast %lt3A_178 : i32 to vector<80x8xi32>
      %lt3A_180 = arith.cmpi slt, %rem3A_174, %lt3A_179 : vector<80x8xi32>
      %lt3A_181 = arith.constant 0 : i32
      %lt3A_182 = arith.cmpi slt, %select_n3A_172, %lt3A_181 : i32
      %ne3A_183 = vector.broadcast %lt3A_182 : i1 to vector<80x8xi1>
      %ne3A_184 = vector.broadcast %ne3A_183 : vector<80x8xi1> to vector<80x8xi1>
      %ne3A_185 = arith.xori %lt3A_180, %ne3A_184 : vector<80x8xi1>
      %and3A_186 = arith.andi %ne3A_185, %ne3A_177 : vector<80x8xi1>
      %add3A_187 = vector.broadcast %select_n3A_172 : i32 to vector<80x8xi32>
      %add3A_188 = arith.addi %rem3A_174, %add3A_187 : vector<80x8xi32>
      %select_n3A_189 = arith.select %and3A_186, %add3A_188, %rem3A_174 : vector<80x8xi1>, vector<80x8xi32>
      %iota3A_190 = tpu.iota {dimensions = array<i32: 1>} : vector<80x8xi32>
      %eq3A_191 = arith.cmpi eq, %select_n3A_189, %iota3A_190 : vector<80x8xi32>
      %convert_element_type3A_192 = arith.extui %eq3A_191 : vector<80x8xi1> to vector<80x8xi32>
      %convert_element_type3A_193 = arith.sitofp %convert_element_type3A_192 : vector<80x8xi32> to vector<80x8xf32>
      %swap3A_194 = arith.constant 0 : index
      %swap3A_195 = arith.constant 0 : index
      %swap3A_196 = vector.load %arg11[%swap3A_194, %swap3A_195] : memref<80x8xf32, #tpu.memory_space<vmem>>, vector<80x8xf32>
      tpu.vector_store %arg11[%swap3A_194, %swap3A_195], %convert_element_type3A_193 {strides = array<i32>} : memref<80x8xf32, #tpu.memory_space<vmem>>, vector<80x8xf32>,
    } else {
    }
    %get3A = arith.constant 0 : index
    %get3A_2 = arith.constant 0 : index
    %get3A_3 = vector.load %arg3[%get3A, %get3A_2] : memref<2000x2xf32, #tpu.memory_space<vmem>>, vector<2000x1xf32>
    %get3A_4 = arith.constant 0 : index
    %get3A_5 = arith.constant 1 : index
    %get3A_6 = vector.load %arg3[%get3A_4, %get3A_5] : memref<2000x2xf32, #tpu.memory_space<vmem>>, vector<2000x1xf32>
    %add3A = arith.addf %get3A_3, %get3A_6 : vector<2000x1xf32>
    %max3A = arith.constant 1.000000e+00 : f32
    %max3A_7 = vector.broadcast %max3A : f32 to vector<2000x1xf32>
    %max3A_8 = arith.maximumf %add3A, %max3A_7 : vector<2000x1xf32>
    %div3A = arith.constant 1.000000e+00 : f32
    %div3A_9 = vector.broadcast %div3A : f32 to vector<2000x1xf32>
    %div3A_10 = arith.divf %div3A_9, %max3A_8 : vector<2000x1xf32>
    %get3A_11 = arith.constant 0 : index
    %get3A_12 = arith.constant 0 : index
    %get3A_13 = vector.load %arg1[%get3A_11, %get3A_12] : memref<2000x40xf32, #tpu.memory_space<vmem>>, vector<2000x40xf32>
    %get3A_14 = arith.constant 0 : index
    %get3A_15 = arith.constant 0 : index
    %get3A_16 = vector.load %arg2[%get3A_14, %get3A_15] : memref<2000x40xf32, #tpu.memory_space<vmem>>, vector<2000x40xf32>
    %concatenate3A = tpu.concatenate %get3A_13, %get3A_16 in 1 : vector<2000x40xf32>, vector<2000x40xf32> -> vector<2000x80xf32>
    %mul3A = vector.broadcast %div3A_10 : vector<2000x1xf32> to vector<2000x80xf32>
    %mul3A_17 = arith.mulf %concatenate3A, %mul3A : vector<2000x80xf32>
    %get3A_18 = arith.constant 0 : index
    %get3A_19 = arith.constant 0 : index
    %get3A_20 = vector.load %arg9[%get3A_18, %get3A_19] : memref<80x80xf32, #tpu.memory_space<vmem>>, vector<80x80xf32>
    %dot_general3A = arith.constant dense<0.000000e+00> : vector<2000x80xf32>
    %dot_general3A_21 = tpu.matmul %mul3A_17, %get3A_20, %dot_general3A {dimension_numbers = #tpu.dot_dimension_numbers<[1], [1], [0], [0], [0, 0, 1, 0], [], []>, precision = #tpu.contract_precision<fp32>, transpose_lhs_hint = false} : vector<2000x80xf32>, vector<80x80xf32>, vector<2000x80xf32> -> vector<2000x80xf32>
    %get3A_22 = arith.constant 0 : index
    %get3A_23 = arith.constant 0 : index
    %get3A_24 = vector.load %arg4[%get3A_22, %get3A_23] : memref<2000x1xi32, #tpu.memory_space<vmem>>, vector<2000x1xi32>
    %iota3A = tpu.iota {dimensions = array<i32: 1>} : vector<2000x32xi32>
    %eq3A_25 = vector.broadcast %get3A_24 : vector<2000x1xi32> to vector<2000x32xi32>
    %eq3A_26 = arith.cmpi eq, %eq3A_25, %iota3A : vector<2000x32xi32>
    %convert_element_type3A_27 = arith.extui %eq3A_26 : vector<2000x32xi1> to vector<2000x32xi32>
    %convert_element_type3A_28 = arith.sitofp %convert_element_type3A_27 : vector<2000x32xi32> to vector<2000x32xf32>
    %get3A_29 = arith.constant 0 : index
    %get3A_30 = arith.constant 0 : index
    %get3A_31 = vector.load %arg10[%get3A_29, %get3A_30] : memref<32x80xf32, #tpu.memory_space<vmem>>, vector<32x80xf32>
    %dot_general3A_32 = arith.constant dense<0.000000e+00> : vector<2000x80xf32>
    %dot_general3A_33 = tpu.matmul %convert_element_type3A_28, %get3A_31, %dot_general3A_32 {dimension_numbers = #tpu.dot_dimension_numbers<[1], [0], [0], [1], [0, 0, 1, 1], [], []>, precision = #tpu.contract_precision<fp32>, transpose_lhs_hint = false} : vector<2000x32xf32>, vector<32x80xf32>, vector<2000x80xf32> -> vector<2000x80xf32>
    %mul3A_34 = arith.mulf %dot_general3A_33, %dot_general3A_21 : vector<2000x80xf32>
    %get3A_35 = arith.constant 0 : index
    %get3A_36 = arith.constant 0 : index
    %get3A_37 = vector.load %arg11[%get3A_35, %get3A_36] : memref<80x8xf32, #tpu.memory_space<vmem>>, vector<80x8xf32>
    %dot_general3A_38 = arith.constant dense<0.000000e+00> : vector<2000x8xf32>
    %dot_general3A_39 = tpu.matmul %mul3A_34, %get3A_37, %dot_general3A_38 {dimension_numbers = #tpu.dot_dimension_numbers<[1], [0], [0], [1], [0, 0, 1, 1], [], []>, precision = #tpu.contract_precision<fp32>, transpose_lhs_hint = false} : vector<2000x80xf32>, vector<80x8xf32>, vector<2000x8xf32> -> vector<2000x8xf32>
    %add3A_40 = arith.constant 9.99999997E-7 : f32
    %add3A_41 = vector.broadcast %add3A_40 : f32 to vector<2000x8xf32>
    %add3A_42 = arith.addf %dot_general3A_39, %add3A_41 : vector<2000x8xf32>
    %get3A_43 = arith.constant 0 : index
    %get3A_44 = arith.constant 0 : index
    %get3A_45 = vector.load %arg11[%get3A_43, %get3A_44] : memref<80x8xf32, #tpu.memory_space<vmem>>, vector<80x8xf32>
    %dot_general3A_46 = arith.constant dense<0.000000e+00> : vector<2000x80xf32>
    %dot_general3A_47 = tpu.matmul %add3A_42, %get3A_45, %dot_general3A_46 {dimension_numbers = #tpu.dot_dimension_numbers<[1], [1], [0], [0], [0, 0, 1, 0], [], []>, precision = #tpu.contract_precision<fp32>, transpose_lhs_hint = false} : vector<2000x8xf32>, vector<80x8xf32>, vector<2000x80xf32> -> vector<2000x80xf32>
    %add3A_48 = arith.constant 1.000000e-07 : f32
    %add3A_49 = vector.broadcast %add3A_48 : f32 to vector<2000x80xf32>
    %add3A_50 = arith.addf %mul3A_34, %add3A_49 : vector<2000x80xf32>
    %div3A_51 = arith.divf %add3A_50, %dot_general3A_47 : vector<2000x80xf32>
    %swap3A = arith.constant 0 : index
    %swap3A_52 = arith.constant 0 : index
    %swap3A_53 = vector.load %arg8[%swap3A, %swap3A_52] : memref<2000x80xf32, #tpu.memory_space<vmem>>, vector<2000x80xf32>
    tpu.vector_store %arg8[%swap3A, %swap3A_52], %div3A_51 {strides = array<i32>} : memref<2000x80xf32, #tpu.memory_space<vmem>>, vector<2000x80xf32>,
    %log3A = math.log %add3A_42 : vector<2000x8xf32>
    %swap3A_54 = arith.constant 0 : index
    %swap3A_55 = arith.constant 0 : index
    %swap3A_56 = vector.load %arg7[%swap3A_54, %swap3A_55] : memref<2000x8xf32, #tpu.memory_space<vmem>>, vector<2000x8xf32>
    tpu.vector_store %arg7[%swap3A_54, %swap3A_55], %log3A {strides = array<i32>} : memref<2000x8xf32, #tpu.memory_space<vmem>>, vector<2000x8xf32>,
    return
  }
  func.func @transform_0(%arg0: i32) -> (i32, i32) {
    %c0_i32 = arith.constant 0 : i32
    %c0_i32_0 = arith.constant 0 : i32
    return %arg0, %c0_i32 : i32, i32
  }
  func.func @transform_1(%arg0: i32) -> (i32, i32) {
    %c0_i32 = arith.constant 0 : i32
    %c0_i32_0 = arith.constant 0 : i32
    return %arg0, %c0_i32 : i32, i32
  }
  func.func @transform_2(%arg0: i32) -> (i32, i32) {
    %c0_i32 = arith.constant 0 : i32
    %c0_i32_0 = arith.constant 0 : i32
    return %arg0, %c0_i32 : i32, i32
  }
  func.func @transform_3(%arg0: i32) -> (i32, i32) {
    %c0_i32 = arith.constant 0 : i32
    %c0_i32_0 = arith.constant 0 : i32
    return %arg0, %c0_i32 : i32, i32
  }
  func.func @transform_4(%arg0: i32) -> (i32, i32) {
    %c0_i32 = arith.constant 0 : i32
    %c0_i32_0 = arith.constant 0 : i32
    %c0_i32_1 = arith.constant 0 : i32
    return %c0_i32, %c0_i32_0 : i32, i32
  }
  func.func @transform_5(%arg0: i32) -> (i32, i32) {
    %c0_i32 = arith.constant 0 : i32
    %c0_i32_0 = arith.constant 0 : i32
    %c0_i32_1 = arith.constant 0 : i32
    return %c0_i32, %c0_i32_0 : i32, i32
  }
  func.func @transform_6(%arg0: i32) -> (i32, i32) {
    %c0_i32 = arith.constant 0 : i32
    %c0_i32_0 = arith.constant 0 : i32
    return %arg0, %c0_i32 : i32, i32
  }
  func.func @transform_7(%arg0: i32) -> (i32, i32) {
    %c0_i32 = arith.constant 0 : i32
    %c0_i32_0 = arith.constant 0 : i32
    return %arg0, %c0_i32 : i32, i32
  }
}

</mosaic_0001>

<sc_bundles>
// kernel: kernel.5.cloned.1.call-start
scs
__scs_entry_jumppad:
0x0: {  	(pc) =	sbr.rel $0x88, $3  }
0x1: {  	(tag) =	ssettag $0x0;
	lr =	simm.s32 $0x1  }
0x2: {  	[smem:$0x3F9C] =	sst lr;
	_ =	strace $0xD0000000  }
0x3: {  	_ = 	snop  }
0x4: {  	_ = 	snop  }
0x5: {  	_ = 	snop  }
0x6: {  	_ = 	snop  }
0x7: {  	_ = 	snop  }
__scs_overlays_trampoline_lowered:
0x8: {  	[smem:$0x3FAB] =	sst s0  }
0x9: {  	[smem:$0x3FAC] =	sst s1  }
0xa: {  	[smem:$0x3FAD] =	sst s2  }
0xb: {  	[smem:$0x3FAE] =	sst s3  }
0xc: {  	[smem:$0x3FAF] =	sst s4  }
0xd: {  	[smem:$0x3FB0] =	sst s5  }
0xe: {  	[smem:$0x3FB1] =	sst s6  }
0xf: {  	[smem:$0x3FB2] =	sst s7  }
0x10: {  	[smem:$0x3FB3] =	sst s8  }
0x11: {  	[smem:$0x3FB4] =	sst s9;
	s0 =	simm.s32 @!p0 $0x0  }
0x12: {  	s1 =	sld [smem:$0x3F9A];
	s0 =	simm.s32 @p0 $0x1  }
0x13: {  	[smem:$0x3FB5] =	sst s0;
	s0 =	simm.s32 @!p1 $0x0  }
0x14: {  	s2 =	sld [smem:$0x3F99];
	s0 =	simm.s32 @p1 $0x1  }
0x15: {  	[smem:$0x3FB6] =	sst s0;
	s0 =	simm.s32 @!p2 $0x0  }
0x16: {  	s3 =	sld [smem:$0x3FDB];
	s0 =	simm.s32 @p2 $0x1  }
0x17: {  	s4 =	simm.s32 $0x1BF5;
	[smem:$0x3FB8] =	sst s0  }
0x18: {  	s0 =	sld [smem:$0x3F9B];
	_ =	swait.ge [sflag:s4], $0x0  }
0x19: {  	s7 =	sld [smem:$0x3F9C]  }
0x1a: {  	s8 =	sadd.s32 $0xFFFFE003, lr  }
0x1b: {  	s9 =	sadd.s32 $0xFFFFFEF7, lr;
	s5 =	simm.s32 $0xFFFFFFFF;
	p2 =	slt.u32 s8, $0xFFFFF086  }
0x1c: {  	p1 =	slt.u32 s9, $0xF7A;
	s5 =	simm.s32 @!p2 $0x0  }
0x1d: {  	s5 =	simm.s32 @p1 $0x1;
	p0 =	seq.s32 s7, s2  }
0x1e: {  	s7 =	smul.u32 @!p0 $0xF7A, s2;
	p2 =	seq.s32 @!p0 s5, $0x0  }
0x1f: {  	s9 =	smul.u32 $0xF7A, s1;
	s8 =	simm.s32 @!p0 $0x1BF5;
	p2 =	por !p2, p0  }
0x20: {  	[sflag:s8] =	ssyncset.s32 @!p0 $0xFFFFF086;
	s6 =	sadd.s32 @!p0 s3, s7;
	s7 =	simm.s32 @!p0 $0x108  }
0x21: {  	s3 =	sadd.s32 s3, s9;
	s6 =	sadd.s32 @!p0 $0x88, s6;
	s7 =	simm.s32 @p2 $0x1082  }
0x22: {  	[simem:s7], [sflag:s8] =	dma.local @!p0 [hbm:s6], $0xF7A  }
0x23: {  	s9 =	sor.u32 $0xD0000000, s2;
	s6 =	simm.s32 $0x108;
	_ =	swait.ge @!p0 [sflag:s8], $0x0  }
0x24: {  	s3 =	sadd.s32 $0x88, s3;
	s6 =	simm.s32 @!p1 $0x1082;
	[sflag:s4] =	ssyncset.s32 $0xFFFFF086  }
0x25: {  	[simem:s6], [sflag:s4] =	dma.local [hbm:s3], $0xF7A  }
0x26: {  	[smem:$0x3F9C] =	sst s1;
	(tag) =	ssettag s2;
	_ =	strace s9  }
0x27: {  	s1 =	sld [smem:$0x3FAC]  }
0x28: {  	s2 =	sld [smem:$0x3FAD]  }
0x29: {  	s4 =	sld [smem:$0x3FAF]  }
0x2a: {  	p0 =	seq.s32 s5, $0x0;
	s5 =	sld [smem:$0x3FB0]  }
0x2b: {  	s6 =	sld [smem:$0x3FB1]  }
0x2c: {  	s7 =	sld [smem:$0x3FB2]  }
0x2d: {  	s3 =	simm.s32 $0x108;
	s8 =	sld [smem:$0x3FB3]  }
0x2e: {  	s3 =	simm.s32 @!p0 $0x1082;
	s9 =	sld [smem:$0x3FB4]  }
0x2f: {  	lr =	sadd.s32 s0, s3;
	s0 =	sld [smem:$0x3FAB]  }
0x30: {  	s3 =	sld [smem:$0x3FAE]  }
0x31: {  	[smem:$0x3FB7] =	sst s10  }
0x32: {  	s10 =	sld [smem:$0x3FB5];
	_ =	sdelay $0x3  }
0x33: {  	p0 =	seq.s32 s10, $0x1;
	s10 =	sld [smem:$0x3FB7];
	_ =	sdelay $0x3  }
0x34: {  	[smem:$0x3FB7] =	sst s10  }
0x35: {  	s10 =	sld [smem:$0x3FB6];
	_ =	sdelay $0x3  }
0x36: {  	p1 =	seq.s32 s10, $0x1;
	s10 =	sld [smem:$0x3FB7];
	_ =	sdelay $0x3  }
0x37: {  	[smem:$0x3FB7] =	sst s10  }
0x38: {  	s10 =	sld [smem:$0x3FB8]  }
0x39: {  	_ = 	snop;
	(pc) =	sbr.ind lr, $3  }
0x3a: {  	_ = 	snop  }
0x3b: {  	_ = 	snop  }
0x3c: {  	p2 =	seq.s32 s10, $0x1;
	s10 =	sld [smem:$0x3FB7]  }
0x3d: {  	_ =	shalt  }
0x3e: {  	_ =	shalt  }
0x3f: {  	_ =	shalt  }
0x40: {  	_ =	shalt  }
0x41: {  	_ =	shalt  }
0x42: {  	_ =	shalt  }
0x43: {  	_ =	shalt  }
0x44: {  	_ =	shalt  }
0x45: {  	_ =	shalt  }
0x46: {  	_ =	shalt  }
0x47: {  	_ =	shalt  }
0x48: {  	_ =	shalt  }
0x49: {  	_ =	shalt  }
0x4a: {  	_ =	shalt  }
0x4b: {  	_ =	shalt  }
0x4c: {  	_ =	shalt  }
0x4d: {  	_ =	shalt  }
0x4e: {  	_ =	shalt  }
0x4f: {  	_ =	shalt  }
0x50: {  	_ =	shalt  }
0x51: {  	_ =	shalt  }
0x52: {  	_ =	shalt  }
0x53: {  	_ =	shalt  }
0x54: {  	_ =	shalt  }
0x55: {  	_ =	shalt  }
0x56: {  	_ =	shalt  }
0x57: {  	_ =	shalt  }
0x58: {  	_ =	shalt  }
0x59: {  	_ =	shalt  }
0x5a: {  	_ =	shalt  }
0x5b: {  	_ =	shalt  }
0x5c: {  	_ =	shalt  }
0x5d: {  	_ =	shalt  }
0x5e: {  	_ =	shalt  }
0x5f: {  	_ =	shalt  }
0x60: {  	_ =	shalt  }
0x61: {  	_ =	shalt  }
0x62: {  	_ =	shalt  }
0x63: {  	_ =	shalt  }
0x64: {  	_ =	shalt  }
0x65: {  	_ =	shalt  }
0x66: {  	_ =	shalt  }
0x67: {  	_ =	shalt  }
0x68: {  	_ =	shalt  }
0x69: {  	_ =	shalt  }
0x6a: {  	_ =	shalt  }
0x6b: {  	_ =	shalt  }
0x6c: {  	_ =	shalt  }
0x6d: {  	_ =	shalt  }
0x6e: {  	_ =	shalt  }
0x6f: {  	_ =	shalt  }
0x70: {  	_ =	shalt  }
0x71: {  	_ =	shalt  }
0x72: {  	_ =	shalt  }
0x73: {  	_ =	shalt  }
0x74: {  	_ =	shalt  }
0x75: {  	_ =	shalt  }
0x76: {  	_ =	shalt  }
0x77: {  	_ =	shalt  }
0x78: {  	_ =	shalt  }
0x79: {  	_ =	shalt  }
0x7a: {  	_ =	shalt  }
0x7b: {  	_ =	shalt  }
0x7c: {  	_ =	shalt  }
0x7d: {  	_ =	shalt  }
0x7e: {  	_ =	shalt  }
0x7f: {  	_ =	shalt  }
0x80: {  	_ =	shalt  }
0x81: {  	_ =	shalt  }
0x82: {  	_ =	shalt  }
0x83: {  	_ =	shalt  }
0x84: {  	_ =	shalt  }
0x85: {  	_ =	shalt  }
0x86: {  	_ =	shalt  }
0x87: {  	_ =	shalt  }
.Lfunc_end0:
.L_simem_size_0:
called_computation_lowered:
.L_overlay_start_0:
0x88: {  	s2 =	sld [smem:$0x3FD9]  }
0x89: {  	s3 =	sld [smem:$0x3FFE];
	_ =	sdelay $0x1  }
0x8a: {  	s1 =	srdreg.scid  }
0x8b: {  	s0 =	sand.u32 $0x1, s1  }
0x8c: {  	s14 =	sshll.u32 s0, $0xA;
	s2 =	sadd.s32 s3, s2  }
0x8d: {  	s2 =	sadd.s32 s2, s14  }
0x8e: {  	[smem:$0x3FC3] =	sst s2  }
0x8f: {  	_ = 	snop  }
0x90: {  	s2 =	sld [smem:$0x3FD0];
	_ =	sdelay $0x2  }
0x91: {  	s15 =	simm.s32 $0xA;
	s4 =	simm.s32 $0x10  }
0x92: {  	[smem:s4], [sflag:s15] =	dma.local [hbm:s2], $0x1  }
0x93: {  	_ =	swait.eq [sflag:s15], $0x1  }
0x94: {  	[sflag:s15] =	ssyncset.done $0x0  }
0x95: {  	s16 =	sld [smem:$0x10];
	[sflag:s15] =	ssyncadd.s32 $0xFFFFFFFF  }
0x96: {  	s17 =	sld [smem:$0x11];
	(tm) =	ssettm $0x1  }
0x97: {  	s18 =	sld [smem:$0x3FFB];
	_ =	sdelay $0x3  }
0x98: {  	_ =	strace s18  }
0x99: {  	s4 =	sld [smem:$0x3FFC];
	_ =	sdelay $0x3  }
0x9a: {  	_ =	strace s4  }
0x9b: {  	s4 =	sld [smem:$0x3FFD];
	_ =	sdelay $0x3  }
0x9c: {  	_ =	strace s4  }
0x9d: {  	_ =	strace $0x8FFFFFFF  }
0x9e: {  	s19 =	sld [smem:$0x3FDB];
	_ =	sdelay $0x1  }
0x9f: {  	s5 =	simm.s32 $_scs_section_size  }
0xa0: {  	s6 =	simm.s32 $_size__tile_overlayer_lowered;
	s7 =	simm.s32 $_tile_overlayer_lowered  }
0xa1: {  	s22 =	simm.s32 $0x1BFF;
	s21 =	sshll.u32 s7, $0x1;
	s4 =	sadd.s32 s5, s19  }
0xa2: {  	s8 =	simm.s32 $0x0;
	s20 =	sshll.u32 s6, $0x1;
	s6 =	sadd.s32 s21, s4  }
0xa3: {  	[timem:s8], [sflag:s22] =	dma.local [hbm:s6], s20  }
0xa4: {  	_ =	swait.ge [sflag:s22], s20  }
0xa5: {  	s5 =	ssub.s32 $0x0, s20;
	[sflag:s22] =	ssyncset.done $0x0  }
0xa6: {  	[sflag:s22] =	ssyncadd.s32 s5;
	_ =	sdelay $0x1  }
0xa7: {  	s23 =	simm.s32 $0x1B8B  }
0xa8: {  	_ =	swait.ge [sflag:s23], $0x1  }
0xa9: {  	[sflag:s23] =	ssyncset.done $0x0  }
0xaa: {  	s25 =	simm.s32 $0x1B8E;
	s24 =	sld [smem:$0x3FFE];
	[sflag:s23] =	ssyncadd.s32 $0xFFFFFFFF  }
0xab: {  	s26 =	simm.s32 $execute0_lowered;
	[smem:$0x3FD2] =	sst s25  }
0xac: {  	s6 =	sshll.u32 s26, $0x1;
	_ =	strace $0x80000046;
	[dreg:$0x1] =	wrdreg $0xFFFFFFFF  }
0xad: {  	s28 =	simm.s32 $_size_execute0_lowered;
	s4 =	sadd.s32 s4, s6;
	[dreg:$0x0] =	wrdreg $0x0  }
0xae: {  	s6 =	sshll.u32 s28, $0x1;
	[dreg:$0x2] =	wrdreg s4  }
0xaf: {  	[dreg:$0x3] =	wrdreg s6  }
0xb0: {  	[dreg:$0x4] =	wrdreg $0xC0  }
0xb1: {  	_ =	task [dreg:s8], $0x5FFFF  }
0xb2: {  	[dreg:$0x1] =	wrdreg $0xFFFFFFFF  }
0xb3: {  	[dreg:$0x0] =	wrdreg $0x60  }
0xb4: {  	[dreg:$0x2] =	wrdreg s24  }
0xb5: {  	[dreg:$0x3] =	wrdreg s17  }
0xb6: {  	[dreg:$0x4] =	wrdreg s16  }
0xb7: {  	[dreg:$0x5] =	wrdreg $0x18900  }
0xb8: {  	[dreg:$0x6] =	wrdreg $0x9  }
0xb9: {  	_ =	task.clear_ibuf [dreg:s8], $0x7FFFF;
	_ =	strace $0x90000046  }
0xba: {  	s29 =	simm.s32 $0x9;
	_ =	strace $0x80000048  }
0xbb: {  	_ =	swait.ge [sflag:s29], $0x1  }
0xbc: {  	[sflag:s29] =	ssyncadd.s32 $0xFFFFFFFF  }
0xbd: {  	_ =	strace $0x90000048  }
0xbe: {  	_ =	sfence  }
0xbf: {  	s30 =	sld [smem:$0x0];
	_ =	sdelay $0x2  }
0xc0: {  	s31 =	sshll.u32 s1, $0xD;
	s1 =	sshrl.u32 s1, $0x2  }
0xc1: {  	s3 =	sand.u32 $0x4000, s31;
	s1 =	sadd.s32 s1, s30  }
0xc2: {  	s0 =	sor.u32 s3, s0;
	s1 =	sshll.u32 s1, $0x11  }
0xc3: {  	s0 =	sor.u32 s1, s0  }
0xc4: {  	s0 =	sadd.s32 $0x8F2B, s0  }
0xc5: {  	[sflag:s0] =	ssyncadd.remote.s32 $0x1  }
0xc6: {  	_ =	sfence.sel $0xFFFF  }
0xc7: {  	[dreg:$0x0] =	wrdreg $0xFFFFFFFF;
	(pc) =	sbr.abs _section_cstart, $3  }
0xc8: {  	[dreg:$0x1] =	wrdreg $0xFFFFFFFF  }
0xc9: {  	_ =	task.clear_ibuf [dreg:s8], $0x2FFFF;
	_ =	strace $0x9FFFFFFF  }
0xca: {  	(tm) =	ssettm $0x7FFFFFFF  }
0xcb: {  	_ =	shalt  }
tec
execute0_lowered:
.L_overlay_start_1:
0x0: {  	(tag) =	ssettag $0x1  }
0x1: {  	s0 =	rddreg [dreg:$0x0]  }
0x2: {  	s1 =	rddreg [dreg:$0x1]  }
0x3: {  	s2 =	srdreg.scid;
	s4 =	rddreg [dreg:$0x2]  }
0x4: {  	s10 =	stileid.u32;
	s3 =	simm.s32 $0x0;
	s28 =	simm.s32 $0x380  }
0x5: {  	s6 =	sand.u32 $0x1, s2;
	s2 =	rddreg [dreg:$0x3];
	s7 =	smul.u32 $0x6400, s10  }
0x6: {  	s29 =	simm.s32 $0x0;
	[smem:$0x7FF] =	sst s3;
	s5 =	smul.u32 $0x64000, s6  }
0x7: {  	s9 =	smul.u32 $0xC38, s10;
	s11 =	sadd.s32 $0x33000, s0;
	s16 =	ssub.s32 $0x2, s6  }
0x8: {  	_ =	strace $0x80000047;
	s17 =	sshrl.u32 s16, $0x1;
	s5 =	sadd.s32 s7, s5  }
0x9: {  	[dreg:$0x5] =	wrdreg s11;
	s7 =	ssub.s32 s16, s17;
	s5 =	sshrl.u32 s5, $0x3  }
0xa: {  	s7 =	smax.u32 s7, $0x1;
	s8 =	sadd.s32 s5, s0;
	s5 =	sadd.s32 s9, s2  }
0xb: {  	s15 =	smul.u32 $0x3D09, s10;
	[dreg:$0x6] =	wrdreg s7;
	s18 =	sadd.s32 $0x88, s5  }
0xc: {  	s13 =	smul.u32 $0x30E0, s10;
	s19 =	sadd.s32 $0x110, s5;
	[dreg:$0x7] =	wrdreg s18  }
0xd: {  	p0 =	seq.s32 s6, $0x1;
	s20 =	sadd.s32 $0x198, s5;
	[dreg:$0x8] =	wrdreg s19  }
0xe: {  	s6 =	smul.u32 $0xC380, s6;
	s21 =	sadd.s32 $0x220, s5;
	[dreg:$0x9] =	wrdreg s20  }
0xf: {  	s11 =	smul.u32 $0x7A12, s10;
	s22 =	sadd.s32 $0x2A8, s5;
	[dreg:$0xa] =	wrdreg s21  }
0x10: {  	s10 =	simm.s32 $0x508;
	s23 =	sadd.s32 $0x330, s5;
	[dreg:$0xb] =	wrdreg s22  }
0x11: {  	s6 =	sadd.s32 s9, s6;
	s24 =	sadd.s32 $0x3B8, s5;
	[dreg:$0xc] =	wrdreg s23  }
0x12: {  	s6 =	sshrl.u32 s6, $0x3;
	s25 =	sadd.s32 $0x440, s5;
	[dreg:$0xd] =	wrdreg s24  }
0x13: {  	s0 =	sadd.s32 s15, s0;
	s26 =	sadd.s32 $0x4C8, s5;
	[dreg:$0xe] =	wrdreg s25  }
0x14: {  	s15 =	sshrl.u32 s13, $0x2;
	s30 =	sadd.s32 $0x550, s5;
	[dreg:$0xf] =	wrdreg s26  }
0x15: {  	s9 =	simm.s32 $0x50;
	s31 =	sadd.s32 $0x5D8, s5;
	[dreg:$0x10] =	wrdreg s30  }
0x16: {  	s13 =	simm.s32 $0x7D;
	s12 =	sadd.s32 $0x660, s5;
	[dreg:$0x11] =	wrdreg s31  }
0x17: {  	s14 =	sadd.s32 $0x6E8, s5;
	s16 =	sadd.s32 $0x770, s5;
	[dreg:$0x12] =	wrdreg s12  }
0x18: {  	s17 =	sadd.s32 $0x7F8, s5;
	s19 =	sadd.s32 s11, s1;
	[dreg:$0x13] =	wrdreg s14  }
0x19: {  	s21 =	sadd.s32 s6, s4;
	s22 =	sadd.s32 $0x33200, s0;
	s23 =	sadd.s32 $0x70400, s0  }
0x1a: {  	s24 =	sadd.s32 $0x1A000, s8;
	s25 =	sadd.s32 s15, s2;
	[dreg:$0x14] =	wrdreg s16  }
0x1b: {  	[dreg:$0x15] =	wrdreg s17;
	s18 =	sadd.s32 $0x880, s5;
	s20 =	sadd.s32 $0x908, s5  }
0x1c: {  	s26 =	sadd.s32 $0x990, s5;
	s30 =	sadd.s32 $0xA18, s5;
	s31 =	sadd.s32 $0xAA0, s5  }
0x1d: {  	s4 =	sadd.s32 $0xB28, s5;
	s6 =	sadd.s32 $0xBB0, s5;
	[dreg:$0x16] =	wrdreg s18  }
0x1e: {  	s8 =	simm.s32 $0x28;
	s11 =	simm.s32 $0x1;
	[dreg:$0x17] =	wrdreg s20  }
0x1f: {  	s12 =	simm.s32 $0x480;
	s14 =	simm.s32 $0x400;
	[dreg:$0x18] =	wrdreg s26  }
0x20: {  	s15 =	simm.s32 $0x80;
	s16 =	simm.s32 $0x100;
	[dreg:$0x19] =	wrdreg s30  }
0x21: {  	s17 =	simm.s32 $0x180;
	[dreg:$0x1a] =	wrdreg s31;
	s7 =	sadd.s32 $0x5, s19  }
0x22: {  	v0 =	vimm.f32 $1.000000000e+00;
	s18 =	simm.s32 $0x200;
	s20 =	simm.s32 $0x280;
	s26 =	simm.s32 $0x300  }
.LBB2_1:
.Ltmp0:
0x23: {  	(pc) =	sbr.rel @!p0 .LBB2_2-.Ltmp0, $1  }
0x24: {  	_ =	sdelay $0x3  }
0x25: {  	[tilespmem:s10], [sflag:$0x1] =	stream.strided.gather [hbm4b:s7+s8], $0x1388, s9, s8, $0x38;
	[tilespmem:$0x24C8] =	vst v63  }
0x26: {  	_ =	swait.ge [sflag:s11], $0x1388  }
0x27: {  	[sflag:s11] =	ssyncset.done $0x0  }
0x28: {  	s1 =	sadd.s32 $0x0, s23;
	[sflag:s11] =	ssyncadd.s32 $0xFFFFEC78  }
0x29: {  	[hbm4b:s1+s3] =	stream.linear.scatter [tilespmem:s10], [sflag:$0x1], $0x1388, $0x38;
	[tilespmem:$0x24C8] =	vst v63  }
0x2a: {  	_ =	swait.ge [sflag:s11], $0x1388  }
0x2b: {  	s30 =	simm.s32 $0x271;
	s31 =	smov.u32 s7;
	[sflag:s11] =	ssyncset.done $0x0  }
.LBB2_6:
0x2c: {  	p1 =	sne.s32 s30, $0x3A98;
	[sflag:s11] =	ssyncadd.s32 $0xFFFFEC78;
	s31 =	sadd.s32 $0x4E2, s31  }
0x2d: {  	[tilespmem:s10], [sflag:$0x1] =	stream.strided.gather [hbm4b:s31+s8], $0x1388, s9, s8, $0x38;
	[tilespmem:$0x24C8] =	vst v63  }
0x2e: {  	s1 =	smov.u32 s30;
	s30 =	sadd.s32 $0x271, s30;
	_ =	swait.ge [sflag:s11], $0x1388  }
.Ltmp1:
0x2f: {  	[sflag:s11] =	ssyncset.done $0x0;
	(pc) =	sbr.rel @p1 .LBB2_6-.Ltmp1, $4  }
0x30: {  	s1 =	sadd.s32 s1, s23;
	[sflag:s11] =	ssyncadd.s32 $0xFFFFEC78  }
0x31: {  	[hbm4b:s1+s3] =	stream.linear.scatter [tilespmem:s10], [sflag:$0x1], $0x1388, $0x38;
	[tilespmem:$0x24C8] =	vst v63  }
0x32: {  	_ =	swait.ge [sflag:s11], $0x1388  }
0x33: {  	[sflag:s11] =	ssyncset.done $0x0  }
.Ltmp2:
0x34: {  	(pc) =	sbr.rel .LBB2_8-.Ltmp2, $2  }
0x35: {  	_ =	sdelay $0x2  }
0x36: {  	[sflag:s11] =	ssyncadd.s32 $0xFFFFEC78  }
.LBB2_2:
0x37: {  	[tilespmem:s10], [sflag:$0x1] =	stream.strided.gather [hbm4b:s19+s8], $0x1388, s9, s8, $0x38;
	[tilespmem:$0x24C8] =	vst v63  }
0x38: {  	_ =	swait.ge [sflag:s11], $0x1388  }
0x39: {  	[sflag:s11] =	ssyncset.done $0x0  }
0x3a: {  	s1 =	sadd.s32 $0x0, s22;
	[sflag:s11] =	ssyncadd.s32 $0xFFFFEC78  }
0x3b: {  	[hbm4b:s1+s3] =	stream.linear.scatter [tilespmem:s10], [sflag:$0x1], $0x1388, $0x38;
	[tilespmem:$0x24C8] =	vst v63  }
0x3c: {  	_ =	swait.ge [sflag:s11], $0x1388  }
0x3d: {  	s30 =	simm.s32 $0x271;
	s31 =	smov.u32 s19;
	[sflag:s11] =	ssyncset.done $0x0  }
.LBB2_3:
0x3e: {  	p1 =	seq.s32 s30, $0x3A98;
	[sflag:s11] =	ssyncadd.s32 $0xFFFFEC78;
	s31 =	sadd.s32 $0x4E2, s31  }
0x3f: {  	[tilespmem:s10], [sflag:$0x1] =	stream.strided.gather [hbm4b:s31+s8], $0x1388, s9, s8, $0x38;
	[tilespmem:$0x24C8] =	vst v63  }
0x40: {  	s1 =	smov.u32 s30;
	s30 =	sadd.s32 $0x271, s30;
	_ =	swait.ge [sflag:s11], $0x1388  }
.Ltmp3:
0x41: {  	[sflag:s11] =	ssyncset.done $0x0;
	(pc) =	sbr.rel @!p1 .LBB2_3-.Ltmp3, $4  }
0x42: {  	s1 =	sadd.s32 s1, s22;
	[sflag:s11] =	ssyncadd.s32 $0xFFFFEC78  }
0x43: {  	[hbm4b:s1+s3] =	stream.linear.scatter [tilespmem:s10], [sflag:$0x1], $0x1388, $0x38;
	[tilespmem:$0x24C8] =	vst v63  }
0x44: {  	_ =	swait.ge [sflag:s11], $0x1388  }
0x45: {  	[sflag:s11] =	ssyncset.done $0x0  }
0x46: {  	[sflag:s11] =	ssyncadd.s32 $0xFFFFEC78  }
.LBB2_8:
0x47: {  	s1 =	simm.s32 $0x0;
	s0 =	rddreg [dreg:$0x5]  }
0x48: {  	[tilespmem:s12], [sflag:$0x1] =	stream.linear.gather [hbm4b:s0+s1], $0x88, $0x38;
	[tilespmem:$0x24C8] =	vst v63  }
0x49: {  	_ =	swait.ge [sflag:s11], $0x88  }
0x4a: {  	[sflag:s11] =	ssyncset.done $0x0  }
0x4b: {  	[sflag:s11] =	ssyncadd.s32 $0xFFFFFF78  }
0x4c: {  	[spmem:s5] =	stream.linear.scatter [tilespmem:s12], [sflag:$0x1], $0x88, $0x38;
	[tilespmem:$0x24C8] =	vst v63  }
0x4d: {  	_ =	swait.ge [sflag:s11], $0x88  }
0x4e: {  	[sflag:s11] =	ssyncset.done $0x0  }
0x4f: {  	s1 =	rddreg [dreg:$0x7];
	[sflag:s11] =	ssyncadd.s32 $0xFFFFFF78  }
0x50: {  	[spmem:s1] =	stream.linear.scatter [tilespmem:s12], [sflag:$0x1], $0x88, $0x38;
	[tilespmem:$0x24C8] =	vst v63  }
0x51: {  	_ =	swait.ge [sflag:s11], $0x88  }
0x52: {  	[sflag:s11] =	ssyncset.done $0x0  }
0x53: {  	s1 =	rddreg [dreg:$0x8];
	[sflag:s11] =	ssyncadd.s32 $0xFFFFFF78  }
0x54: {  	[spmem:s1] =	stream.linear.scatter [tilespmem:s12], [sflag:$0x1], $0x88, $0x38;
	[tilespmem:$0x24C8] =	vst v63  }
0x55: {  	_ =	swait.ge [sflag:s11], $0x88  }
0x56: {  	[sflag:s11] =	ssyncset.done $0x0  }
0x57: {  	s1 =	rddreg [dreg:$0x9];
	[sflag:s11] =	ssyncadd.s32 $0xFFFFFF78  }
0x58: {  	[spmem:s1] =	stream.linear.scatter [tilespmem:s12], [sflag:$0x1], $0x88, $0x38;
	[tilespmem:$0x24C8] =	vst v63  }
0x59: {  	_ =	swait.ge [sflag:s11], $0x88  }
0x5a: {  	[sflag:s11] =	ssyncset.done $0x0  }
0x5b: {  	s1 =	rddreg [dreg:$0xa];
	[sflag:s11] =	ssyncadd.s32 $0xFFFFFF78  }
0x5c: {  	[spmem:s1] =	stream.linear.scatter [tilespmem:s12], [sflag:$0x1], $0x88, $0x38;
	[tilespmem:$0x24C8] =	vst v63  }
0x5d: {  	_ =	swait.ge [sflag:s11], $0x88  }
0x5e: {  	[sflag:s11] =	ssyncset.done $0x0  }
0x5f: {  	s1 =	rddreg [dreg:$0xb];
	[sflag:s11] =	ssyncadd.s32 $0xFFFFFF78  }
0x60: {  	[spmem:s1] =	stream.linear.scatter [tilespmem:s12], [sflag:$0x1], $0x88, $0x38;
	[tilespmem:$0x24C8] =	vst v63  }
0x61: {  	_ =	swait.ge [sflag:s11], $0x88  }
0x62: {  	[sflag:s11] =	ssyncset.done $0x0  }
0x63: {  	s1 =	rddreg [dreg:$0xc];
	[sflag:s11] =	ssyncadd.s32 $0xFFFFFF78  }
0x64: {  	[spmem:s1] =	stream.linear.scatter [tilespmem:s12], [sflag:$0x1], $0x88, $0x38;
	[tilespmem:$0x24C8] =	vst v63  }
0x65: {  	_ =	swait.ge [sflag:s11], $0x88  }
0x66: {  	[sflag:s11] =	ssyncset.done $0x0  }
0x67: {  	s1 =	rddreg [dreg:$0xd];
	[sflag:s11] =	ssyncadd.s32 $0xFFFFFF78  }
0x68: {  	[spmem:s1] =	stream.linear.scatter [tilespmem:s12], [sflag:$0x1], $0x88, $0x38;
	[tilespmem:$0x24C8] =	vst v63  }
0x69: {  	_ =	swait.ge [sflag:s11], $0x88  }
0x6a: {  	[sflag:s11] =	ssyncset.done $0x0  }
0x6b: {  	s1 =	rddreg [dreg:$0xe];
	[sflag:s11] =	ssyncadd.s32 $0xFFFFFF78  }
0x6c: {  	[spmem:s1] =	stream.linear.scatter [tilespmem:s12], [sflag:$0x1], $0x88, $0x38;
	[tilespmem:$0x24C8] =	vst v63  }
0x6d: {  	_ =	swait.ge [sflag:s11], $0x88  }
0x6e: {  	[sflag:s11] =	ssyncset.done $0x0  }
0x6f: {  	s1 =	rddreg [dreg:$0xf];
	[sflag:s11] =	ssyncadd.s32 $0xFFFFFF78  }
0x70: {  	[spmem:s1] =	stream.linear.scatter [tilespmem:s12], [sflag:$0x1], $0x88, $0x38;
	[tilespmem:$0x24C8] =	vst v63  }
0x71: {  	_ =	swait.ge [sflag:s11], $0x88  }
0x72: {  	[sflag:s11] =	ssyncset.done $0x0  }
0x73: {  	s1 =	rddreg [dreg:$0x10];
	[sflag:s11] =	ssyncadd.s32 $0xFFFFFF78  }
0x74: {  	[spmem:s1] =	stream.linear.scatter [tilespmem:s12], [sflag:$0x1], $0x88, $0x38;
	[tilespmem:$0x24C8] =	vst v63  }
0x75: {  	_ =	swait.ge [sflag:s11], $0x88  }
0x76: {  	[sflag:s11] =	ssyncset.done $0x0  }
0x77: {  	s1 =	rddreg [dreg:$0x11];
	[sflag:s11] =	ssyncadd.s32 $0xFFFFFF78  }
0x78: {  	[spmem:s1] =	stream.linear.scatter [tilespmem:s12], [sflag:$0x1], $0x88, $0x38;
	[tilespmem:$0x24C8] =	vst v63  }
0x79: {  	_ =	swait.ge [sflag:s11], $0x88  }
0x7a: {  	[sflag:s11] =	ssyncset.done $0x0  }
0x7b: {  	s1 =	rddreg [dreg:$0x12];
	[sflag:s11] =	ssyncadd.s32 $0xFFFFFF78  }
0x7c: {  	[spmem:s1] =	stream.linear.scatter [tilespmem:s12], [sflag:$0x1], $0x88, $0x38;
	[tilespmem:$0x24C8] =	vst v63  }
0x7d: {  	_ =	swait.ge [sflag:s11], $0x88  }
0x7e: {  	[sflag:s11] =	ssyncset.done $0x0  }
0x7f: {  	s1 =	rddreg [dreg:$0x13];
	[sflag:s11] =	ssyncadd.s32 $0xFFFFFF78  }
0x80: {  	[spmem:s1] =	stream.linear.scatter [tilespmem:s12], [sflag:$0x1], $0x88, $0x38;
	[tilespmem:$0x24C8] =	vst v63  }
0x81: {  	_ =	swait.ge [sflag:s11], $0x88  }
0x82: {  	[sflag:s11] =	ssyncset.done $0x0  }
0x83: {  	s1 =	rddreg [dreg:$0x14];
	[sflag:s11] =	ssyncadd.s32 $0xFFFFFF78  }
0x84: {  	[spmem:s1] =	stream.linear.scatter [tilespmem:s12], [sflag:$0x1], $0x88, $0x38;
	[tilespmem:$0x24C8] =	vst v63  }
0x85: {  	_ =	swait.ge [sflag:s11], $0x88  }
0x86: {  	[sflag:s11] =	ssyncset.done $0x0  }
0x87: {  	s1 =	rddreg [dreg:$0x15];
	[sflag:s11] =	ssyncadd.s32 $0xFFFFFF78  }
0x88: {  	[spmem:s1] =	stream.linear.scatter [tilespmem:s12], [sflag:$0x1], $0x88, $0x38;
	[tilespmem:$0x24C8] =	vst v63  }
0x89: {  	_ =	swait.ge [sflag:s11], $0x88  }
0x8a: {  	[sflag:s11] =	ssyncset.done $0x0  }
0x8b: {  	s1 =	rddreg [dreg:$0x16];
	[sflag:s11] =	ssyncadd.s32 $0xFFFFFF78  }
0x8c: {  	[spmem:s1] =	stream.linear.scatter [tilespmem:s12], [sflag:$0x1], $0x88, $0x38;
	[tilespmem:$0x24C8] =	vst v63  }
0x8d: {  	_ =	swait.ge [sflag:s11], $0x88  }
0x8e: {  	[sflag:s11] =	ssyncset.done $0x0  }
0x8f: {  	s1 =	rddreg [dreg:$0x17];
	[sflag:s11] =	ssyncadd.s32 $0xFFFFFF78  }
0x90: {  	[spmem:s1] =	stream.linear.scatter [tilespmem:s12], [sflag:$0x1], $0x88, $0x38;
	[tilespmem:$0x24C8] =	vst v63  }
0x91: {  	_ =	swait.ge [sflag:s11], $0x88  }
0x92: {  	[sflag:s11] =	ssyncset.done $0x0  }
0x93: {  	s1 =	rddreg [dreg:$0x18];
	[sflag:s11] =	ssyncadd.s32 $0xFFFFFF78  }
0x94: {  	[spmem:s1] =	stream.linear.scatter [tilespmem:s12], [sflag:$0x1], $0x88, $0x38;
	[tilespmem:$0x24C8] =	vst v63  }
0x95: {  	_ =	swait.ge [sflag:s11], $0x88  }
0x96: {  	[sflag:s11] =	ssyncset.done $0x0  }
0x97: {  	s1 =	rddreg [dreg:$0x19];
	[sflag:s11] =	ssyncadd.s32 $0xFFFFFF78  }
0x98: {  	[spmem:s1] =	stream.linear.scatter [tilespmem:s12], [sflag:$0x1], $0x88, $0x38;
	[tilespmem:$0x24C8] =	vst v63  }
0x99: {  	_ =	swait.ge [sflag:s11], $0x88  }
0x9a: {  	[sflag:s11] =	ssyncset.done $0x0  }
0x9b: {  	s1 =	rddreg [dreg:$0x1a];
	[sflag:s11] =	ssyncadd.s32 $0xFFFFFF78  }
0x9c: {  	[spmem:s1] =	stream.linear.scatter [tilespmem:s12], [sflag:$0x1], $0x88, $0x38;
	[tilespmem:$0x24C8] =	vst v63  }
0x9d: {  	_ =	swait.ge [sflag:s11], $0x88  }
0x9e: {  	[sflag:s11] =	ssyncset.done $0x0  }
0x9f: {  	[sflag:s11] =	ssyncadd.s32 $0xFFFFFF78  }
0xa0: {  	[spmem:s4] =	stream.linear.scatter [tilespmem:s12], [sflag:$0x1], $0x88, $0x38;
	[tilespmem:$0x24C8] =	vst v63  }
0xa1: {  	_ =	swait.ge [sflag:s11], $0x88  }
0xa2: {  	[sflag:s11] =	ssyncset.done $0x0  }
0xa3: {  	[sflag:s11] =	ssyncadd.s32 $0xFFFFFF78  }
0xa4: {  	[spmem:s6] =	stream.linear.scatter [tilespmem:s12], [sflag:$0x1], $0x88, $0x38;
	[tilespmem:$0x24C8] =	vst v63  }
0xa5: {  	_ =	swait.ge [sflag:s11], $0x88  }
0xa6: {  	[sflag:s11] =	ssyncset.done $0x0  }
0xa7: {  	[sflag:s11] =	ssyncadd.s32 $0xFFFFFF78  }
0xa8: {  	[tilespmem:$0x400] =	vst v0  }
0xa9: {  	[tilespmem:$0x410] =	vst v0  }
0xaa: {  	[tilespmem:$0x420] =	vst v0  }
0xab: {  	[tilespmem:$0x430] =	vst v0  }
0xac: {  	[tilespmem:$0x440] =	vst v0  }
0xad: {  	[tilespmem:$0x450] =	vst v0  }
0xae: {  	[tilespmem:$0x460] =	vst v0  }
0xaf: {  	[tilespmem:$0x470] =	vst v0  }
0xb0: {  	s0 =	sadd.s32 $0x0, s24;
	[bflag:$0x0] =	sbarrier.arrive $0xFFFF  }
0xb1: {  	[tilespmem:s3], [sflag:$0x1] =	stream.linear.gather [hbm4b:s0+s3], $0x400, $0x38;
	[tilespmem:$0x24C8] =	vst v63  }
0xb2: {  	_ =	swait.ge [sflag:s11], $0x400  }
0xb3: {  	[sflag:s11] =	ssyncset.done $0x0  }
0xb4: {  	[sflag:s11] =	ssyncadd.s32 $0xFFFFFC00  }
0xb5: {  	[spmem:s2] =	stream.indirect.scatter.add.f32 [tilespmem:s14], [sflag:$0x1], $0x1, s3, s13, $0xb8;
	[tilespmem:$0x24C8] =	vst v63  }
0xb6: {  	_ =	swait.ge [sflag:s11], $0x7D  }
0xb7: {  	[sflag:s11] =	ssyncset.done $0x0  }
0xb8: {  	[sflag:s11] =	ssyncadd.s32 $0xFFFFFF83  }
0xb9: {  	[spmem:s2] =	stream.indirect.scatter.add.f32 [tilespmem:s14], [sflag:$0x1], $0x1, s15, s13, $0xb8;
	[tilespmem:$0x24C8] =	vst v63  }
0xba: {  	_ =	swait.ge [sflag:s11], $0x7D  }
0xbb: {  	[sflag:s11] =	ssyncset.done $0x0  }
0xbc: {  	[sflag:s11] =	ssyncadd.s32 $0xFFFFFF83  }
0xbd: {  	[spmem:s2] =	stream.indirect.scatter.add.f32 [tilespmem:s14], [sflag:$0x1], $0x1, s16, s13, $0xb8;
	[tilespmem:$0x24C8] =	vst v63  }
0xbe: {  	_ =	swait.ge [sflag:s11], $0x7D  }
0xbf: {  	[sflag:s11] =	ssyncset.done $0x0  }
0xc0: {  	[sflag:s11] =	ssyncadd.s32 $0xFFFFFF83  }
0xc1: {  	[spmem:s2] =	stream.indirect.scatter.add.f32 [tilespmem:s14], [sflag:$0x1], $0x1, s17, s13, $0xb8;
	[tilespmem:$0x24C8] =	vst v63  }
0xc2: {  	_ =	swait.ge [sflag:s11], $0x7D  }
0xc3: {  	[sflag:s11] =	ssyncset.done $0x0  }
0xc4: {  	[sflag:s11] =	ssyncadd.s32 $0xFFFFFF83  }
0xc5: {  	[spmem:s2] =	stream.indirect.scatter.add.f32 [tilespmem:s14], [sflag:$0x1], $0x1, s18, s13, $0xb8;
	[tilespmem:$0x24C8] =	vst v63  }
0xc6: {  	_ =	swait.ge [sflag:s11], $0x7D  }
0xc7: {  	[sflag:s11] =	ssyncset.done $0x0  }
0xc8: {  	[sflag:s11] =	ssyncadd.s32 $0xFFFFFF83  }
0xc9: {  	[spmem:s2] =	stream.indirect.scatter.add.f32 [tilespmem:s14], [sflag:$0x1], $0x1, s20, s13, $0xb8;
	[tilespmem:$0x24C8] =	vst v63  }
0xca: {  	_ =	swait.ge [sflag:s11], $0x7D  }
0xcb: {  	[sflag:s11] =	ssyncset.done $0x0  }
0xcc: {  	[sflag:s11] =	ssyncadd.s32 $0xFFFFFF83  }
0xcd: {  	[spmem:s2] =	stream.indirect.scatter.add.f32 [tilespmem:s14], [sflag:$0x1], $0x1, s26, s13, $0xb8;
	[tilespmem:$0x24C8] =	vst v63  }
0xce: {  	_ =	swait.ge [sflag:s11], $0x7D  }
0xcf: {  	[sflag:s11] =	ssyncset.done $0x0  }
0xd0: {  	[sflag:s11] =	ssyncadd.s32 $0xFFFFFF83  }
0xd1: {  	[spmem:s2] =	stream.indirect.scatter.add.f32 [tilespmem:s14], [sflag:$0x1], $0x1, s28, s13, $0xb8;
	[tilespmem:$0x24C8] =	vst v63  }
0xd2: {  	_ =	swait.ge [sflag:s11], $0x7D  }
0xd3: {  	s30 =	simm.s32 $0x80;
	s31 =	simm.s32 $0x100;
	[sflag:s11] =	ssyncset.done $0x0  }
.LBB2_9:
0xd4: {  	s0 =	sadd.s32 s30, s24  }
0xd5: {  	[sflag:s11] =	ssyncadd.s32 $0xFFFFFF83;
	s30 =	smov.u32 s31;
	s1 =	sadd.s32 $0x80, s31  }
0xd6: {  	[tilespmem:s3], [sflag:$0x1] =	stream.linear.gather [hbm4b:s0+s3], $0x400, $0x38;
	[tilespmem:$0x24C8] =	vst v63  }
0xd7: {  	p1 =	sne.s32 s31, $0xC00;
	_ =	swait.ge [sflag:s11], $0x400  }
0xd8: {  	[sflag:s11] =	ssyncset.done $0x0  }
0xd9: {  	[sflag:s11] =	ssyncadd.s32 $0xFFFFFC00  }
0xda: {  	[spmem:s2] =	stream.indirect.scatter.add.f32 [tilespmem:s14], [sflag:$0x1], $0x1, s3, s13, $0xb8;
	[tilespmem:$0x24C8] =	vst v63  }
0xdb: {  	_ =	swait.ge [sflag:s11], $0x7D  }
0xdc: {  	[sflag:s11] =	ssyncset.done $0x0  }
0xdd: {  	[sflag:s11] =	ssyncadd.s32 $0xFFFFFF83  }
0xde: {  	[spmem:s2] =	stream.indirect.scatter.add.f32 [tilespmem:s14], [sflag:$0x1], $0x1, s15, s13, $0xb8;
	[tilespmem:$0x24C8] =	vst v63  }
0xdf: {  	_ =	swait.ge [sflag:s11], $0x7D  }
0xe0: {  	[sflag:s11] =	ssyncset.done $0x0  }
0xe1: {  	[sflag:s11] =	ssyncadd.s32 $0xFFFFFF83  }
0xe2: {  	[spmem:s2] =	stream.indirect.scatter.add.f32 [tilespmem:s14], [sflag:$0x1], $0x1, s16, s13, $0xb8;
	[tilespmem:$0x24C8] =	vst v63  }
0xe3: {  	_ =	swait.ge [sflag:s11], $0x7D  }
0xe4: {  	[sflag:s11] =	ssyncset.done $0x0  }
0xe5: {  	[sflag:s11] =	ssyncadd.s32 $0xFFFFFF83  }
0xe6: {  	[spmem:s2] =	stream.indirect.scatter.add.f32 [tilespmem:s14], [sflag:$0x1], $0x1, s17, s13, $0xb8;
	[tilespmem:$0x24C8] =	vst v63  }
0xe7: {  	_ =	swait.ge [sflag:s11], $0x7D  }
0xe8: {  	[sflag:s11] =	ssyncset.done $0x0  }
0xe9: {  	[sflag:s11] =	ssyncadd.s32 $0xFFFFFF83  }
0xea: {  	[spmem:s2] =	stream.indirect.scatter.add.f32 [tilespmem:s14], [sflag:$0x1], $0x1, s18, s13, $0xb8;
	[tilespmem:$0x24C8] =	vst v63  }
0xeb: {  	_ =	swait.ge [sflag:s11], $0x7D  }
0xec: {  	[sflag:s11] =	ssyncset.done $0x0  }
0xed: {  	[sflag:s11] =	ssyncadd.s32 $0xFFFFFF83  }
0xee: {  	[spmem:s2] =	stream.indirect.scatter.add.f32 [tilespmem:s14], [sflag:$0x1], $0x1, s20, s13, $0xb8;
	[tilespmem:$0x24C8] =	vst v63  }
0xef: {  	_ =	swait.ge [sflag:s11], $0x7D  }
0xf0: {  	[sflag:s11] =	ssyncset.done $0x0  }
0xf1: {  	[sflag:s11] =	ssyncadd.s32 $0xFFFFFF83  }
0xf2: {  	[spmem:s2] =	stream.indirect.scatter.add.f32 [tilespmem:s14], [sflag:$0x1], $0x1, s26, s13, $0xb8;
	[tilespmem:$0x24C8] =	vst v63  }
0xf3: {  	_ =	swait.ge [sflag:s11], $0x7D  }
.Ltmp4:
0xf4: {  	[sflag:s11] =	ssyncset.done $0x0;
	(pc) =	sbr.rel @p1 .LBB2_9-.Ltmp4, $4  }
0xf5: {  	[sflag:s11] =	ssyncadd.s32 $0xFFFFFF83  }
0xf6: {  	[spmem:s2] =	stream.indirect.scatter.add.f32 [tilespmem:s14], [sflag:$0x1], $0x1, s28, s13, $0xb8;
	[tilespmem:$0x24C8] =	vst v63  }
0xf7: {  	_ =	swait.ge [sflag:s11], $0x7D  }
0xf8: {  	s31 =	smov.u32 s1;
	[sflag:s11] =	ssyncset.done $0x0  }
0xf9: {  	s0 =	sadd.s32 s30, s24;
	[sflag:s11] =	ssyncadd.s32 $0xFFFFFF83  }
0xfa: {  	[tilespmem:s3], [sflag:$0x1] =	stream.linear.gather [hbm4b:s0+s3], $0x400, $0x38;
	[tilespmem:$0x24C8] =	vst v63  }
0xfb: {  	_ =	swait.ge [sflag:s11], $0x400  }
0xfc: {  	[sflag:s11] =	ssyncset.done $0x0  }
0xfd: {  	[sflag:s11] =	ssyncadd.s32 $0xFFFFFC00  }
0xfe: {  	[spmem:s2] =	stream.indirect.scatter.add.f32 [tilespmem:s14], [sflag:$0x1], $0x1, s3, s13, $0xb8;
	[tilespmem:$0x24C8] =	vst v63  }
0xff: {  	_ =	swait.ge [sflag:s11], $0x7D  }
0x100: {  	[sflag:s11] =	ssyncset.done $0x0  }
0x101: {  	[sflag:s11] =	ssyncadd.s32 $0xFFFFFF83  }
0x102: {  	[spmem:s2] =	stream.indirect.scatter.add.f32 [tilespmem:s14], [sflag:$0x1], $0x1, s15, s13, $0xb8;
	[tilespmem:$0x24C8] =	vst v63  }
0x103: {  	_ =	swait.ge [sflag:s11], $0x7D  }
0x104: {  	[sflag:s11] =	ssyncset.done $0x0  }
0x105: {  	[sflag:s11] =	ssyncadd.s32 $0xFFFFFF83  }
0x106: {  	[spmem:s2] =	stream.indirect.scatter.add.f32 [tilespmem:s14], [sflag:$0x1], $0x1, s16, s13, $0xb8;
	[tilespmem:$0x24C8] =	vst v63  }
0x107: {  	_ =	swait.ge [sflag:s11], $0x7D  }
0x108: {  	[sflag:s11] =	ssyncset.done $0x0  }
0x109: {  	[sflag:s11] =	ssyncadd.s32 $0xFFFFFF83  }
0x10a: {  	[spmem:s2] =	stream.indirect.scatter.add.f32 [tilespmem:s14], [sflag:$0x1], $0x1, s17, s13, $0xb8;
	[tilespmem:$0x24C8] =	vst v63  }
0x10b: {  	_ =	swait.ge [sflag:s11], $0x7D  }
0x10c: {  	[sflag:s11] =	ssyncset.done $0x0  }
0x10d: {  	[sflag:s11] =	ssyncadd.s32 $0xFFFFFF83  }
0x10e: {  	[spmem:s2] =	stream.indirect.scatter.add.f32 [tilespmem:s14], [sflag:$0x1], $0x1, s18, s13, $0xb8;
	[tilespmem:$0x24C8] =	vst v63  }
0x10f: {  	_ =	swait.ge [sflag:s11], $0x7D  }
0x110: {  	[sflag:s11] =	ssyncset.done $0x0  }
0x111: {  	[sflag:s11] =	ssyncadd.s32 $0xFFFFFF83  }
0x112: {  	[spmem:s2] =	stream.indirect.scatter.add.f32 [tilespmem:s14], [sflag:$0x1], $0x1, s20, s13, $0xb8;
	[tilespmem:$0x24C8] =	vst v63  }
0x113: {  	_ =	swait.ge [sflag:s11], $0x7D  }
0x114: {  	[sflag:s11] =	ssyncset.done $0x0  }
0x115: {  	[sflag:s11] =	ssyncadd.s32 $0xFFFFFF83  }
0x116: {  	[spmem:s2] =	stream.indirect.scatter.add.f32 [tilespmem:s14], [sflag:$0x1], $0x1, s26, s13, $0xb8;
	[tilespmem:$0x24C8] =	vst v63  }
0x117: {  	_ =	swait.ge [sflag:s11], $0x7D  }
0x118: {  	[sflag:s11] =	ssyncset.done $0x0  }
0x119: {  	[sflag:s11] =	ssyncadd.s32 $0xFFFFFF83  }
0x11a: {  	[spmem:s2] =	stream.indirect.scatter.add.f32 [tilespmem:s14], [sflag:$0x1], $0x1, s28, s13, $0xb8;
	[tilespmem:$0x24C8] =	vst v63  }
0x11b: {  	_ =	swait.ge [sflag:s11], $0x7D  }
0x11c: {  	[sflag:s11] =	ssyncset.done $0x0  }
0x11d: {  	[sflag:s11] =	ssyncadd.s32 $0xFFFFFF83  }
0x11e: {  	[bflag:$0x0] =	sbarrier.arrive $0xFFFF  }
0x11f: {  	[tilespmem:s12], [sflag:$0x1] =	stream.linear.gather [spmem:s25], $0x88, $0x38;
	[tilespmem:$0x24C8] =	vst v63  }
0x120: {  	_ =	swait.ge [sflag:s11], $0x88  }
0x121: {  	[sflag:s11] =	ssyncset.done $0x0  }
0x122: {  	s1 =	sadd.s32 $0x0, s21;
	[sflag:s11] =	ssyncadd.s32 $0xFFFFFF78  }
0x123: {  	[hbm4b:s1+s3] =	stream.linear.scatter [tilespmem:s12], [sflag:$0x1], $0x88, $0x38;
	[tilespmem:$0x24C8] =	vst v63  }
0x124: {  	_ =	swait.ge [sflag:s11], $0x88  }
0x125: {  	s30 =	simm.s32 $0x11;
	s31 =	smov.u32 s25;
	[sflag:s11] =	ssyncset.done $0x0  }
.LBB2_11:
0x126: {  	p1 =	sne.s32 s30, $0x176;
	[sflag:s11] =	ssyncadd.s32 $0xFFFFFF78;
	s31 =	sadd.s32 $0x88, s31  }
0x127: {  	[tilespmem:s12], [sflag:$0x1] =	stream.linear.gather [spmem:s31], $0x88, $0x38;
	[tilespmem:$0x24C8] =	vst v63  }
0x128: {  	s0 =	smov.u32 s30;
	s30 =	sadd.s32 $0x11, s30;
	_ =	swait.ge [sflag:s11], $0x88  }
.Ltmp5:
0x129: {  	[sflag:s11] =	ssyncset.done $0x0;
	(pc) =	sbr.rel @p1 .LBB2_11-.Ltmp5, $4  }
0x12a: {  	s0 =	sadd.s32 s0, s21;
	[sflag:s11] =	ssyncadd.s32 $0xFFFFFF78  }
0x12b: {  	[hbm4b:s0+s3] =	stream.linear.scatter [tilespmem:s12], [sflag:$0x1], $0x88, $0x38;
	[tilespmem:$0x24C8] =	vst v63  }
0x12c: {  	_ =	swait.ge [sflag:s11], $0x88  }
0x12d: {  	[sflag:s11] =	ssyncset.done $0x0  }
0x12e: {  	s29 =	sadd.s32 $0x1, s29;
	s0 =	rddreg [dreg:$0x6]  }
0x12f: {  	p1 =	sne.s32 s29, s0  }
.Ltmp6:
0x130: {  	_ = 	snop;
	(pc) =	sbr.rel @p1 .LBB2_1-.Ltmp6, $2  }
0x131: {  	_ =	sdelay $0x2  }
0x132: {  	[sflag:s11] =	ssyncadd.s32 $0xFFFFFF78  }
0x133: {  	_ =	sfence.sel $0x180000  }
0x134: {  	[bflag:$0x0] =	sbarrier.arrive $0xFFFF  }
0x135: {  	_ =	strace $0x90000047  }
0x136: {  	s0 =	stileid.u32;
	[bflag:$0x2] =	sbarrier.arrive $0xFFFF  }
0x137: {  	p0 =	sne.s32 s0, $0x0;
	s0 =	rddreg [dreg:$0x4]  }
0x138: {  	s0 =	sadd.s32 @!p0 $0x100000, s0  }
0x139: {  	[sflag:s0] =	ssyncadd.tile.s32 @!p0 $0x1;
	_ =	shalt  }
.Lfunc_end2:
_tile_overlayer_lowered:
.L_overlay_start_2:
0x13a: {  	(tag) =	ssettag $0x2  }
0x13b: {  	s0 =	rddreg [dreg:$0x0];
	s2 =	stileid.u32  }
0x13c: {  	s1 =	rddreg [dreg:$0x1];
	p0 =	sne.s32 s2, $0x0  }
0x13d: {  	s3 =	rddreg [dreg:$0x2];
	[bflag:$0x3] =	sbarrier.arrive $0xFFFF;
	s2 =	simm.s32 @!p0 $0x1C01  }
0x13e: {  	[timem:s3], [sflag:s2] =	dma.local @!p0 [hbm:s0], s1  }
0x13f: {  	s0 =	simm.s32 @!p0 $0x1  }
0x140: {  	_ =	swait.ge @!p0 [sflag:s0], s1  }
0x141: {  	s1 =	ssub.s32 @!p0 $0x0, s1;
	[sflag:s0] =	ssyncset.done @!p0 $0x0  }
0x142: {  	[sflag:s0] =	ssyncadd.s32 @!p0 s1  }
0x143: {  	[bflag:$0x3] =	sbarrier.arrive $0xFFFF  }
0x144: {  	_ =	shalt  }

// kernel: kernel.8.cloned.1.call-start
scs
__scs_entry_jumppad:
0x0: {  	(pc) =	sbr.rel $0x88, $3  }
0x1: {  	(tag) =	ssettag $0x0;
	lr =	simm.s32 $0x1  }
0x2: {  	[smem:$0x3F9C] =	sst lr;
	_ =	strace $0xD0000000  }
0x3: {  	_ = 	snop  }
0x4: {  	_ = 	snop  }
0x5: {  	_ = 	snop  }
0x6: {  	_ = 	snop  }
0x7: {  	_ = 	snop  }
__scs_overlays_trampoline_lowered:
0x8: {  	[smem:$0x3FAB] =	sst s0  }
0x9: {  	[smem:$0x3FAC] =	sst s1  }
0xa: {  	[smem:$0x3FAD] =	sst s2  }
0xb: {  	[smem:$0x3FAE] =	sst s3  }
0xc: {  	[smem:$0x3FAF] =	sst s4  }
0xd: {  	[smem:$0x3FB0] =	sst s5  }
0xe: {  	[smem:$0x3FB1] =	sst s6  }
0xf: {  	[smem:$0x3FB2] =	sst s7  }
0x10: {  	[smem:$0x3FB3] =	sst s8  }
0x11: {  	[smem:$0x3FB4] =	sst s9;
	s0 =	simm.s32 @!p0 $0x0  }
0x12: {  	s1 =	sld [smem:$0x3F9A];
	s0 =	simm.s32 @p0 $0x1  }
0x13: {  	[smem:$0x3FB5] =	sst s0;
	s0 =	simm.s32 @!p1 $0x0  }
0x14: {  	s2 =	sld [smem:$0x3F99];
	s0 =	simm.s32 @p1 $0x1  }
0x15: {  	[smem:$0x3FB6] =	sst s0;
	s0 =	simm.s32 @!p2 $0x0  }
0x16: {  	s3 =	sld [smem:$0x3FDB];
	s0 =	simm.s32 @p2 $0x1  }
0x17: {  	s4 =	simm.s32 $0x1BF5;
	[smem:$0x3FB8] =	sst s0  }
0x18: {  	s0 =	sld [smem:$0x3F9B];
	_ =	swait.ge [sflag:s4], $0x0  }
0x19: {  	s7 =	sld [smem:$0x3F9C]  }
0x1a: {  	s8 =	sadd.s32 $0xFFFFE003, lr  }
0x1b: {  	s9 =	sadd.s32 $0xFFFFFEF7, lr;
	s5 =	simm.s32 $0xFFFFFFFF;
	p2 =	slt.u32 s8, $0xFFFFF086  }
0x1c: {  	p1 =	slt.u32 s9, $0xF7A;
	s5 =	simm.s32 @!p2 $0x0  }
0x1d: {  	s5 =	simm.s32 @p1 $0x1;
	p0 =	seq.s32 s7, s2  }
0x1e: {  	s7 =	smul.u32 @!p0 $0xF7A, s2;
	p2 =	seq.s32 @!p0 s5, $0x0  }
0x1f: {  	s9 =	smul.u32 $0xF7A, s1;
	s8 =	simm.s32 @!p0 $0x1BF5;
	p2 =	por !p2, p0  }
0x20: {  	[sflag:s8] =	ssyncset.s32 @!p0 $0xFFFFF086;
	s6 =	sadd.s32 @!p0 s3, s7;
	s7 =	simm.s32 @!p0 $0x108  }
0x21: {  	s3 =	sadd.s32 s3, s9;
	s6 =	sadd.s32 @!p0 $0x88, s6;
	s7 =	simm.s32 @p2 $0x1082  }
0x22: {  	[simem:s7], [sflag:s8] =	dma.local @!p0 [hbm:s6], $0xF7A  }
0x23: {  	s9 =	sor.u32 $0xD0000000, s2;
	s6 =	simm.s32 $0x108;
	_ =	swait.ge @!p0 [sflag:s8], $0x0  }
0x24: {  	s3 =	sadd.s32 $0x88, s3;
	s6 =	simm.s32 @!p1 $0x1082;
	[sflag:s4] =	ssyncset.s32 $0xFFFFF086  }
0x25: {  	[simem:s6], [sflag:s4] =	dma.local [hbm:s3], $0xF7A  }
0x26: {  	[smem:$0x3F9C] =	sst s1;
	(tag) =	ssettag s2;
	_ =	strace s9  }
0x27: {  	s1 =	sld [smem:$0x3FAC]  }
0x28: {  	s2 =	sld [smem:$0x3FAD]  }
0x29: {  	s4 =	sld [smem:$0x3FAF]  }
0x2a: {  	p0 =	seq.s32 s5, $0x0;
	s5 =	sld [smem:$0x3FB0]  }
0x2b: {  	s6 =	sld [smem:$0x3FB1]  }
0x2c: {  	s7 =	sld [smem:$0x3FB2]  }
0x2d: {  	s3 =	simm.s32 $0x108;
	s8 =	sld [smem:$0x3FB3]  }
0x2e: {  	s3 =	simm.s32 @!p0 $0x1082;
	s9 =	sld [smem:$0x3FB4]  }
0x2f: {  	lr =	sadd.s32 s0, s3;
	s0 =	sld [smem:$0x3FAB]  }
0x30: {  	s3 =	sld [smem:$0x3FAE]  }
0x31: {  	[smem:$0x3FB7] =	sst s10  }
0x32: {  	s10 =	sld [smem:$0x3FB5];
	_ =	sdelay $0x3  }
0x33: {  	p0 =	seq.s32 s10, $0x1;
	s10 =	sld [smem:$0x3FB7];
	_ =	sdelay $0x3  }
0x34: {  	[smem:$0x3FB7] =	sst s10  }
0x35: {  	s10 =	sld [smem:$0x3FB6];
	_ =	sdelay $0x3  }
0x36: {  	p1 =	seq.s32 s10, $0x1;
	s10 =	sld [smem:$0x3FB7];
	_ =	sdelay $0x3  }
0x37: {  	[smem:$0x3FB7] =	sst s10  }
0x38: {  	s10 =	sld [smem:$0x3FB8]  }
0x39: {  	_ = 	snop;
	(pc) =	sbr.ind lr, $3  }
0x3a: {  	_ = 	snop  }
0x3b: {  	_ = 	snop  }
0x3c: {  	p2 =	seq.s32 s10, $0x1;
	s10 =	sld [smem:$0x3FB7]  }
0x3d: {  	_ =	shalt  }
0x3e: {  	_ =	shalt  }
0x3f: {  	_ =	shalt  }
0x40: {  	_ =	shalt  }
0x41: {  	_ =	shalt  }
0x42: {  	_ =	shalt  }
0x43: {  	_ =	shalt  }
0x44: {  	_ =	shalt  }
0x45: {  	_ =	shalt  }
0x46: {  	_ =	shalt  }
0x47: {  	_ =	shalt  }
0x48: {  	_ =	shalt  }
0x49: {  	_ =	shalt  }
0x4a: {  	_ =	shalt  }
0x4b: {  	_ =	shalt  }
0x4c: {  	_ =	shalt  }
0x4d: {  	_ =	shalt  }
0x4e: {  	_ =	shalt  }
0x4f: {  	_ =	shalt  }
0x50: {  	_ =	shalt  }
0x51: {  	_ =	shalt  }
0x52: {  	_ =	shalt  }
0x53: {  	_ =	shalt  }
0x54: {  	_ =	shalt  }
0x55: {  	_ =	shalt  }
0x56: {  	_ =	shalt  }
0x57: {  	_ =	shalt  }
0x58: {  	_ =	shalt  }
0x59: {  	_ =	shalt  }
0x5a: {  	_ =	shalt  }
0x5b: {  	_ =	shalt  }
0x5c: {  	_ =	shalt  }
0x5d: {  	_ =	shalt  }
0x5e: {  	_ =	shalt  }
0x5f: {  	_ =	shalt  }
0x60: {  	_ =	shalt  }
0x61: {  	_ =	shalt  }
0x62: {  	_ =	shalt  }
0x63: {  	_ =	shalt  }
0x64: {  	_ =	shalt  }
0x65: {  	_ =	shalt  }
0x66: {  	_ =	shalt  }
0x67: {  	_ =	shalt  }
0x68: {  	_ =	shalt  }
0x69: {  	_ =	shalt  }
0x6a: {  	_ =	shalt  }
0x6b: {  	_ =	shalt  }
0x6c: {  	_ =	shalt  }
0x6d: {  	_ =	shalt  }
0x6e: {  	_ =	shalt  }
0x6f: {  	_ =	shalt  }
0x70: {  	_ =	shalt  }
0x71: {  	_ =	shalt  }
0x72: {  	_ =	shalt  }
0x73: {  	_ =	shalt  }
0x74: {  	_ =	shalt  }
0x75: {  	_ =	shalt  }
0x76: {  	_ =	shalt  }
0x77: {  	_ =	shalt  }
0x78: {  	_ =	shalt  }
0x79: {  	_ =	shalt  }
0x7a: {  	_ =	shalt  }
0x7b: {  	_ =	shalt  }
0x7c: {  	_ =	shalt  }
0x7d: {  	_ =	shalt  }
0x7e: {  	_ =	shalt  }
0x7f: {  	_ =	shalt  }
0x80: {  	_ =	shalt  }
0x81: {  	_ =	shalt  }
0x82: {  	_ =	shalt  }
0x83: {  	_ =	shalt  }
0x84: {  	_ =	shalt  }
0x85: {  	_ =	shalt  }
0x86: {  	_ =	shalt  }
0x87: {  	_ =	shalt  }
.Lfunc_end0:
.L_simem_size_0:
called_computation.1_lowered:
.L_overlay_start_0:
0x88: {  	s2 =	sld [smem:$0x3FD9]  }
0x89: {  	s3 =	sld [smem:$0x3FFE];
	_ =	sdelay $0x1  }
0x8a: {  	s1 =	srdreg.scid  }
0x8b: {  	s0 =	sand.u32 $0x1, s1  }
0x8c: {  	s14 =	sshll.u32 s0, $0xA;
	s2 =	sadd.s32 s3, s2  }
0x8d: {  	s2 =	sadd.s32 s2, s14  }
0x8e: {  	[smem:$0x3FC3] =	sst s2  }
0x8f: {  	_ = 	snop  }
0x90: {  	s2 =	sld [smem:$0x3FD0];
	_ =	sdelay $0x2  }
0x91: {  	s15 =	simm.s32 $0xA;
	s4 =	simm.s32 $0x10  }
0x92: {  	[smem:s4], [sflag:s15] =	dma.local [hbm:s2], $0x1  }
0x93: {  	_ =	swait.eq [sflag:s15], $0x1  }
0x94: {  	[sflag:s15] =	ssyncset.done $0x0  }
0x95: {  	[sflag:s15] =	ssyncadd.s32 $0xFFFFFFFF  }
0x96: {  	s16 =	sld [smem:$0x11];
	(tm) =	ssettm $0x1  }
0x97: {  	s17 =	sld [smem:$0x3FFB];
	_ =	sdelay $0x3  }
0x98: {  	_ =	strace s17  }
0x99: {  	s3 =	sld [smem:$0x3FFC];
	_ =	sdelay $0x3  }
0x9a: {  	_ =	strace s3  }
0x9b: {  	s3 =	sld [smem:$0x3FFD];
	_ =	sdelay $0x3  }
0x9c: {  	_ =	strace s3  }
0x9d: {  	_ =	strace $0x8FFFFFFF  }
0x9e: {  	s18 =	sld [smem:$0x3FDB];
	_ =	sdelay $0x1  }
0x9f: {  	s19 =	simm.s32 $_scs_section_size  }
0xa0: {  	s5 =	simm.s32 $_size__tile_overlayer_lowered;
	s6 =	simm.s32 $_tile_overlayer_lowered  }
0xa1: {  	s22 =	simm.s32 $0x1BFF;
	s21 =	sshll.u32 s6, $0x1;
	s3 =	sadd.s32 s19, s18  }
0xa2: {  	s7 =	simm.s32 $0x0;
	s20 =	sshll.u32 s5, $0x1;
	s5 =	sadd.s32 s21, s3  }
0xa3: {  	[timem:s7], [sflag:s22] =	dma.local [hbm:s5], s20  }
0xa4: {  	_ =	swait.ge [sflag:s22], s20  }
0xa5: {  	s4 =	ssub.s32 $0x0, s20;
	[sflag:s22] =	ssyncset.done $0x0  }
0xa6: {  	[sflag:s22] =	ssyncadd.s32 s4;
	_ =	sdelay $0x1  }
0xa7: {  	s23 =	simm.s32 $0x1B8B  }
0xa8: {  	_ =	swait.ge [sflag:s23], $0x1  }
0xa9: {  	[sflag:s23] =	ssyncset.done $0x0  }
0xaa: {  	s25 =	simm.s32 $0x1B8E;
	s24 =	sld [smem:$0x3FFE];
	[sflag:s23] =	ssyncadd.s32 $0xFFFFFFFF  }
0xab: {  	s26 =	simm.s32 $execute0_lowered;
	[smem:$0x3FD2] =	sst s25  }
0xac: {  	s5 =	sshll.u32 s26, $0x1;
	_ =	strace $0x80000049;
	[dreg:$0x1] =	wrdreg $0xFFFFFFFF  }
0xad: {  	s28 =	simm.s32 $_size_execute0_lowered;
	s3 =	sadd.s32 s3, s5;
	[dreg:$0x0] =	wrdreg $0x0  }
0xae: {  	s5 =	sshll.u32 s28, $0x1;
	[dreg:$0x2] =	wrdreg s3  }
0xaf: {  	[dreg:$0x3] =	wrdreg s5  }
0xb0: {  	[dreg:$0x4] =	wrdreg $0xC0  }
0xb1: {  	_ =	task [dreg:s7], $0x5FFFF  }
0xb2: {  	[dreg:$0x1] =	wrdreg $0xFFFFFFFF  }
0xb3: {  	[dreg:$0x0] =	wrdreg $0x60  }
0xb4: {  	[dreg:$0x2] =	wrdreg s24  }
0xb5: {  	[dreg:$0x3] =	wrdreg s16  }
0xb6: {  	[dreg:$0x4] =	wrdreg $0x14000  }
0xb7: {  	[dreg:$0x5] =	wrdreg $0x9  }
0xb8: {  	_ =	task.clear_ibuf [dreg:s7], $0x6FFFF;
	_ =	strace $0x90000049  }
0xb9: {  	s29 =	simm.s32 $0x9;
	_ =	strace $0x8000004B  }
0xba: {  	_ =	swait.ge [sflag:s29], $0x1  }
0xbb: {  	[sflag:s29] =	ssyncadd.s32 $0xFFFFFFFF  }
0xbc: {  	_ =	strace $0x9000004B  }
0xbd: {  	_ =	sfence  }
0xbe: {  	s30 =	sld [smem:$0x0];
	_ =	sdelay $0x2  }
0xbf: {  	s31 =	sshll.u32 s1, $0xD;
	s1 =	sshrl.u32 s1, $0x2  }
0xc0: {  	s3 =	sand.u32 $0x4000, s31;
	s1 =	sadd.s32 s1, s30  }
0xc1: {  	s0 =	sor.u32 s3, s0;
	s1 =	sshll.u32 s1, $0x11  }
0xc2: {  	s0 =	sor.u32 s1, s0  }
0xc3: {  	s0 =	sadd.s32 $0x8F2B, s0  }
0xc4: {  	[sflag:s0] =	ssyncadd.remote.s32 $0x1  }
0xc5: {  	_ =	sfence.sel $0xFFFF  }
0xc6: {  	[dreg:$0x0] =	wrdreg $0xFFFFFFFF;
	(pc) =	sbr.abs _section_cstart, $3  }
0xc7: {  	[dreg:$0x1] =	wrdreg $0xFFFFFFFF  }
0xc8: {  	_ =	task.clear_ibuf [dreg:s7], $0x2FFFF;
	_ =	strace $0x9FFFFFFF  }
0xc9: {  	(tm) =	ssettm $0x7FFFFFFF  }
tec
execute0_lowered:
.L_overlay_start_1:
0x0: {  	(tag) =	ssettag $0x1  }
0x1: {  	s0 =	rddreg [dreg:$0x0]  }
0x2: {  	s2 =	rddreg [dreg:$0x1]  }
0x3: {  	s1 =	rddreg [dreg:$0x2]  }
0x4: {  	s3 =	simm.s32 $0x0;
	s10 =	stileid.u32;
	s5 =	srdreg.scid  }
0x5: {  	s13 =	simm.s32 $0x460;
	s14 =	simm.s32 $0x5;
	s15 =	simm.s32 $0x230  }
0x6: {  	s16 =	simm.s32 $0x32;
	s18 =	simm.s32 $0xC30;
	s19 =	simm.s32 $0x1  }
0x7: {  	s20 =	simm.s32 $0x3;
	s22 =	simm.s32 $0x2;
	s28 =	simm.s32 $0x38  }
0x8: {  	s24 =	simm.s32 $0x4;
	s17 =	simm.s32 $0x380;
	s21 =	simm.s32 $0x118  }
0x9: {  	s23 =	simm.s32 $0x3B8;
	s31 =	simm.s32 $0x150;
	s26 =	simm.s32 $0x0  }
0xa: {  	[smem:$0x7FF] =	sst s3;
	s4 =	sadd.s32 $0x33200, s0;
	s6 =	smul.u32 $0x1B58, s10  }
0xb: {  	s7 =	sand.u32 $0x1, s5;
	s5 =	sadd.s32 $0x70400, s0;
	s9 =	smul.u32 $0x7A300, s10  }
0xc: {  	s11 =	smul.u32 $0x3D18, s10;
	s12 =	sadd.s32 $0x1800, s0;
	_ =	strace $0x8000004A  }
0xd: {  	s8 =	ssub.s32 $0x2, s7;
	[dreg:$0x4] =	wrdreg s12;
	p0 =	sne.s32 s7, $0x0  }
0xe: {  	s7 =	simm.s32 $0xA8;
	s12 =	simm.s32 $0xE0;
	s6 =	sadd.s32 s6, s0  }
0xf: {  	s30 =	sshrl.u32 s8, $0x1;
	s9 =	sshrl.u32 s9, $0x2;
	s0 =	sadd.s32 s11, s0  }
.Ltmp0:
0x10: {  	s8 =	ssub.s32 s8, s30;
	s29 =	sadd.s32 $0xE4200, s0;
	(pc) =	sbr.rel .LBB2_1-.Ltmp0, $4  }
0x11: {  	s10 =	sadd.s32 $0xC8C00, s6;
	s30 =	sadd.s32 s11, s2;
	[dreg:$0x6] =	wrdreg s29  }
0x12: {  	s0 =	simm.s32 $0x2D8;
	s8 =	smax.u32 s8, $0x1;
	[dreg:$0x7] =	wrdreg s30  }
0x13: {  	s2 =	simm.s32 $0x70;
	s11 =	simm.s32 $0x348;
	[dreg:$0x5] =	wrdreg s8  }
0x14: {  	s8 =	sadd.s32 s9, s1;
	s9 =	sadd.s32 $0xAD600, s6;
	s6 =	simm.s32 $0x310  }
.LBB2_13:
0x15: {  	[sflag:s14] =	ssyncadd.s32 $0xFFFFF8D0;
	s26 =	rddreg [dreg:$0x8]  }
.LBB2_14:
0x16: {  	s26 =	sadd.s32 $0x1, s26;
	s25 =	rddreg [dreg:$0x5]  }
0x17: {  	p1 =	sne.s32 s26, s25  }
.Ltmp1:
0x18: {  	_ = 	snop;
	(pc) =	sbr.rel @!p1 .LBB2_15-.Ltmp1, $2  }
0x19: {  	_ =	sdelay $0x2  }
0x1a: {  	s28 =	simm.s32 $0x38  }
.LBB2_1:
0x1b: {  	[dreg:$0x8] =	wrdreg s26  }
0x1c: {  	s25 =	rddreg [dreg:$0x4]  }
0x1d: {  	[tilespmem:s13], [sflag:$0x5] =	stream.linear.gather [hbm4b:s25+s3], $0x730, $0x38;
	[tilespmem:$0x1FCC0] =	vst v63  }
0x1e: {  	_ =	swait.ge [sflag:s14], $0x730  }
0x1f: {  	[sflag:s14] =	ssyncset.done $0x0  }
0x20: {  	s30 =	sadd.s32 $0x0, s8;
	[sflag:s14] =	ssyncadd.s32 $0xFFFFF8D0  }
0x21: {  	[spmem:s30] =	stream.linear.scatter [tilespmem:s13], [sflag:$0x5], $0x730, $0x38;
	[tilespmem:$0x1FCC0] =	vst v63  }
0x22: {  	s25 =	simm.s32 $0x1CC0;
	_ =	swait.ge [sflag:s14], $0x730  }
.LBB2_2:
0x23: {  	s26 =	sshra.s32 s25, $0x2;
	[sflag:s14] =	ssyncset.done $0x0;
	p1 =	sne.s32 s25, $0x78640  }
.Ltmp2:
0x24: {  	s26 =	sadd.s32 s26, s8;
	[sflag:s14] =	ssyncadd.s32 $0xFFFFF8D0;
	(pc) =	sbr.rel @p1 .LBB2_2-.Ltmp2, $3  }
0x25: {  	[spmem:s26] =	stream.linear.scatter [tilespmem:s13], [sflag:$0x5], $0x730, $0x38;
	[tilespmem:$0x1FCC0] =	vst v63  }
0x26: {  	s25 =	sadd.s32 $0x1CC0, s25;
	_ =	sdelay $0x1  }
0x27: {  	_ =	swait.ge [sflag:s14], $0x730  }
.Ltmp3:
0x28: {  	(pc) =	sbr.rel @p0 .LBB2_9-.Ltmp3, $4  }
0x29: {  	[sflag:s14] =	ssyncset.done $0x0  }
0x2a: {  	[sflag:s14] =	ssyncadd.s32 $0xFFFFF8D0  }
0x2b: {  	[bflag:$0x0] =	sbarrier.arrive $0xFFFF  }
0x2c: {  	s25 =	sadd.s32 $0x0, s9  }
0x2d: {  	[tilespmem:s3], [sflag:$0x5] =	stream.linear.gather [hbm4b:s25+s3], $0x230, $0x38;
	[tilespmem:$0x1FCC0] =	vst v63  }
0x2e: {  	_ =	swait.ge [sflag:s14], $0x230  }
0x2f: {  	[sflag:s14] =	ssyncset.done $0x0  }
0x30: {  	s26 =	sadd.s32 $0x0, s10;
	[sflag:s14] =	ssyncadd.s32 $0xFFFFFDD0  }
0x31: {  	[tilespmem:s15], [sflag:$0x5] =	stream.linear.gather [hbm4b:s26+s3], $0x230, $0x38;
	[tilespmem:$0x1FCC0] =	vst v63  }
0x32: {  	_ =	swait.ge [sflag:s14], $0x230  }
0x33: {  	[sflag:s14] =	ssyncset.done $0x0  }
0x34: {  	[sflag:s14] =	ssyncadd.s32 $0xFFFFFDD0  }
0x35: {  	[tilespmem:s13], [sflag:$0x1] =	stream.indirect.gather [hbm4b:s4+s16], $0x28, s15, s16, $0xb8;
	[tilespmem:$0x1FCC0] =	vst v63  }
0x36: {  	s29 =	simm.s32 $0x268  }
0x37: {  	[tilespmem:s18], [sflag:$0x2] =	stream.indirect.gather [hbm4b:s4+s16], $0x28, s29, s16, $0xb8;
	[tilespmem:$0x1FCC0] =	vst v63  }
0x38: {  	_ =	swait.ge [sflag:s19], $0x7D0  }
0x39: {  	[sflag:s19] =	ssyncset.done $0x0  }
0x3a: {  	[sflag:s19] =	ssyncadd.s32 $0xFFFFF830  }
0x3b: {  	[spmem:s1] =	stream.indirect.scatter.add.f32 [tilespmem:s13], [sflag:$0x3], $0x28, s3, s16, $0xb8;
	[tilespmem:$0x1FCC0] =	vst v63  }
0x3c: {  	_ =	swait.ge [sflag:s20], $0x7D0  }
0x3d: {  	[sflag:s20] =	ssyncset.done $0x0  }
0x3e: {  	s30 =	simm.s32 $0x2A0;
	[sflag:s20] =	ssyncadd.s32 $0xFFFFF830  }
0x3f: {  	[tilespmem:s13], [sflag:$0x1] =	stream.indirect.gather [hbm4b:s4+s16], $0x28, s30, s16, $0xb8;
	[tilespmem:$0x1FCC0] =	vst v63  }
0x40: {  	_ =	swait.ge [sflag:s22], $0x7D0  }
0x41: {  	[sflag:s22] =	ssyncset.done $0x0  }
0x42: {  	[sflag:s22] =	ssyncadd.s32 $0xFFFFF830  }
0x43: {  	[spmem:s1] =	stream.indirect.scatter.add.f32 [tilespmem:s18], [sflag:$0x4], $0x28, s28, s16, $0xb8;
	[tilespmem:$0x1FCC0] =	vst v63  }
0x44: {  	_ =	swait.ge [sflag:s24], $0x7D0  }
0x45: {  	[sflag:s24] =	ssyncset.done $0x0  }
0x46: {  	[sflag:s24] =	ssyncadd.s32 $0xFFFFF830  }
0x47: {  	[tilespmem:s18], [sflag:$0x2] =	stream.indirect.gather [hbm4b:s4+s16], $0x28, s0, s16, $0xb8;
	[tilespmem:$0x1FCC0] =	vst v63  }
0x48: {  	_ =	swait.ge [sflag:s19], $0x7D0  }
0x49: {  	[sflag:s19] =	ssyncset.done $0x0  }
0x4a: {  	[sflag:s19] =	ssyncadd.s32 $0xFFFFF830  }
0x4b: {  	[spmem:s1] =	stream.indirect.scatter.add.f32 [tilespmem:s13], [sflag:$0x3], $0x28, s2, s16, $0xb8;
	[tilespmem:$0x1FCC0] =	vst v63  }
0x4c: {  	_ =	swait.ge [sflag:s20], $0x7D0  }
0x4d: {  	[sflag:s20] =	ssyncset.done $0x0  }
0x4e: {  	[sflag:s20] =	ssyncadd.s32 $0xFFFFF830  }
0x4f: {  	[tilespmem:s13], [sflag:$0x1] =	stream.indirect.gather [hbm4b:s4+s16], $0x28, s6, s16, $0xb8;
	[tilespmem:$0x1FCC0] =	vst v63  }
0x50: {  	_ =	swait.ge [sflag:s22], $0x7D0  }
0x51: {  	[sflag:s22] =	ssyncset.done $0x0  }
0x52: {  	[sflag:s22] =	ssyncadd.s32 $0xFFFFF830  }
0x53: {  	[spmem:s1] =	stream.indirect.scatter.add.f32 [tilespmem:s18], [sflag:$0x4], $0x28, s7, s16, $0xb8;
	[tilespmem:$0x1FCC0] =	vst v63  }
0x54: {  	_ =	swait.ge [sflag:s24], $0x7D0  }
0x55: {  	[sflag:s24] =	ssyncset.done $0x0  }
0x56: {  	[sflag:s24] =	ssyncadd.s32 $0xFFFFF830  }
0x57: {  	[tilespmem:s18], [sflag:$0x2] =	stream.indirect.gather [hbm4b:s4+s16], $0x28, s11, s16, $0xb8;
	[tilespmem:$0x1FCC0] =	vst v63  }
0x58: {  	_ =	swait.ge [sflag:s19], $0x7D0  }
0x59: {  	[sflag:s19] =	ssyncset.done $0x0  }
0x5a: {  	[sflag:s19] =	ssyncadd.s32 $0xFFFFF830  }
0x5b: {  	[spmem:s1] =	stream.indirect.scatter.add.f32 [tilespmem:s13], [sflag:$0x3], $0x28, s12, s16, $0xb8;
	[tilespmem:$0x1FCC0] =	vst v63  }
0x5c: {  	_ =	swait.ge [sflag:s20], $0x7D0  }
0x5d: {  	[sflag:s20] =	ssyncset.done $0x0  }
0x5e: {  	[sflag:s20] =	ssyncadd.s32 $0xFFFFF830  }
0x5f: {  	[tilespmem:s13], [sflag:$0x1] =	stream.indirect.gather [hbm4b:s4+s16], $0x28, s17, s16, $0xb8;
	[tilespmem:$0x1FCC0] =	vst v63  }
0x60: {  	_ =	swait.ge [sflag:s22], $0x7D0  }
0x61: {  	[sflag:s22] =	ssyncset.done $0x0  }
0x62: {  	[sflag:s22] =	ssyncadd.s32 $0xFFFFF830  }
0x63: {  	[spmem:s1] =	stream.indirect.scatter.add.f32 [tilespmem:s18], [sflag:$0x4], $0x28, s21, s16, $0xb8;
	[tilespmem:$0x1FCC0] =	vst v63  }
0x64: {  	_ =	swait.ge [sflag:s24], $0x7D0  }
0x65: {  	[sflag:s24] =	ssyncset.done $0x0  }
0x66: {  	[sflag:s24] =	ssyncadd.s32 $0xFFFFF830  }
0x67: {  	[tilespmem:s18], [sflag:$0x2] =	stream.indirect.gather [hbm4b:s4+s16], $0x28, s23, s16, $0xb8;
	[tilespmem:$0x1FCC0] =	vst v63  }
0x68: {  	_ =	swait.ge [sflag:s19], $0x7D0  }
0x69: {  	[sflag:s19] =	ssyncset.done $0x0  }
0x6a: {  	[sflag:s19] =	ssyncadd.s32 $0xFFFFF830  }
0x6b: {  	[spmem:s1] =	stream.indirect.scatter.add.f32 [tilespmem:s13], [sflag:$0x3], $0x28, s31, s16, $0xb8;
	[tilespmem:$0x1FCC0] =	vst v63  }
0x6c: {  	_ =	swait.ge [sflag:s20], $0x7D0  }
0x6d: {  	[sflag:s20] =	ssyncset.done $0x0  }
0x6e: {  	s25 =	simm.s32 $0x3F0;
	[sflag:s20] =	ssyncadd.s32 $0xFFFFF830  }
0x6f: {  	[tilespmem:s13], [sflag:$0x1] =	stream.indirect.gather [hbm4b:s4+s16], $0x28, s25, s16, $0xb8;
	[tilespmem:$0x1FCC0] =	vst v63  }
0x70: {  	_ =	swait.ge [sflag:s22], $0x7D0  }
0x71: {  	[sflag:s22] =	ssyncset.done $0x0  }
0x72: {  	s26 =	simm.s32 $0x188;
	[sflag:s22] =	ssyncadd.s32 $0xFFFFF830  }
0x73: {  	[spmem:s1] =	stream.indirect.scatter.add.f32 [tilespmem:s18], [sflag:$0x4], $0x28, s26, s16, $0xb8;
	[tilespmem:$0x1FCC0] =	vst v63  }
0x74: {  	_ =	swait.ge [sflag:s24], $0x7D0  }
0x75: {  	[sflag:s24] =	ssyncset.done $0x0  }
0x76: {  	s28 =	simm.s32 $0x428;
	[sflag:s24] =	ssyncadd.s32 $0xFFFFF830  }
0x77: {  	[tilespmem:s18], [sflag:$0x2] =	stream.indirect.gather [hbm4b:s4+s16], $0x28, s28, s16, $0xb8;
	[tilespmem:$0x1FCC0] =	vst v63  }
0x78: {  	_ =	swait.ge [sflag:s19], $0x7D0  }
0x79: {  	[sflag:s19] =	ssyncset.done $0x0  }
0x7a: {  	s29 =	simm.s32 $0x1C0;
	[sflag:s19] =	ssyncadd.s32 $0xFFFFF830  }
0x7b: {  	[spmem:s1] =	stream.indirect.scatter.add.f32 [tilespmem:s13], [sflag:$0x3], $0x28, s29, s16, $0xb8;
	[tilespmem:$0x1FCC0] =	vst v63  }
0x7c: {  	_ =	swait.ge [sflag:s22], $0x7D0  }
0x7d: {  	s30 =	simm.s32 $0x1F8;
	[sflag:s22] =	ssyncset.done $0x0  }
0x7e: {  	s0 =	simm.s32 $0x2D8;
	s2 =	simm.s32 $0x70;
	[sflag:s22] =	ssyncadd.s32 $0xFFFFF830  }
0x7f: {  	[spmem:s1] =	stream.indirect.scatter.add.f32 [tilespmem:s18], [sflag:$0x4], $0x28, s30, s16, $0xb8;
	[tilespmem:$0x1FCC0] =	vst v63  }
0x80: {  	s6 =	simm.s32 $0x310;
	s7 =	simm.s32 $0xA8;
	_ =	swait.ge [sflag:s20], $0x7D0  }
0x81: {  	s11 =	simm.s32 $0x348;
	s12 =	simm.s32 $0xE0;
	[sflag:s20] =	ssyncset.done $0x0  }
0x82: {  	s17 =	simm.s32 $0x380;
	s21 =	simm.s32 $0x118;
	[sflag:s20] =	ssyncadd.s32 $0xFFFFF830  }
0x83: {  	s23 =	simm.s32 $0x3B8;
	s31 =	simm.s32 $0x38;
	_ =	swait.ge [sflag:s24], $0x7D0  }
0x84: {  	s25 =	simm.s32 $0x46;
	s26 =	simm.s32 $0x8C;
	[sflag:s24] =	ssyncset.done $0x0  }
.LBB2_5:
0x85: {  	s29 =	sadd.s32 s25, s9  }
0x86: {  	[sflag:s24] =	ssyncadd.s32 $0xFFFFF830;
	s30 =	smov.u32 s26;
	s28 =	sadd.s32 $0x46, s26  }
0x87: {  	[tilespmem:s3], [sflag:$0x5] =	stream.linear.gather [hbm4b:s29+s3], $0x230, $0x38;
	[tilespmem:$0x1FCC0] =	vst v63  }
0x88: {  	s29 =	simm.s32 $0x268  }
0x89: {  	p1 =	seq.s32 s26, $0x1B12;
	_ =	swait.ge [sflag:s14], $0x230  }
0x8a: {  	s26 =	sadd.s32 s25, s10;
	[sflag:s14] =	ssyncset.done $0x0  }
0x8b: {  	s25 =	smov.u32 s30;
	s30 =	simm.s32 $0x2A0;
	[sflag:s14] =	ssyncadd.s32 $0xFFFFFDD0  }
0x8c: {  	[tilespmem:s15], [sflag:$0x5] =	stream.linear.gather [hbm4b:s26+s3], $0x230, $0x38;
	[tilespmem:$0x1FCC0] =	vst v63  }
0x8d: {  	_ =	swait.ge [sflag:s14], $0x230  }
0x8e: {  	[sflag:s14] =	ssyncset.done $0x0  }
0x8f: {  	[sflag:s14] =	ssyncadd.s32 $0xFFFFFDD0  }
0x90: {  	[tilespmem:s13], [sflag:$0x1] =	stream.indirect.gather [hbm4b:s4+s16], $0x28, s15, s16, $0xb8;
	[tilespmem:$0x1FCC0] =	vst v63  }
0x91: {  	_ = 	snop  }
0x92: {  	[tilespmem:s18], [sflag:$0x2] =	stream.indirect.gather [hbm4b:s4+s16], $0x28, s29, s16, $0xb8;
	[tilespmem:$0x1FCC0] =	vst v63  }
0x93: {  	_ =	swait.ge [sflag:s19], $0x7D0  }
0x94: {  	[sflag:s19] =	ssyncset.done $0x0  }
0x95: {  	[sflag:s19] =	ssyncadd.s32 $0xFFFFF830  }
0x96: {  	[spmem:s1] =	stream.indirect.scatter.add.f32 [tilespmem:s13], [sflag:$0x3], $0x28, s3, s16, $0xb8;
	[tilespmem:$0x1FCC0] =	vst v63  }
0x97: {  	_ =	swait.ge [sflag:s20], $0x7D0  }
0x98: {  	[sflag:s20] =	ssyncset.done $0x0  }
0x99: {  	[sflag:s20] =	ssyncadd.s32 $0xFFFFF830  }
0x9a: {  	[tilespmem:s13], [sflag:$0x1] =	stream.indirect.gather [hbm4b:s4+s16], $0x28, s30, s16, $0xb8;
	[tilespmem:$0x1FCC0] =	vst v63  }
0x9b: {  	_ =	swait.ge [sflag:s22], $0x7D0  }
0x9c: {  	[sflag:s22] =	ssyncset.done $0x0  }
0x9d: {  	[sflag:s22] =	ssyncadd.s32 $0xFFFFF830  }
0x9e: {  	[spmem:s1] =	stream.indirect.scatter.add.f32 [tilespmem:s18], [sflag:$0x4], $0x28, s31, s16, $0xb8;
	[tilespmem:$0x1FCC0] =	vst v63  }
0x9f: {  	_ =	swait.ge [sflag:s24], $0x7D0  }
0xa0: {  	[sflag:s24] =	ssyncset.done $0x0  }
0xa1: {  	[sflag:s24] =	ssyncadd.s32 $0xFFFFF830  }
0xa2: {  	[tilespmem:s18], [sflag:$0x2] =	stream.indirect.gather [hbm4b:s4+s16], $0x28, s0, s16, $0xb8;
	[tilespmem:$0x1FCC0] =	vst v63  }
0xa3: {  	_ =	swait.ge [sflag:s19], $0x7D0  }
0xa4: {  	[sflag:s19] =	ssyncset.done $0x0  }
0xa5: {  	[sflag:s19] =	ssyncadd.s32 $0xFFFFF830  }
0xa6: {  	[spmem:s1] =	stream.indirect.scatter.add.f32 [tilespmem:s13], [sflag:$0x3], $0x28, s2, s16, $0xb8;
	[tilespmem:$0x1FCC0] =	vst v63  }
0xa7: {  	_ =	swait.ge [sflag:s20], $0x7D0  }
0xa8: {  	[sflag:s20] =	ssyncset.done $0x0  }
0xa9: {  	[sflag:s20] =	ssyncadd.s32 $0xFFFFF830  }
0xaa: {  	[tilespmem:s13], [sflag:$0x1] =	stream.indirect.gather [hbm4b:s4+s16], $0x28, s6, s16, $0xb8;
	[tilespmem:$0x1FCC0] =	vst v63  }
0xab: {  	_ =	swait.ge [sflag:s22], $0x7D0  }
0xac: {  	[sflag:s22] =	ssyncset.done $0x0  }
0xad: {  	[sflag:s22] =	ssyncadd.s32 $0xFFFFF830  }
0xae: {  	[spmem:s1] =	stream.indirect.scatter.add.f32 [tilespmem:s18], [sflag:$0x4], $0x28, s7, s16, $0xb8;
	[tilespmem:$0x1FCC0] =	vst v63  }
0xaf: {  	_ =	swait.ge [sflag:s24], $0x7D0  }
0xb0: {  	[sflag:s24] =	ssyncset.done $0x0  }
0xb1: {  	[sflag:s24] =	ssyncadd.s32 $0xFFFFF830  }
0xb2: {  	[tilespmem:s18], [sflag:$0x2] =	stream.indirect.gather [hbm4b:s4+s16], $0x28, s11, s16, $0xb8;
	[tilespmem:$0x1FCC0] =	vst v63  }
0xb3: {  	_ =	swait.ge [sflag:s19], $0x7D0  }
0xb4: {  	[sflag:s19] =	ssyncset.done $0x0  }
0xb5: {  	[sflag:s19] =	ssyncadd.s32 $0xFFFFF830  }
0xb6: {  	[spmem:s1] =	stream.indirect.scatter.add.f32 [tilespmem:s13], [sflag:$0x3], $0x28, s12, s16, $0xb8;
	[tilespmem:$0x1FCC0] =	vst v63  }
0xb7: {  	_ =	swait.ge [sflag:s20], $0x7D0  }
0xb8: {  	[sflag:s20] =	ssyncset.done $0x0  }
0xb9: {  	[sflag:s20] =	ssyncadd.s32 $0xFFFFF830  }
0xba: {  	[tilespmem:s13], [sflag:$0x1] =	stream.indirect.gather [hbm4b:s4+s16], $0x28, s17, s16, $0xb8;
	[tilespmem:$0x1FCC0] =	vst v63  }
0xbb: {  	_ =	swait.ge [sflag:s22], $0x7D0  }
0xbc: {  	[sflag:s22] =	ssyncset.done $0x0  }
0xbd: {  	[sflag:s22] =	ssyncadd.s32 $0xFFFFF830  }
0xbe: {  	[spmem:s1] =	stream.indirect.scatter.add.f32 [tilespmem:s18], [sflag:$0x4], $0x28, s21, s16, $0xb8;
	[tilespmem:$0x1FCC0] =	vst v63  }
0xbf: {  	_ =	swait.ge [sflag:s24], $0x7D0  }
0xc0: {  	[sflag:s24] =	ssyncset.done $0x0  }
0xc1: {  	[sflag:s24] =	ssyncadd.s32 $0xFFFFF830  }
0xc2: {  	[tilespmem:s18], [sflag:$0x2] =	stream.indirect.gather [hbm4b:s4+s16], $0x28, s23, s16, $0xb8;
	[tilespmem:$0x1FCC0] =	vst v63  }
0xc3: {  	_ =	swait.ge [sflag:s19], $0x7D0  }
0xc4: {  	[sflag:s19] =	ssyncset.done $0x0  }
0xc5: {  	s26 =	simm.s32 $0x150;
	[sflag:s19] =	ssyncadd.s32 $0xFFFFF830  }
0xc6: {  	[spmem:s1] =	stream.indirect.scatter.add.f32 [tilespmem:s13], [sflag:$0x3], $0x28, s26, s16, $0xb8;
	[tilespmem:$0x1FCC0] =	vst v63  }
0xc7: {  	_ =	swait.ge [sflag:s20], $0x7D0  }
0xc8: {  	[sflag:s20] =	ssyncset.done $0x0  }
0xc9: {  	s26 =	simm.s32 $0x3F0;
	[sflag:s20] =	ssyncadd.s32 $0xFFFFF830  }
0xca: {  	[tilespmem:s13], [sflag:$0x1] =	stream.indirect.gather [hbm4b:s4+s16], $0x28, s26, s16, $0xb8;
	[tilespmem:$0x1FCC0] =	vst v63  }
0xcb: {  	_ =	swait.ge [sflag:s22], $0x7D0  }
0xcc: {  	[sflag:s22] =	ssyncset.done $0x0  }
0xcd: {  	s26 =	simm.s32 $0x188;
	[sflag:s22] =	ssyncadd.s32 $0xFFFFF830  }
0xce: {  	[spmem:s1] =	stream.indirect.scatter.add.f32 [tilespmem:s18], [sflag:$0x4], $0x28, s26, s16, $0xb8;
	[tilespmem:$0x1FCC0] =	vst v63  }
0xcf: {  	_ =	swait.ge [sflag:s24], $0x7D0  }
0xd0: {  	[sflag:s24] =	ssyncset.done $0x0  }
0xd1: {  	s26 =	simm.s32 $0x428;
	[sflag:s24] =	ssyncadd.s32 $0xFFFFF830  }
0xd2: {  	[tilespmem:s18], [sflag:$0x2] =	stream.indirect.gather [hbm4b:s4+s16], $0x28, s26, s16, $0xb8;
	[tilespmem:$0x1FCC0] =	vst v63  }
0xd3: {  	_ =	swait.ge [sflag:s19], $0x7D0  }
0xd4: {  	[sflag:s19] =	ssyncset.done $0x0  }
0xd5: {  	s26 =	simm.s32 $0x1C0;
	[sflag:s19] =	ssyncadd.s32 $0xFFFFF830  }
0xd6: {  	[spmem:s1] =	stream.indirect.scatter.add.f32 [tilespmem:s13], [sflag:$0x3], $0x28, s26, s16, $0xb8;
	[tilespmem:$0x1FCC0] =	vst v63  }
0xd7: {  	_ =	swait.ge [sflag:s22], $0x7D0  }
0xd8: {  	[sflag:s22] =	ssyncset.done $0x0  }
0xd9: {  	s26 =	simm.s32 $0x1F8;
	[sflag:s22] =	ssyncadd.s32 $0xFFFFF830  }
0xda: {  	[spmem:s1] =	stream.indirect.scatter.add.f32 [tilespmem:s18], [sflag:$0x4], $0x28, s26, s16, $0xb8;
	[tilespmem:$0x1FCC0] =	vst v63  }
.Ltmp4:
0xdb: {  	_ =	swait.ge [sflag:s20], $0x7D0;
	(pc) =	sbr.rel @!p1 .LBB2_5-.Ltmp4, $4  }
0xdc: {  	[sflag:s20] =	ssyncset.done $0x0  }
0xdd: {  	[sflag:s20] =	ssyncadd.s32 $0xFFFFF830  }
0xde: {  	_ =	swait.ge [sflag:s24], $0x7D0  }
0xdf: {  	s26 =	smov.u32 s28;
	[sflag:s24] =	ssyncset.done $0x0  }
0xe0: {  	s26 =	sadd.s32 s25, s9;
	[sflag:s24] =	ssyncadd.s32 $0xFFFFF830  }
0xe1: {  	[tilespmem:s3], [sflag:$0x5] =	stream.linear.gather [hbm4b:s26+s3], $0x230, $0x38;
	[tilespmem:$0x1FCC0] =	vst v63  }
0xe2: {  	_ =	swait.ge [sflag:s14], $0x230  }
0xe3: {  	[sflag:s14] =	ssyncset.done $0x0  }
0xe4: {  	s28 =	sadd.s32 s25, s10;
	[sflag:s14] =	ssyncadd.s32 $0xFFFFFDD0  }
0xe5: {  	[tilespmem:s15], [sflag:$0x5] =	stream.linear.gather [hbm4b:s28+s3], $0x230, $0x38;
	[tilespmem:$0x1FCC0] =	vst v63  }
0xe6: {  	_ =	swait.ge [sflag:s14], $0x230  }
0xe7: {  	[sflag:s14] =	ssyncset.done $0x0  }
0xe8: {  	[sflag:s14] =	ssyncadd.s32 $0xFFFFFDD0  }
0xe9: {  	[tilespmem:s13], [sflag:$0x1] =	stream.indirect.gather [hbm4b:s4+s16], $0x28, s15, s16, $0xb8;
	[tilespmem:$0x1FCC0] =	vst v63  }
0xea: {  	_ = 	snop  }
0xeb: {  	[tilespmem:s18], [sflag:$0x2] =	stream.indirect.gather [hbm4b:s4+s16], $0x28, s29, s16, $0xb8;
	[tilespmem:$0x1FCC0] =	vst v63  }
0xec: {  	_ =	swait.ge [sflag:s19], $0x7D0  }
0xed: {  	[sflag:s19] =	ssyncset.done $0x0  }
0xee: {  	[sflag:s19] =	ssyncadd.s32 $0xFFFFF830  }
0xef: {  	[spmem:s1] =	stream.indirect.scatter.add.f32 [tilespmem:s13], [sflag:$0x3], $0x28, s3, s16, $0xb8;
	[tilespmem:$0x1FCC0] =	vst v63  }
0xf0: {  	_ =	swait.ge [sflag:s20], $0x7D0  }
0xf1: {  	[sflag:s20] =	ssyncset.done $0x0  }
0xf2: {  	[sflag:s20] =	ssyncadd.s32 $0xFFFFF830  }
0xf3: {  	[tilespmem:s13], [sflag:$0x1] =	stream.indirect.gather [hbm4b:s4+s16], $0x28, s30, s16, $0xb8;
	[tilespmem:$0x1FCC0] =	vst v63  }
0xf4: {  	_ =	swait.ge [sflag:s22], $0x7D0  }
0xf5: {  	[sflag:s22] =	ssyncset.done $0x0  }
0xf6: {  	[sflag:s22] =	ssyncadd.s32 $0xFFFFF830  }
0xf7: {  	[spmem:s1] =	stream.indirect.scatter.add.f32 [tilespmem:s18], [sflag:$0x4], $0x28, s31, s16, $0xb8;
	[tilespmem:$0x1FCC0] =	vst v63  }
0xf8: {  	_ =	swait.ge [sflag:s24], $0x7D0  }
0xf9: {  	[sflag:s24] =	ssyncset.done $0x0  }
0xfa: {  	[sflag:s24] =	ssyncadd.s32 $0xFFFFF830  }
0xfb: {  	[tilespmem:s18], [sflag:$0x2] =	stream.indirect.gather [hbm4b:s4+s16], $0x28, s0, s16, $0xb8;
	[tilespmem:$0x1FCC0] =	vst v63  }
0xfc: {  	_ =	swait.ge [sflag:s19], $0x7D0  }
0xfd: {  	[sflag:s19] =	ssyncset.done $0x0  }
0xfe: {  	[sflag:s19] =	ssyncadd.s32 $0xFFFFF830  }
0xff: {  	[spmem:s1] =	stream.indirect.scatter.add.f32 [tilespmem:s13], [sflag:$0x3], $0x28, s2, s16, $0xb8;
	[tilespmem:$0x1FCC0] =	vst v63  }
0x100: {  	_ =	swait.ge [sflag:s20], $0x7D0  }
0x101: {  	[sflag:s20] =	ssyncset.done $0x0  }
0x102: {  	[sflag:s20] =	ssyncadd.s32 $0xFFFFF830  }
0x103: {  	[tilespmem:s13], [sflag:$0x1] =	stream.indirect.gather [hbm4b:s4+s16], $0x28, s6, s16, $0xb8;
	[tilespmem:$0x1FCC0] =	vst v63  }
0x104: {  	_ =	swait.ge [sflag:s22], $0x7D0  }
0x105: {  	[sflag:s22] =	ssyncset.done $0x0  }
0x106: {  	[sflag:s22] =	ssyncadd.s32 $0xFFFFF830  }
0x107: {  	[spmem:s1] =	stream.indirect.scatter.add.f32 [tilespmem:s18], [sflag:$0x4], $0x28, s7, s16, $0xb8;
	[tilespmem:$0x1FCC0] =	vst v63  }
0x108: {  	_ =	swait.ge [sflag:s24], $0x7D0  }
0x109: {  	[sflag:s24] =	ssyncset.done $0x0  }
0x10a: {  	[sflag:s24] =	ssyncadd.s32 $0xFFFFF830  }
0x10b: {  	[tilespmem:s18], [sflag:$0x2] =	stream.indirect.gather [hbm4b:s4+s16], $0x28, s11, s16, $0xb8;
	[tilespmem:$0x1FCC0] =	vst v63  }
0x10c: {  	_ =	swait.ge [sflag:s19], $0x7D0  }
0x10d: {  	[sflag:s19] =	ssyncset.done $0x0  }
0x10e: {  	[sflag:s19] =	ssyncadd.s32 $0xFFFFF830  }
0x10f: {  	[spmem:s1] =	stream.indirect.scatter.add.f32 [tilespmem:s13], [sflag:$0x3], $0x28, s12, s16, $0xb8;
	[tilespmem:$0x1FCC0] =	vst v63  }
0x110: {  	_ =	swait.ge [sflag:s20], $0x7D0  }
0x111: {  	[sflag:s20] =	ssyncset.done $0x0  }
0x112: {  	[sflag:s20] =	ssyncadd.s32 $0xFFFFF830  }
0x113: {  	[tilespmem:s13], [sflag:$0x1] =	stream.indirect.gather [hbm4b:s4+s16], $0x28, s17, s16, $0xb8;
	[tilespmem:$0x1FCC0] =	vst v63  }
0x114: {  	_ =	swait.ge [sflag:s22], $0x7D0  }
0x115: {  	[sflag:s22] =	ssyncset.done $0x0  }
0x116: {  	[sflag:s22] =	ssyncadd.s32 $0xFFFFF830  }
0x117: {  	[spmem:s1] =	stream.indirect.scatter.add.f32 [tilespmem:s18], [sflag:$0x4], $0x28, s21, s16, $0xb8;
	[tilespmem:$0x1FCC0] =	vst v63  }
0x118: {  	_ =	swait.ge [sflag:s24], $0x7D0  }
0x119: {  	[sflag:s24] =	ssyncset.done $0x0  }
0x11a: {  	[sflag:s24] =	ssyncadd.s32 $0xFFFFF830  }
0x11b: {  	[tilespmem:s18], [sflag:$0x2] =	stream.indirect.gather [hbm4b:s4+s16], $0x28, s23, s16, $0xb8;
	[tilespmem:$0x1FCC0] =	vst v63  }
0x11c: {  	_ =	swait.ge [sflag:s19], $0x7D0  }
0x11d: {  	[sflag:s19] =	ssyncset.done $0x0  }
0x11e: {  	s17 =	simm.s32 $0x150;
	[sflag:s19] =	ssyncadd.s32 $0xFFFFF830  }
0x11f: {  	[spmem:s1] =	stream.indirect.scatter.add.f32 [tilespmem:s13], [sflag:$0x3], $0x28, s17, s16, $0xb8;
	[tilespmem:$0x1FCC0] =	vst v63  }
0x120: {  	_ =	swait.ge [sflag:s20], $0x7D0  }
0x121: {  	[sflag:s20] =	ssyncset.done $0x0  }
0x122: {  	s21 =	simm.s32 $0x3F0;
	[sflag:s20] =	ssyncadd.s32 $0xFFFFF830  }
0x123: {  	[tilespmem:s13], [sflag:$0x1] =	stream.indirect.gather [hbm4b:s4+s16], $0x28, s21, s16, $0xb8;
	[tilespmem:$0x1FCC0] =	vst v63  }
0x124: {  	_ =	swait.ge [sflag:s22], $0x7D0  }
0x125: {  	[sflag:s22] =	ssyncset.done $0x0  }
0x126: {  	s23 =	simm.s32 $0x188;
	[sflag:s22] =	ssyncadd.s32 $0xFFFFF830  }
0x127: {  	[spmem:s1] =	stream.indirect.scatter.add.f32 [tilespmem:s18], [sflag:$0x4], $0x28, s23, s16, $0xb8;
	[tilespmem:$0x1FCC0] =	vst v63  }
0x128: {  	_ =	swait.ge [sflag:s24], $0x7D0  }
0x129: {  	[sflag:s24] =	ssyncset.done $0x0  }
0x12a: {  	s25 =	simm.s32 $0x428;
	[sflag:s24] =	ssyncadd.s32 $0xFFFFF830  }
0x12b: {  	[tilespmem:s18], [sflag:$0x2] =	stream.indirect.gather [hbm4b:s4+s16], $0x28, s25, s16, $0xb8;
	[tilespmem:$0x1FCC0] =	vst v63  }
0x12c: {  	_ =	swait.ge [sflag:s19], $0x7D0  }
0x12d: {  	[sflag:s19] =	ssyncset.done $0x0  }
0x12e: {  	s26 =	simm.s32 $0x1C0;
	[sflag:s19] =	ssyncadd.s32 $0xFFFFF830  }
0x12f: {  	[spmem:s1] =	stream.indirect.scatter.add.f32 [tilespmem:s13], [sflag:$0x3], $0x28, s26, s16, $0xb8;
	[tilespmem:$0x1FCC0] =	vst v63  }
0x130: {  	_ =	swait.ge [sflag:s22], $0x7D0  }
0x131: {  	[sflag:s22] =	ssyncset.done $0x0  }
0x132: {  	s28 =	simm.s32 $0x1F8;
	[sflag:s22] =	ssyncadd.s32 $0xFFFFF830  }
0x133: {  	[spmem:s1] =	stream.indirect.scatter.add.f32 [tilespmem:s18], [sflag:$0x4], $0x28, s28, s16, $0xb8;
	[tilespmem:$0x1FCC0] =	vst v63  }
0x134: {  	_ =	swait.ge [sflag:s20], $0x7D0  }
0x135: {  	[sflag:s20] =	ssyncset.done $0x0  }
0x136: {  	[sflag:s20] =	ssyncadd.s32 $0xFFFFF830  }
0x137: {  	_ =	swait.ge [sflag:s24], $0x7D0  }
0x138: {  	[sflag:s24] =	ssyncset.done $0x0  }
0x139: {  	s31 =	simm.s32 $0x150;
	s0 =	simm.s32 $0x2D8;
	[sflag:s24] =	ssyncadd.s32 $0xFFFFF830  }
0x13a: {  	s2 =	simm.s32 $0x70;
	s6 =	simm.s32 $0x310;
	[bflag:$0x0] =	sbarrier.arrive $0xFFFF  }
0x13b: {  	[tilespmem:s13], [sflag:$0x5] =	stream.linear.gather [spmem:s8], $0x730, $0x38;
	[tilespmem:$0x1FCC0] =	vst v63  }
0x13c: {  	s7 =	simm.s32 $0xA8;
	s11 =	simm.s32 $0x348;
	_ =	swait.ge [sflag:s14], $0x730  }
0x13d: {  	s12 =	simm.s32 $0xE0;
	[sflag:s14] =	ssyncset.done $0x0;
	s30 =	rddreg [dreg:$0x7]  }
0x13e: {  	s17 =	simm.s32 $0x380;
	[sflag:s14] =	ssyncadd.s32 $0xFFFFF8D0;
	s29 =	sadd.s32 $0x0, s30  }
0x13f: {  	[hbm4b:s29+s3] =	stream.linear.scatter [tilespmem:s13], [sflag:$0x5], $0x730, $0x38;
	[tilespmem:$0x1FCC0] =	vst v63  }
0x140: {  	s21 =	simm.s32 $0x118;
	s23 =	simm.s32 $0x3B8;
	_ =	swait.ge [sflag:s14], $0x730  }
0x141: {  	s25 =	simm.s32 $0xE6;
	s26 =	smov.u32 s8;
	[sflag:s14] =	ssyncset.done $0x0  }
.LBB2_7:
0x142: {  	p1 =	seq.s32 s25, $0x3C32;
	[sflag:s14] =	ssyncadd.s32 $0xFFFFF8D0;
	s26 =	sadd.s32 $0x730, s26  }
0x143: {  	[tilespmem:s13], [sflag:$0x5] =	stream.linear.gather [spmem:s26], $0x730, $0x38;
	[tilespmem:$0x1FCC0] =	vst v63  }
0x144: {  	s28 =	smov.u32 s25;
	s25 =	sadd.s32 $0xE6, s25;
	_ =	swait.ge [sflag:s14], $0x730  }
.Ltmp5:
0x145: {  	[sflag:s14] =	ssyncset.done $0x0;
	(pc) =	sbr.rel @!p1 .LBB2_7-.Ltmp5, $4  }
0x146: {  	s28 =	sadd.s32 s28, s30;
	[sflag:s14] =	ssyncadd.s32 $0xFFFFF8D0  }
0x147: {  	[hbm4b:s28+s3] =	stream.linear.scatter [tilespmem:s13], [sflag:$0x5], $0x730, $0x38;
	[tilespmem:$0x1FCC0] =	vst v63  }
0x148: {  	_ =	swait.ge [sflag:s14], $0x730  }
0x149: {  	[sflag:s14] =	ssyncset.done $0x0  }
.Ltmp6:
0x14a: {  	(pc) =	sbr.rel .LBB2_14-.Ltmp6, $2  }
0x14b: {  	_ =	sdelay $0x2  }
0x14c: {  	[sflag:s14] =	ssyncadd.s32 $0xFFFFF8D0;
	s26 =	rddreg [dreg:$0x8]  }
.LBB2_9:
0x14d: {  	[tilespmem:s3], [sflag:$0x5] =	stream.linear.gather [hbm4b:s25+s3], $0x230, $0x38;
	[tilespmem:$0x1FCC0] =	vst v63  }
0x14e: {  	_ =	swait.ge [sflag:s14], $0x230  }
0x14f: {  	[sflag:s14] =	ssyncset.done $0x0  }
0x150: {  	s26 =	sadd.s32 $0x0, s10;
	[sflag:s14] =	ssyncadd.s32 $0xFFFFFDD0  }
0x151: {  	[tilespmem:s15], [sflag:$0x5] =	stream.linear.gather [hbm4b:s26+s3], $0x230, $0x38;
	[tilespmem:$0x1FCC0] =	vst v63  }
0x152: {  	_ =	swait.ge [sflag:s14], $0x230  }
0x153: {  	[sflag:s14] =	ssyncset.done $0x0  }
0x154: {  	[sflag:s14] =	ssyncadd.s32 $0xFFFFFDD0  }
0x155: {  	[tilespmem:s13], [sflag:$0x1] =	stream.indirect.gather [hbm4b:s5+s16], $0x28, s15, s16, $0xb8;
	[tilespmem:$0x1FCC0] =	vst v63  }
0x156: {  	s29 =	simm.s32 $0x268  }
0x157: {  	[tilespmem:s18], [sflag:$0x2] =	stream.indirect.gather [hbm4b:s5+s16], $0x28, s29, s16, $0xb8;
	[tilespmem:$0x1FCC0] =	vst v63  }
0x158: {  	_ =	swait.ge [sflag:s19], $0x7D0  }
0x159: {  	[sflag:s19] =	ssyncset.done $0x0  }
0x15a: {  	[sflag:s19] =	ssyncadd.s32 $0xFFFFF830  }
0x15b: {  	[spmem:s1] =	stream.indirect.scatter.add.f32 [tilespmem:s13], [sflag:$0x3], $0x28, s3, s16, $0xb8;
	[tilespmem:$0x1FCC0] =	vst v63  }
0x15c: {  	_ =	swait.ge [sflag:s20], $0x7D0  }
0x15d: {  	[sflag:s20] =	ssyncset.done $0x0  }
0x15e: {  	s30 =	simm.s32 $0x2A0;
	[sflag:s20] =	ssyncadd.s32 $0xFFFFF830  }
0x15f: {  	[tilespmem:s13], [sflag:$0x1] =	stream.indirect.gather [hbm4b:s5+s16], $0x28, s30, s16, $0xb8;
	[tilespmem:$0x1FCC0] =	vst v63  }
0x160: {  	_ =	swait.ge [sflag:s22], $0x7D0  }
0x161: {  	[sflag:s22] =	ssyncset.done $0x0  }
0x162: {  	[sflag:s22] =	ssyncadd.s32 $0xFFFFF830  }
0x163: {  	[spmem:s1] =	stream.indirect.scatter.add.f32 [tilespmem:s18], [sflag:$0x4], $0x28, s28, s16, $0xb8;
	[tilespmem:$0x1FCC0] =	vst v63  }
0x164: {  	_ =	swait.ge [sflag:s24], $0x7D0  }
0x165: {  	[sflag:s24] =	ssyncset.done $0x0  }
0x166: {  	[sflag:s24] =	ssyncadd.s32 $0xFFFFF830  }
0x167: {  	[tilespmem:s18], [sflag:$0x2] =	stream.indirect.gather [hbm4b:s5+s16], $0x28, s0, s16, $0xb8;
	[tilespmem:$0x1FCC0] =	vst v63  }
0x168: {  	_ =	swait.ge [sflag:s19], $0x7D0  }
0x169: {  	[sflag:s19] =	ssyncset.done $0x0  }
0x16a: {  	[sflag:s19] =	ssyncadd.s32 $0xFFFFF830  }
0x16b: {  	[spmem:s1] =	stream.indirect.scatter.add.f32 [tilespmem:s13], [sflag:$0x3], $0x28, s2, s16, $0xb8;
	[tilespmem:$0x1FCC0] =	vst v63  }
0x16c: {  	_ =	swait.ge [sflag:s20], $0x7D0  }
0x16d: {  	[sflag:s20] =	ssyncset.done $0x0  }
0x16e: {  	[sflag:s20] =	ssyncadd.s32 $0xFFFFF830  }
0x16f: {  	[tilespmem:s13], [sflag:$0x1] =	stream.indirect.gather [hbm4b:s5+s16], $0x28, s6, s16, $0xb8;
	[tilespmem:$0x1FCC0] =	vst v63  }
0x170: {  	_ =	swait.ge [sflag:s22], $0x7D0  }
0x171: {  	[sflag:s22] =	ssyncset.done $0x0  }
0x172: {  	[sflag:s22] =	ssyncadd.s32 $0xFFFFF830  }
0x173: {  	[spmem:s1] =	stream.indirect.scatter.add.f32 [tilespmem:s18], [sflag:$0x4], $0x28, s7, s16, $0xb8;
	[tilespmem:$0x1FCC0] =	vst v63  }
0x174: {  	_ =	swait.ge [sflag:s24], $0x7D0  }
0x175: {  	[sflag:s24] =	ssyncset.done $0x0  }
0x176: {  	[sflag:s24] =	ssyncadd.s32 $0xFFFFF830  }
0x177: {  	[tilespmem:s18], [sflag:$0x2] =	stream.indirect.gather [hbm4b:s5+s16], $0x28, s11, s16, $0xb8;
	[tilespmem:$0x1FCC0] =	vst v63  }
0x178: {  	_ =	swait.ge [sflag:s19], $0x7D0  }
0x179: {  	[sflag:s19] =	ssyncset.done $0x0  }
0x17a: {  	[sflag:s19] =	ssyncadd.s32 $0xFFFFF830  }
0x17b: {  	[spmem:s1] =	stream.indirect.scatter.add.f32 [tilespmem:s13], [sflag:$0x3], $0x28, s12, s16, $0xb8;
	[tilespmem:$0x1FCC0] =	vst v63  }
0x17c: {  	_ =	swait.ge [sflag:s20], $0x7D0  }
0x17d: {  	[sflag:s20] =	ssyncset.done $0x0  }
0x17e: {  	[sflag:s20] =	ssyncadd.s32 $0xFFFFF830  }
0x17f: {  	[tilespmem:s13], [sflag:$0x1] =	stream.indirect.gather [hbm4b:s5+s16], $0x28, s17, s16, $0xb8;
	[tilespmem:$0x1FCC0] =	vst v63  }
0x180: {  	_ =	swait.ge [sflag:s22], $0x7D0  }
0x181: {  	[sflag:s22] =	ssyncset.done $0x0  }
0x182: {  	[sflag:s22] =	ssyncadd.s32 $0xFFFFF830  }
0x183: {  	[spmem:s1] =	stream.indirect.scatter.add.f32 [tilespmem:s18], [sflag:$0x4], $0x28, s21, s16, $0xb8;
	[tilespmem:$0x1FCC0] =	vst v63  }
0x184: {  	_ =	swait.ge [sflag:s24], $0x7D0  }
0x185: {  	[sflag:s24] =	ssyncset.done $0x0  }
0x186: {  	[sflag:s24] =	ssyncadd.s32 $0xFFFFF830  }
0x187: {  	[tilespmem:s18], [sflag:$0x2] =	stream.indirect.gather [hbm4b:s5+s16], $0x28, s23, s16, $0xb8;
	[tilespmem:$0x1FCC0] =	vst v63  }
0x188: {  	_ =	swait.ge [sflag:s19], $0x7D0  }
0x189: {  	[sflag:s19] =	ssyncset.done $0x0  }
0x18a: {  	[sflag:s19] =	ssyncadd.s32 $0xFFFFF830  }
0x18b: {  	[spmem:s1] =	stream.indirect.scatter.add.f32 [tilespmem:s13], [sflag:$0x3], $0x28, s31, s16, $0xb8;
	[tilespmem:$0x1FCC0] =	vst v63  }
0x18c: {  	_ =	swait.ge [sflag:s20], $0x7D0  }
0x18d: {  	[sflag:s20] =	ssyncset.done $0x0  }
0x18e: {  	s23 =	simm.s32 $0x3F0;
	[sflag:s20] =	ssyncadd.s32 $0xFFFFF830  }
0x18f: {  	[tilespmem:s13], [sflag:$0x1] =	stream.indirect.gather [hbm4b:s5+s16], $0x28, s23, s16, $0xb8;
	[tilespmem:$0x1FCC0] =	vst v63  }
0x190: {  	_ =	swait.ge [sflag:s22], $0x7D0  }
0x191: {  	[sflag:s22] =	ssyncset.done $0x0  }
0x192: {  	s25 =	simm.s32 $0x188;
	[sflag:s22] =	ssyncadd.s32 $0xFFFFF830  }
0x193: {  	[spmem:s1] =	stream.indirect.scatter.add.f32 [tilespmem:s18], [sflag:$0x4], $0x28, s25, s16, $0xb8;
	[tilespmem:$0x1FCC0] =	vst v63  }
0x194: {  	_ =	swait.ge [sflag:s24], $0x7D0  }
0x195: {  	[sflag:s24] =	ssyncset.done $0x0  }
0x196: {  	s26 =	simm.s32 $0x428;
	[sflag:s24] =	ssyncadd.s32 $0xFFFFF830  }
0x197: {  	[tilespmem:s18], [sflag:$0x2] =	stream.indirect.gather [hbm4b:s5+s16], $0x28, s26, s16, $0xb8;
	[tilespmem:$0x1FCC0] =	vst v63  }
0x198: {  	_ =	swait.ge [sflag:s19], $0x7D0  }
0x199: {  	[sflag:s19] =	ssyncset.done $0x0  }
0x19a: {  	s29 =	simm.s32 $0x1C0;
	[sflag:s19] =	ssyncadd.s32 $0xFFFFF830  }
0x19b: {  	[spmem:s1] =	stream.indirect.scatter.add.f32 [tilespmem:s13], [sflag:$0x3], $0x28, s29, s16, $0xb8;
	[tilespmem:$0x1FCC0] =	vst v63  }
0x19c: {  	_ =	swait.ge [sflag:s22], $0x7D0  }
0x19d: {  	s30 =	simm.s32 $0x1F8;
	[sflag:s22] =	ssyncset.done $0x0  }
0x19e: {  	s28 =	simm.s32 $0x8C;
	s0 =	simm.s32 $0x2D8;
	[sflag:s22] =	ssyncadd.s32 $0xFFFFF830  }
0x19f: {  	[spmem:s1] =	stream.indirect.scatter.add.f32 [tilespmem:s18], [sflag:$0x4], $0x28, s30, s16, $0xb8;
	[tilespmem:$0x1FCC0] =	vst v63  }
0x1a0: {  	s2 =	simm.s32 $0x70;
	s6 =	simm.s32 $0x310;
	_ =	swait.ge [sflag:s20], $0x7D0  }
0x1a1: {  	s7 =	simm.s32 $0xA8;
	s11 =	simm.s32 $0x348;
	[sflag:s20] =	ssyncset.done $0x0  }
0x1a2: {  	s12 =	simm.s32 $0xE0;
	s17 =	simm.s32 $0x380;
	[sflag:s20] =	ssyncadd.s32 $0xFFFFF830  }
0x1a3: {  	s21 =	simm.s32 $0x118;
	s31 =	simm.s32 $0x38;
	_ =	swait.ge [sflag:s24], $0x7D0  }
0x1a4: {  	s23 =	simm.s32 $0x3B8;
	s25 =	simm.s32 $0x46;
	[sflag:s24] =	ssyncset.done $0x0  }
.LBB2_10:
0x1a5: {  	s29 =	sadd.s32 s25, s9  }
0x1a6: {  	[sflag:s24] =	ssyncadd.s32 $0xFFFFF830;
	s30 =	smov.u32 s28;
	s26 =	sadd.s32 $0x46, s28  }
0x1a7: {  	[tilespmem:s3], [sflag:$0x5] =	stream.linear.gather [hbm4b:s29+s3], $0x230, $0x38;
	[tilespmem:$0x1FCC0] =	vst v63  }
0x1a8: {  	s29 =	simm.s32 $0x268  }
0x1a9: {  	p1 =	seq.s32 s28, $0x1B12;
	_ =	swait.ge [sflag:s14], $0x230  }
0x1aa: {  	s28 =	sadd.s32 s25, s10;
	[sflag:s14] =	ssyncset.done $0x0  }
0x1ab: {  	s25 =	smov.u32 s30;
	s30 =	simm.s32 $0x2A0;
	[sflag:s14] =	ssyncadd.s32 $0xFFFFFDD0  }
0x1ac: {  	[tilespmem:s15], [sflag:$0x5] =	stream.linear.gather [hbm4b:s28+s3], $0x230, $0x38;
	[tilespmem:$0x1FCC0] =	vst v63  }
0x1ad: {  	_ =	swait.ge [sflag:s14], $0x230  }
0x1ae: {  	[sflag:s14] =	ssyncset.done $0x0  }
0x1af: {  	[sflag:s14] =	ssyncadd.s32 $0xFFFFFDD0  }
0x1b0: {  	[tilespmem:s13], [sflag:$0x1] =	stream.indirect.gather [hbm4b:s5+s16], $0x28, s15, s16, $0xb8;
	[tilespmem:$0x1FCC0] =	vst v63  }
0x1b1: {  	_ = 	snop  }
0x1b2: {  	[tilespmem:s18], [sflag:$0x2] =	stream.indirect.gather [hbm4b:s5+s16], $0x28, s29, s16, $0xb8;
	[tilespmem:$0x1FCC0] =	vst v63  }
0x1b3: {  	_ =	swait.ge [sflag:s19], $0x7D0  }
0x1b4: {  	[sflag:s19] =	ssyncset.done $0x0  }
0x1b5: {  	[sflag:s19] =	ssyncadd.s32 $0xFFFFF830  }
0x1b6: {  	[spmem:s1] =	stream.indirect.scatter.add.f32 [tilespmem:s13], [sflag:$0x3], $0x28, s3, s16, $0xb8;
	[tilespmem:$0x1FCC0] =	vst v63  }
0x1b7: {  	_ =	swait.ge [sflag:s20], $0x7D0  }
0x1b8: {  	[sflag:s20] =	ssyncset.done $0x0  }
0x1b9: {  	[sflag:s20] =	ssyncadd.s32 $0xFFFFF830  }
0x1ba: {  	[tilespmem:s13], [sflag:$0x1] =	stream.indirect.gather [hbm4b:s5+s16], $0x28, s30, s16, $0xb8;
	[tilespmem:$0x1FCC0] =	vst v63  }
0x1bb: {  	_ =	swait.ge [sflag:s22], $0x7D0  }
0x1bc: {  	[sflag:s22] =	ssyncset.done $0x0  }
0x1bd: {  	[sflag:s22] =	ssyncadd.s32 $0xFFFFF830  }
0x1be: {  	[spmem:s1] =	stream.indirect.scatter.add.f32 [tilespmem:s18], [sflag:$0x4], $0x28, s31, s16, $0xb8;
	[tilespmem:$0x1FCC0] =	vst v63  }
0x1bf: {  	_ =	swait.ge [sflag:s24], $0x7D0  }
0x1c0: {  	[sflag:s24] =	ssyncset.done $0x0  }
0x1c1: {  	[sflag:s24] =	ssyncadd.s32 $0xFFFFF830  }
0x1c2: {  	[tilespmem:s18], [sflag:$0x2] =	stream.indirect.gather [hbm4b:s5+s16], $0x28, s0, s16, $0xb8;
	[tilespmem:$0x1FCC0] =	vst v63  }
0x1c3: {  	_ =	swait.ge [sflag:s19], $0x7D0  }
0x1c4: {  	[sflag:s19] =	ssyncset.done $0x0  }
0x1c5: {  	[sflag:s19] =	ssyncadd.s32 $0xFFFFF830  }
0x1c6: {  	[spmem:s1] =	stream.indirect.scatter.add.f32 [tilespmem:s13], [sflag:$0x3], $0x28, s2, s16, $0xb8;
	[tilespmem:$0x1FCC0] =	vst v63  }
0x1c7: {  	_ =	swait.ge [sflag:s20], $0x7D0  }
0x1c8: {  	[sflag:s20] =	ssyncset.done $0x0  }
0x1c9: {  	[sflag:s20] =	ssyncadd.s32 $0xFFFFF830  }
0x1ca: {  	[tilespmem:s13], [sflag:$0x1] =	stream.indirect.gather [hbm4b:s5+s16], $0x28, s6, s16, $0xb8;
	[tilespmem:$0x1FCC0] =	vst v63  }
0x1cb: {  	_ =	swait.ge [sflag:s22], $0x7D0  }
0x1cc: {  	[sflag:s22] =	ssyncset.done $0x0  }
0x1cd: {  	[sflag:s22] =	ssyncadd.s32 $0xFFFFF830  }
0x1ce: {  	[spmem:s1] =	stream.indirect.scatter.add.f32 [tilespmem:s18], [sflag:$0x4], $0x28, s7, s16, $0xb8;
	[tilespmem:$0x1FCC0] =	vst v63  }
0x1cf: {  	_ =	swait.ge [sflag:s24], $0x7D0  }
0x1d0: {  	[sflag:s24] =	ssyncset.done $0x0  }
0x1d1: {  	[sflag:s24] =	ssyncadd.s32 $0xFFFFF830  }
0x1d2: {  	[tilespmem:s18], [sflag:$0x2] =	stream.indirect.gather [hbm4b:s5+s16], $0x28, s11, s16, $0xb8;
	[tilespmem:$0x1FCC0] =	vst v63  }
0x1d3: {  	_ =	swait.ge [sflag:s19], $0x7D0  }
0x1d4: {  	[sflag:s19] =	ssyncset.done $0x0  }
0x1d5: {  	[sflag:s19] =	ssyncadd.s32 $0xFFFFF830  }
0x1d6: {  	[spmem:s1] =	stream.indirect.scatter.add.f32 [tilespmem:s13], [sflag:$0x3], $0x28, s12, s16, $0xb8;
	[tilespmem:$0x1FCC0] =	vst v63  }
0x1d7: {  	_ =	swait.ge [sflag:s20], $0x7D0  }
0x1d8: {  	[sflag:s20] =	ssyncset.done $0x0  }
0x1d9: {  	[sflag:s20] =	ssyncadd.s32 $0xFFFFF830  }
0x1da: {  	[tilespmem:s13], [sflag:$0x1] =	stream.indirect.gather [hbm4b:s5+s16], $0x28, s17, s16, $0xb8;
	[tilespmem:$0x1FCC0] =	vst v63  }
0x1db: {  	_ =	swait.ge [sflag:s22], $0x7D0  }
0x1dc: {  	[sflag:s22] =	ssyncset.done $0x0  }
0x1dd: {  	[sflag:s22] =	ssyncadd.s32 $0xFFFFF830  }
0x1de: {  	[spmem:s1] =	stream.indirect.scatter.add.f32 [tilespmem:s18], [sflag:$0x4], $0x28, s21, s16, $0xb8;
	[tilespmem:$0x1FCC0] =	vst v63  }
0x1df: {  	_ =	swait.ge [sflag:s24], $0x7D0  }
0x1e0: {  	[sflag:s24] =	ssyncset.done $0x0  }
0x1e1: {  	[sflag:s24] =	ssyncadd.s32 $0xFFFFF830  }
0x1e2: {  	[tilespmem:s18], [sflag:$0x2] =	stream.indirect.gather [hbm4b:s5+s16], $0x28, s23, s16, $0xb8;
	[tilespmem:$0x1FCC0] =	vst v63  }
0x1e3: {  	_ =	swait.ge [sflag:s19], $0x7D0  }
0x1e4: {  	[sflag:s19] =	ssyncset.done $0x0  }
0x1e5: {  	s28 =	simm.s32 $0x150;
	[sflag:s19] =	ssyncadd.s32 $0xFFFFF830  }
0x1e6: {  	[spmem:s1] =	stream.indirect.scatter.add.f32 [tilespmem:s13], [sflag:$0x3], $0x28, s28, s16, $0xb8;
	[tilespmem:$0x1FCC0] =	vst v63  }
0x1e7: {  	_ =	swait.ge [sflag:s20], $0x7D0  }
0x1e8: {  	[sflag:s20] =	ssyncset.done $0x0  }
0x1e9: {  	s28 =	simm.s32 $0x3F0;
	[sflag:s20] =	ssyncadd.s32 $0xFFFFF830  }
0x1ea: {  	[tilespmem:s13], [sflag:$0x1] =	stream.indirect.gather [hbm4b:s5+s16], $0x28, s28, s16, $0xb8;
	[tilespmem:$0x1FCC0] =	vst v63  }
0x1eb: {  	_ =	swait.ge [sflag:s22], $0x7D0  }
0x1ec: {  	[sflag:s22] =	ssyncset.done $0x0  }
0x1ed: {  	s28 =	simm.s32 $0x188;
	[sflag:s22] =	ssyncadd.s32 $0xFFFFF830  }
0x1ee: {  	[spmem:s1] =	stream.indirect.scatter.add.f32 [tilespmem:s18], [sflag:$0x4], $0x28, s28, s16, $0xb8;
	[tilespmem:$0x1FCC0] =	vst v63  }
0x1ef: {  	_ =	swait.ge [sflag:s24], $0x7D0  }
0x1f0: {  	[sflag:s24] =	ssyncset.done $0x0  }
0x1f1: {  	s28 =	simm.s32 $0x428;
	[sflag:s24] =	ssyncadd.s32 $0xFFFFF830  }
0x1f2: {  	[tilespmem:s18], [sflag:$0x2] =	stream.indirect.gather [hbm4b:s5+s16], $0x28, s28, s16, $0xb8;
	[tilespmem:$0x1FCC0] =	vst v63  }
0x1f3: {  	_ =	swait.ge [sflag:s19], $0x7D0  }
0x1f4: {  	[sflag:s19] =	ssyncset.done $0x0  }
0x1f5: {  	s28 =	simm.s32 $0x1C0;
	[sflag:s19] =	ssyncadd.s32 $0xFFFFF830  }
0x1f6: {  	[spmem:s1] =	stream.indirect.scatter.add.f32 [tilespmem:s13], [sflag:$0x3], $0x28, s28, s16, $0xb8;
	[tilespmem:$0x1FCC0] =	vst v63  }
0x1f7: {  	_ =	swait.ge [sflag:s22], $0x7D0  }
0x1f8: {  	[sflag:s22] =	ssyncset.done $0x0  }
0x1f9: {  	s28 =	simm.s32 $0x1F8;
	[sflag:s22] =	ssyncadd.s32 $0xFFFFF830  }
0x1fa: {  	[spmem:s1] =	stream.indirect.scatter.add.f32 [tilespmem:s18], [sflag:$0x4], $0x28, s28, s16, $0xb8;
	[tilespmem:$0x1FCC0] =	vst v63  }
.Ltmp7:
0x1fb: {  	_ =	swait.ge [sflag:s20], $0x7D0;
	(pc) =	sbr.rel @!p1 .LBB2_10-.Ltmp7, $4  }
0x1fc: {  	[sflag:s20] =	ssyncset.done $0x0  }
0x1fd: {  	[sflag:s20] =	ssyncadd.s32 $0xFFFFF830  }
0x1fe: {  	_ =	swait.ge [sflag:s24], $0x7D0  }
0x1ff: {  	s28 =	smov.u32 s26;
	[sflag:s24] =	ssyncset.done $0x0  }
0x200: {  	s26 =	sadd.s32 s25, s9;
	[sflag:s24] =	ssyncadd.s32 $0xFFFFF830  }
0x201: {  	[tilespmem:s3], [sflag:$0x5] =	stream.linear.gather [hbm4b:s26+s3], $0x230, $0x38;
	[tilespmem:$0x1FCC0] =	vst v63  }
0x202: {  	_ =	swait.ge [sflag:s14], $0x230  }
0x203: {  	[sflag:s14] =	ssyncset.done $0x0  }
0x204: {  	s28 =	sadd.s32 s25, s10;
	[sflag:s14] =	ssyncadd.s32 $0xFFFFFDD0  }
0x205: {  	[tilespmem:s15], [sflag:$0x5] =	stream.linear.gather [hbm4b:s28+s3], $0x230, $0x38;
	[tilespmem:$0x1FCC0] =	vst v63  }
0x206: {  	_ =	swait.ge [sflag:s14], $0x230  }
0x207: {  	[sflag:s14] =	ssyncset.done $0x0  }
0x208: {  	[sflag:s14] =	ssyncadd.s32 $0xFFFFFDD0  }
0x209: {  	[tilespmem:s13], [sflag:$0x1] =	stream.indirect.gather [hbm4b:s5+s16], $0x28, s15, s16, $0xb8;
	[tilespmem:$0x1FCC0] =	vst v63  }
0x20a: {  	_ = 	snop  }
0x20b: {  	[tilespmem:s18], [sflag:$0x2] =	stream.indirect.gather [hbm4b:s5+s16], $0x28, s29, s16, $0xb8;
	[tilespmem:$0x1FCC0] =	vst v63  }
0x20c: {  	_ =	swait.ge [sflag:s19], $0x7D0  }
0x20d: {  	[sflag:s19] =	ssyncset.done $0x0  }
0x20e: {  	[sflag:s19] =	ssyncadd.s32 $0xFFFFF830  }
0x20f: {  	[spmem:s1] =	stream.indirect.scatter.add.f32 [tilespmem:s13], [sflag:$0x3], $0x28, s3, s16, $0xb8;
	[tilespmem:$0x1FCC0] =	vst v63  }
0x210: {  	_ =	swait.ge [sflag:s20], $0x7D0  }
0x211: {  	[sflag:s20] =	ssyncset.done $0x0  }
0x212: {  	[sflag:s20] =	ssyncadd.s32 $0xFFFFF830  }
0x213: {  	[tilespmem:s13], [sflag:$0x1] =	stream.indirect.gather [hbm4b:s5+s16], $0x28, s30, s16, $0xb8;
	[tilespmem:$0x1FCC0] =	vst v63  }
0x214: {  	_ =	swait.ge [sflag:s22], $0x7D0  }
0x215: {  	[sflag:s22] =	ssyncset.done $0x0  }
0x216: {  	[sflag:s22] =	ssyncadd.s32 $0xFFFFF830  }
0x217: {  	[spmem:s1] =	stream.indirect.scatter.add.f32 [tilespmem:s18], [sflag:$0x4], $0x28, s31, s16, $0xb8;
	[tilespmem:$0x1FCC0] =	vst v63  }
0x218: {  	_ =	swait.ge [sflag:s24], $0x7D0  }
0x219: {  	[sflag:s24] =	ssyncset.done $0x0  }
0x21a: {  	[sflag:s24] =	ssyncadd.s32 $0xFFFFF830  }
0x21b: {  	[tilespmem:s18], [sflag:$0x2] =	stream.indirect.gather [hbm4b:s5+s16], $0x28, s0, s16, $0xb8;
	[tilespmem:$0x1FCC0] =	vst v63  }
0x21c: {  	_ =	swait.ge [sflag:s19], $0x7D0  }
0x21d: {  	[sflag:s19] =	ssyncset.done $0x0  }
0x21e: {  	[sflag:s19] =	ssyncadd.s32 $0xFFFFF830  }
0x21f: {  	[spmem:s1] =	stream.indirect.scatter.add.f32 [tilespmem:s13], [sflag:$0x3], $0x28, s2, s16, $0xb8;
	[tilespmem:$0x1FCC0] =	vst v63  }
0x220: {  	_ =	swait.ge [sflag:s20], $0x7D0  }
0x221: {  	[sflag:s20] =	ssyncset.done $0x0  }
0x222: {  	[sflag:s20] =	ssyncadd.s32 $0xFFFFF830  }
0x223: {  	[tilespmem:s13], [sflag:$0x1] =	stream.indirect.gather [hbm4b:s5+s16], $0x28, s6, s16, $0xb8;
	[tilespmem:$0x1FCC0] =	vst v63  }
0x224: {  	_ =	swait.ge [sflag:s22], $0x7D0  }
0x225: {  	[sflag:s22] =	ssyncset.done $0x0  }
0x226: {  	[sflag:s22] =	ssyncadd.s32 $0xFFFFF830  }
0x227: {  	[spmem:s1] =	stream.indirect.scatter.add.f32 [tilespmem:s18], [sflag:$0x4], $0x28, s7, s16, $0xb8;
	[tilespmem:$0x1FCC0] =	vst v63  }
0x228: {  	_ =	swait.ge [sflag:s24], $0x7D0  }
0x229: {  	[sflag:s24] =	ssyncset.done $0x0  }
0x22a: {  	[sflag:s24] =	ssyncadd.s32 $0xFFFFF830  }
0x22b: {  	[tilespmem:s18], [sflag:$0x2] =	stream.indirect.gather [hbm4b:s5+s16], $0x28, s11, s16, $0xb8;
	[tilespmem:$0x1FCC0] =	vst v63  }
0x22c: {  	_ =	swait.ge [sflag:s19], $0x7D0  }
0x22d: {  	[sflag:s19] =	ssyncset.done $0x0  }
0x22e: {  	[sflag:s19] =	ssyncadd.s32 $0xFFFFF830  }
0x22f: {  	[spmem:s1] =	stream.indirect.scatter.add.f32 [tilespmem:s13], [sflag:$0x3], $0x28, s12, s16, $0xb8;
	[tilespmem:$0x1FCC0] =	vst v63  }
0x230: {  	_ =	swait.ge [sflag:s20], $0x7D0  }
0x231: {  	[sflag:s20] =	ssyncset.done $0x0  }
0x232: {  	[sflag:s20] =	ssyncadd.s32 $0xFFFFF830  }
0x233: {  	[tilespmem:s13], [sflag:$0x1] =	stream.indirect.gather [hbm4b:s5+s16], $0x28, s17, s16, $0xb8;
	[tilespmem:$0x1FCC0] =	vst v63  }
0x234: {  	_ =	swait.ge [sflag:s22], $0x7D0  }
0x235: {  	[sflag:s22] =	ssyncset.done $0x0  }
0x236: {  	[sflag:s22] =	ssyncadd.s32 $0xFFFFF830  }
0x237: {  	[spmem:s1] =	stream.indirect.scatter.add.f32 [tilespmem:s18], [sflag:$0x4], $0x28, s21, s16, $0xb8;
	[tilespmem:$0x1FCC0] =	vst v63  }
0x238: {  	_ =	swait.ge [sflag:s24], $0x7D0  }
0x239: {  	[sflag:s24] =	ssyncset.done $0x0  }
0x23a: {  	[sflag:s24] =	ssyncadd.s32 $0xFFFFF830  }
0x23b: {  	[tilespmem:s18], [sflag:$0x2] =	stream.indirect.gather [hbm4b:s5+s16], $0x28, s23, s16, $0xb8;
	[tilespmem:$0x1FCC0] =	vst v63  }
0x23c: {  	_ =	swait.ge [sflag:s19], $0x7D0  }
0x23d: {  	[sflag:s19] =	ssyncset.done $0x0  }
0x23e: {  	s17 =	simm.s32 $0x150;
	[sflag:s19] =	ssyncadd.s32 $0xFFFFF830  }
0x23f: {  	[spmem:s1] =	stream.indirect.scatter.add.f32 [tilespmem:s13], [sflag:$0x3], $0x28, s17, s16, $0xb8;
	[tilespmem:$0x1FCC0] =	vst v63  }
0x240: {  	_ =	swait.ge [sflag:s20], $0x7D0  }
0x241: {  	[sflag:s20] =	ssyncset.done $0x0  }
0x242: {  	s21 =	simm.s32 $0x3F0;
	[sflag:s20] =	ssyncadd.s32 $0xFFFFF830  }
0x243: {  	[tilespmem:s13], [sflag:$0x1] =	stream.indirect.gather [hbm4b:s5+s16], $0x28, s21, s16, $0xb8;
	[tilespmem:$0x1FCC0] =	vst v63  }
0x244: {  	_ =	swait.ge [sflag:s22], $0x7D0  }
0x245: {  	[sflag:s22] =	ssyncset.done $0x0  }
0x246: {  	s23 =	simm.s32 $0x188;
	[sflag:s22] =	ssyncadd.s32 $0xFFFFF830  }
0x247: {  	[spmem:s1] =	stream.indirect.scatter.add.f32 [tilespmem:s18], [sflag:$0x4], $0x28, s23, s16, $0xb8;
	[tilespmem:$0x1FCC0] =	vst v63  }
0x248: {  	_ =	swait.ge [sflag:s24], $0x7D0  }
0x249: {  	[sflag:s24] =	ssyncset.done $0x0  }
0x24a: {  	s25 =	simm.s32 $0x428;
	[sflag:s24] =	ssyncadd.s32 $0xFFFFF830  }
0x24b: {  	[tilespmem:s18], [sflag:$0x2] =	stream.indirect.gather [hbm4b:s5+s16], $0x28, s25, s16, $0xb8;
	[tilespmem:$0x1FCC0] =	vst v63  }
0x24c: {  	_ =	swait.ge [sflag:s19], $0x7D0  }
0x24d: {  	[sflag:s19] =	ssyncset.done $0x0  }
0x24e: {  	s26 =	simm.s32 $0x1C0;
	[sflag:s19] =	ssyncadd.s32 $0xFFFFF830  }
0x24f: {  	[spmem:s1] =	stream.indirect.scatter.add.f32 [tilespmem:s13], [sflag:$0x3], $0x28, s26, s16, $0xb8;
	[tilespmem:$0x1FCC0] =	vst v63  }
0x250: {  	_ =	swait.ge [sflag:s22], $0x7D0  }
0x251: {  	[sflag:s22] =	ssyncset.done $0x0  }
0x252: {  	s28 =	simm.s32 $0x1F8;
	[sflag:s22] =	ssyncadd.s32 $0xFFFFF830  }
0x253: {  	[spmem:s1] =	stream.indirect.scatter.add.f32 [tilespmem:s18], [sflag:$0x4], $0x28, s28, s16, $0xb8;
	[tilespmem:$0x1FCC0] =	vst v63  }
0x254: {  	_ =	swait.ge [sflag:s20], $0x7D0  }
0x255: {  	[sflag:s20] =	ssyncset.done $0x0  }
0x256: {  	[sflag:s20] =	ssyncadd.s32 $0xFFFFF830  }
0x257: {  	_ =	swait.ge [sflag:s24], $0x7D0  }
0x258: {  	[sflag:s24] =	ssyncset.done $0x0  }
0x259: {  	s31 =	simm.s32 $0x150;
	s0 =	simm.s32 $0x2D8;
	[sflag:s24] =	ssyncadd.s32 $0xFFFFF830  }
0x25a: {  	s2 =	simm.s32 $0x70;
	s6 =	simm.s32 $0x310;
	[bflag:$0x0] =	sbarrier.arrive $0xFFFF  }
0x25b: {  	[tilespmem:s13], [sflag:$0x5] =	stream.linear.gather [spmem:s8], $0x730, $0x38;
	[tilespmem:$0x1FCC0] =	vst v63  }
0x25c: {  	s7 =	simm.s32 $0xA8;
	s11 =	simm.s32 $0x348;
	_ =	swait.ge [sflag:s14], $0x730  }
0x25d: {  	s12 =	simm.s32 $0xE0;
	[sflag:s14] =	ssyncset.done $0x0;
	s29 =	rddreg [dreg:$0x6]  }
0x25e: {  	s17 =	simm.s32 $0x380;
	[sflag:s14] =	ssyncadd.s32 $0xFFFFF8D0;
	s30 =	sadd.s32 $0x0, s29  }
0x25f: {  	[hbm4b:s30+s3] =	stream.linear.scatter [tilespmem:s13], [sflag:$0x5], $0x730, $0x38;
	[tilespmem:$0x1FCC0] =	vst v63  }
0x260: {  	s21 =	simm.s32 $0x118;
	s23 =	simm.s32 $0x3B8;
	_ =	swait.ge [sflag:s14], $0x730  }
0x261: {  	s25 =	simm.s32 $0xE6;
	s26 =	smov.u32 s8;
	[sflag:s14] =	ssyncset.done $0x0  }
.LBB2_12:
0x262: {  	p1 =	sne.s32 s25, $0x3C32;
	[sflag:s14] =	ssyncadd.s32 $0xFFFFF8D0;
	s26 =	sadd.s32 $0x730, s26  }
0x263: {  	[tilespmem:s13], [sflag:$0x5] =	stream.linear.gather [spmem:s26], $0x730, $0x38;
	[tilespmem:$0x1FCC0] =	vst v63  }
0x264: {  	s28 =	smov.u32 s25;
	s25 =	sadd.s32 $0xE6, s25;
	_ =	swait.ge [sflag:s14], $0x730  }
.Ltmp8:
0x265: {  	[sflag:s14] =	ssyncset.done $0x0;
	(pc) =	sbr.rel @p1 .LBB2_12-.Ltmp8, $4  }
0x266: {  	s28 =	sadd.s32 s28, s29;
	[sflag:s14] =	ssyncadd.s32 $0xFFFFF8D0  }
0x267: {  	[hbm4b:s28+s3] =	stream.linear.scatter [tilespmem:s13], [sflag:$0x5], $0x730, $0x38;
	[tilespmem:$0x1FCC0] =	vst v63  }
0x268: {  	_ =	swait.ge [sflag:s14], $0x730  }
0x269: {  	[sflag:s14] =	ssyncset.done $0x0  }
.Ltmp9:
0x26a: {  	_ = 	snop;
	(pc) =	sbr.rel .LBB2_13-.Ltmp9, $1  }
0x26b: {  	_ =	sdelay $0x3  }
.LBB2_15:
0x26c: {  	_ =	sfence.sel $0x180000  }
0x26d: {  	[bflag:$0x0] =	sbarrier.arrive $0xFFFF  }
0x26e: {  	_ =	strace $0x9000004A  }
0x26f: {  	s0 =	stileid.u32;
	[bflag:$0x2] =	sbarrier.arrive $0xFFFF  }
0x270: {  	p0 =	sne.s32 s0, $0x0;
	s0 =	rddreg [dreg:$0x3]  }
0x271: {  	s0 =	sadd.s32 @!p0 $0x100000, s0  }
0x272: {  	[sflag:s0] =	ssyncadd.tile.s32 @!p0 $0x1;
	_ =	shalt  }
.Lfunc_end2:
_tile_overlayer_lowered:
.L_overlay_start_2:
0x273: {  	(tag) =	ssettag $0x2  }
0x274: {  	s0 =	rddreg [dreg:$0x0];
	s2 =	stileid.u32  }
0x275: {  	s1 =	rddreg [dreg:$0x1];
	p0 =	sne.s32 s2, $0x0  }
0x276: {  	s3 =	rddreg [dreg:$0x2];
	[bflag:$0x3] =	sbarrier.arrive $0xFFFF;
	s2 =	simm.s32 @!p0 $0x1C05  }
0x277: {  	[timem:s3], [sflag:s2] =	dma.local @!p0 [hbm:s0], s1  }
0x278: {  	s0 =	simm.s32 @!p0 $0x5  }
0x279: {  	_ =	swait.ge @!p0 [sflag:s0], s1  }
0x27a: {  	s1 =	ssub.s32 @!p0 $0x0, s1;
	[sflag:s0] =	ssyncset.done @!p0 $0x0  }
0x27b: {  	[sflag:s0] =	ssyncadd.s32 @!p0 s1  }
0x27c: {  	[bflag:$0x3] =	sbarrier.arrive $0xFFFF  }
0x27d: {  	_ =	shalt  }

</sc_bundles>
